<compile_context>
chip_gen: v7x
topology: tpu7x:2x2x1
jax: 0.10.2.dev20260603
libtpu: 0.0.44.dev20260713+nightly
codegen_flags: <defaults>
</compile_context>

<pallas_src>
import jax
import jax.numpy as jnp
from jax import lax
from jax.experimental import pallas as pl
from jax.experimental.pallas import tpu as pltpu
from jax.experimental.pallas import tpu_sc as plsc

F = 26
NV = 100000
B = 16384
NC = 2
NS = 16
NW = NC * NS
BPW = B // NW
CHUNK = BPW * F
SPF = BPW // 16
RG = BPW // 16


def _sc_body(xt_hbm, table_hbm, bias_hbm, out_hbm, x_v, idx_v, g_v, out_v,
             bias_v, sem, gsem):
    c = lax.axis_index("c")
    s = lax.axis_index("s")
    wid = s * NC + c
    base = wid * BPW

    copies = [
        pltpu.make_async_copy(
            xt_hbm.at[pl.ds(f * B + base, BPW)],
            x_v.at[pl.ds(f * BPW, BPW)],
            sem,
        )
        for f in range(F)
    ]
    for cp in copies:
        cp.start()
    pltpu.sync_copy(bias_hbm, bias_v)

    gathers = [
        pltpu.make_async_copy(
            table_hbm.at[idx_v.at[pl.ds(f * BPW, BPW)]],
            g_v.at[pl.ds(f * BPW, BPW)],
            gsem,
        )
        for f in range(F)
    ]
    for f in range(F):
        copies[f].wait()

        def add_off(i, carry, f=f):
            j = f * SPF + i
            idx_v[pl.ds(j * 16, 16)] = x_v[pl.ds(j * 16, 16)] + (f * NV)
            return carry

        lax.fori_loop(0, SPF, add_off, 0)
        gathers[f].start()
    HALF = 13
    for g in gathers[:HALF]:
        g.wait()

    bias16 = bias_v[...]

    def reduce_rows_lo(rg, carry):
        r0 = rg * 16
        acc = g_v[pl.ds(r0, 16)] + bias16
        for f in range(1, HALF):
            acc = acc + g_v[pl.ds(f * BPW + r0, 16)]
        out_v[pl.ds(r0, 16)] = acc
        return carry

    lax.fori_loop(0, RG, reduce_rows_lo, 0)

    for g in gathers[HALF:]:
        g.wait()

    def reduce_rows_hi(rg, carry):
        r0 = rg * 16
        acc = out_v[pl.ds(r0, 16)]
        for f in range(HALF, F):
            acc = acc + g_v[pl.ds(f * BPW + r0, 16)]
        out_v[pl.ds(r0, 16)] = acc
        return carry

    lax.fori_loop(0, RG, reduce_rows_hi, 0)

    pltpu.sync_copy(out_v, out_hbm.at[pl.ds(base, BPW)])


@jax.jit
def kernel(x, table, bias):
    xt = x.T.reshape(-1)
    tf = table.reshape(-1)
    b16 = jnp.broadcast_to(bias, (16,)).astype(jnp.float32)

    mesh = plsc.VectorSubcoreMesh(core_axis_name="c", subcore_axis_name="s")
    run = pl.kernel(
        _sc_body,
        out_type=jax.ShapeDtypeStruct((B,), jnp.float32),
        mesh=mesh,
        scratch_types=[
            pltpu.VMEM((CHUNK,), jnp.int32),
            pltpu.VMEM((CHUNK,), jnp.int32),
            pltpu.VMEM((CHUNK,), jnp.float32),
            pltpu.VMEM((BPW,), jnp.float32),
            pltpu.VMEM((16,), jnp.float32),
            pltpu.SemaphoreType.DMA,
            pltpu.SemaphoreType.DMA,
        ],
    )
    out = run(xt, tf, b16)
    return out.reshape(B, 1)

# --- scband reference (transcript-rebuilt; emitter-appended) ---
"""Pipeline reference for scband-categorical-features-lineal-31971736551860 (READ-ONLY COPY).

The authoritative reference and input builder live on the scoring server;
editing this copy changes nothing except your own understanding.
"""

import jax, jax.numpy as jnp
import numpy as np

FEATURES_N_VALUES = [100000] * 26
N_OUTPUTS = 1
TOTAL_ROWS = int(sum(FEATURES_N_VALUES))
# MultiFeatureEmbedding: one concatenated table, each feature f gets rows
# [offset_f, offset_f + features_n_values[f]); lookup is table[x + offsets].
OFFSETS = np.concatenate([[0], np.cumsum(FEATURES_N_VALUES)[:-1]]).astype(np.int32)


def setup_inputs(seed: int = 0) -> dict:
    key = jax.random.key(seed)
    k1, k2, k3 = jax.random.split(key, 3)
    x = jax.random.randint(k1, (16384, 26), 0, 100000, dtype=jnp.int32)
    # learned parameters: concatenated embedding table + bias (normal_ init)
    table = jax.random.normal(k2, (TOTAL_ROWS, N_OUTPUTS), dtype=jnp.float32) * 0.01
    bias = jax.random.normal(k3, (N_OUTPUTS,), dtype=jnp.float32)
    return {"x": x, "table": table, "bias": bias}


def reference(x, table, bias):
    offsets = jnp.asarray(OFFSETS, dtype=x.dtype)
    idx = x + offsets[None, :]                 # [B, F], global row ids
    emb = jnp.take(table, idx, axis=0)         # [B, F, n_outputs] gather
    return jnp.sum(emb, axis=1) + bias         # [B, n_outputs]

if __name__ == "__main__":
    import jax
    _d = setup_inputs()
    print(jax.jit(kernel)(*tuple(_d.values())))

</pallas_src>

<mosaic_0001>
#map = affine_map<(d0, d1) -> (0)>
module attributes {stable_mosaic.version = 14 : i64} {
  func.func @_sc_body(%arg0: i32, %arg1: i32, %arg2: memref<425984xi32, #tpu.memory_space<hbm>>, %arg3: memref<2600000xf32, #tpu.memory_space<hbm>>, %arg4: memref<16xf32, #tpu.memory_space<hbm>>, %arg5: memref<16384xf32, #tpu.memory_space<hbm>>, %arg6: memref<13312xi32, #tpu.memory_space<vmem>>, %arg7: memref<13312xi32, #tpu.memory_space<vmem>>, %arg8: memref<13312xf32, #tpu.memory_space<vmem>>, %arg9: memref<512xf32, #tpu.memory_space<vmem>>, %arg10: memref<16xf32, #tpu.memory_space<vmem>>, %arg11: memref<!tpu.dma_semaphore, #tpu.memory_space<semaphore_mem>>, %arg12: memref<!tpu.dma_semaphore, #tpu.memory_space<semaphore_mem>>) attributes {dimension_semantics = [#tpu.dimension_semantics<core_parallel>, #tpu.dimension_semantics<subcore_parallel>], iteration_bounds = array<i64: 2, 16>, scalar_prefetch = 0 : i64, scratch_operands = 7 : i64, tpu.core_type = #tpu.core_type<sc_vector_subcore>, window_params = [{transform_indices = #map}, {transform_indices = #map}, {transform_indices = #map}, {transform_indices = #map}]} {
    %mul3A = arith.constant 2 : i32
    %mul3A_0 = arith.muli %arg1, %mul3A : i32
    %add3A = arith.addi %mul3A_0, %arg0 : i32
    %mul3A_1 = arith.constant 512 : i32
    %mul3A_2 = arith.muli %add3A, %mul3A_1 : i32
    %add3A_3 = arith.constant 0 : i32
    %add3A_4 = arith.addi %add3A_3, %mul3A_2 : i32
    %add3A_5 = arith.constant 16384 : i32
    %add3A_6 = arith.addi %add3A_5, %mul3A_2 : i32
    %add3A_7 = arith.constant 32768 : i32
    %add3A_8 = arith.addi %add3A_7, %mul3A_2 : i32
    %add3A_9 = arith.constant 49152 : i32
    %add3A_10 = arith.addi %add3A_9, %mul3A_2 : i32
    %add3A_11 = arith.constant 65536 : i32
    %add3A_12 = arith.addi %add3A_11, %mul3A_2 : i32
    %add3A_13 = arith.constant 81920 : i32
    %add3A_14 = arith.addi %add3A_13, %mul3A_2 : i32
    %add3A_15 = arith.constant 98304 : i32
    %add3A_16 = arith.addi %add3A_15, %mul3A_2 : i32
    %add3A_17 = arith.constant 114688 : i32
    %add3A_18 = arith.addi %add3A_17, %mul3A_2 : i32
    %add3A_19 = arith.constant 131072 : i32
    %add3A_20 = arith.addi %add3A_19, %mul3A_2 : i32
    %add3A_21 = arith.constant 147456 : i32
    %add3A_22 = arith.addi %add3A_21, %mul3A_2 : i32
    %add3A_23 = arith.constant 163840 : i32
    %add3A_24 = arith.addi %add3A_23, %mul3A_2 : i32
    %add3A_25 = arith.constant 180224 : i32
    %add3A_26 = arith.addi %add3A_25, %mul3A_2 : i32
    %add3A_27 = arith.constant 196608 : i32
    %add3A_28 = arith.addi %add3A_27, %mul3A_2 : i32
    %add3A_29 = arith.constant 212992 : i32
    %add3A_30 = arith.addi %add3A_29, %mul3A_2 : i32
    %add3A_31 = arith.constant 229376 : i32
    %add3A_32 = arith.addi %add3A_31, %mul3A_2 : i32
    %add3A_33 = arith.constant 245760 : i32
    %add3A_34 = arith.addi %add3A_33, %mul3A_2 : i32
    %add3A_35 = arith.constant 262144 : i32
    %add3A_36 = arith.addi %add3A_35, %mul3A_2 : i32
    %add3A_37 = arith.constant 278528 : i32
    %add3A_38 = arith.addi %add3A_37, %mul3A_2 : i32
    %add3A_39 = arith.constant 294912 : i32
    %add3A_40 = arith.addi %add3A_39, %mul3A_2 : i32
    %add3A_41 = arith.constant 311296 : i32
    %add3A_42 = arith.addi %add3A_41, %mul3A_2 : i32
    %add3A_43 = arith.constant 327680 : i32
    %add3A_44 = arith.addi %add3A_43, %mul3A_2 : i32
    %add3A_45 = arith.constant 344064 : i32
    %add3A_46 = arith.addi %add3A_45, %mul3A_2 : i32
    %add3A_47 = arith.constant 360448 : i32
    %add3A_48 = arith.addi %add3A_47, %mul3A_2 : i32
    %add3A_49 = arith.constant 376832 : i32
    %add3A_50 = arith.addi %add3A_49, %mul3A_2 : i32
    %add3A_51 = arith.constant 393216 : i32
    %add3A_52 = arith.addi %add3A_51, %mul3A_2 : i32
    %add3A_53 = arith.constant 409600 : i32
    %add3A_54 = arith.addi %add3A_53, %mul3A_2 : i32
    %dma_start3A = arith.constant 0 : i32
    %dma_start3A_55 = tpu.memref_slice %arg6[%dma_start3A] : memref<13312xi32, #tpu.memory_space<vmem>> -> memref<512xi32, #tpu.memory_space<vmem>>
    %dma_start3A_56 = tpu.memref_slice %arg2[%add3A_4] : memref<425984xi32, #tpu.memory_space<hbm>> -> memref<512xi32, #tpu.memory_space<hbm>>
    %dma_start3A_57 = arith.constant 0 : i32
    %dma_start3A_58 = tpu.memref_slice %arg6[%dma_start3A_57] : memref<13312xi32, #tpu.memory_space<vmem>> -> memref<512xi32, #tpu.memory_space<vmem>>
    %dma_start3A_59 = tpu.memref_slice %arg2[%add3A_4] : memref<425984xi32, #tpu.memory_space<hbm>> -> memref<512xi32, #tpu.memory_space<hbm>>
    tpu.enqueue_dma source(%dma_start3A_59 : memref<512xi32, #tpu.memory_space<hbm>>) target(%dma_start3A_58 : memref<512xi32, #tpu.memory_space<vmem>>) target_semaphore(%arg11 : memref<!tpu.dma_semaphore, #tpu.memory_space<semaphore_mem>>)
    %dma_start3A_60 = arith.constant 512 : i32
    %dma_start3A_61 = tpu.memref_slice %arg6[%dma_start3A_60] : memref<13312xi32, #tpu.memory_space<vmem>> -> memref<512xi32, #tpu.memory_space<vmem>>
    %dma_start3A_62 = tpu.memref_slice %arg2[%add3A_6] : memref<425984xi32, #tpu.memory_space<hbm>> -> memref<512xi32, #tpu.memory_space<hbm>>
    %dma_start3A_63 = arith.constant 512 : i32
    %dma_start3A_64 = tpu.memref_slice %arg6[%dma_start3A_63] : memref<13312xi32, #tpu.memory_space<vmem>> -> memref<512xi32, #tpu.memory_space<vmem>>
    %dma_start3A_65 = tpu.memref_slice %arg2[%add3A_6] : memref<425984xi32, #tpu.memory_space<hbm>> -> memref<512xi32, #tpu.memory_space<hbm>>
    tpu.enqueue_dma source(%dma_start3A_65 : memref<512xi32, #tpu.memory_space<hbm>>) target(%dma_start3A_64 : memref<512xi32, #tpu.memory_space<vmem>>) target_semaphore(%arg11 : memref<!tpu.dma_semaphore, #tpu.memory_space<semaphore_mem>>)
    %dma_start3A_66 = arith.constant 1024 : i32
    %dma_start3A_67 = tpu.memref_slice %arg6[%dma_start3A_66] : memref<13312xi32, #tpu.memory_space<vmem>> -> memref<512xi32, #tpu.memory_space<vmem>>
    %dma_start3A_68 = tpu.memref_slice %arg2[%add3A_8] : memref<425984xi32, #tpu.memory_space<hbm>> -> memref<512xi32, #tpu.memory_space<hbm>>
    %dma_start3A_69 = arith.constant 1024 : i32
    %dma_start3A_70 = tpu.memref_slice %arg6[%dma_start3A_69] : memref<13312xi32, #tpu.memory_space<vmem>> -> memref<512xi32, #tpu.memory_space<vmem>>
    %dma_start3A_71 = tpu.memref_slice %arg2[%add3A_8] : memref<425984xi32, #tpu.memory_space<hbm>> -> memref<512xi32, #tpu.memory_space<hbm>>
    tpu.enqueue_dma source(%dma_start3A_71 : memref<512xi32, #tpu.memory_space<hbm>>) target(%dma_start3A_70 : memref<512xi32, #tpu.memory_space<vmem>>) target_semaphore(%arg11 : memref<!tpu.dma_semaphore, #tpu.memory_space<semaphore_mem>>)
    %dma_start3A_72 = arith.constant 1536 : i32
    %dma_start3A_73 = tpu.memref_slice %arg6[%dma_start3A_72] : memref<13312xi32, #tpu.memory_space<vmem>> -> memref<512xi32, #tpu.memory_space<vmem>>
    %dma_start3A_74 = tpu.memref_slice %arg2[%add3A_10] : memref<425984xi32, #tpu.memory_space<hbm>> -> memref<512xi32, #tpu.memory_space<hbm>>
    %dma_start3A_75 = arith.constant 1536 : i32
    %dma_start3A_76 = tpu.memref_slice %arg6[%dma_start3A_75] : memref<13312xi32, #tpu.memory_space<vmem>> -> memref<512xi32, #tpu.memory_space<vmem>>
    %dma_start3A_77 = tpu.memref_slice %arg2[%add3A_10] : memref<425984xi32, #tpu.memory_space<hbm>> -> memref<512xi32, #tpu.memory_space<hbm>>
    tpu.enqueue_dma source(%dma_start3A_77 : memref<512xi32, #tpu.memory_space<hbm>>) target(%dma_start3A_76 : memref<512xi32, #tpu.memory_space<vmem>>) target_semaphore(%arg11 : memref<!tpu.dma_semaphore, #tpu.memory_space<semaphore_mem>>)
    %dma_start3A_78 = arith.constant 2048 : i32
    %dma_start3A_79 = tpu.memref_slice %arg6[%dma_start3A_78] : memref<13312xi32, #tpu.memory_space<vmem>> -> memref<512xi32, #tpu.memory_space<vmem>>
    %dma_start3A_80 = tpu.memref_slice %arg2[%add3A_12] : memref<425984xi32, #tpu.memory_space<hbm>> -> memref<512xi32, #tpu.memory_space<hbm>>
    %dma_start3A_81 = arith.constant 2048 : i32
    %dma_start3A_82 = tpu.memref_slice %arg6[%dma_start3A_81] : memref<13312xi32, #tpu.memory_space<vmem>> -> memref<512xi32, #tpu.memory_space<vmem>>
    %dma_start3A_83 = tpu.memref_slice %arg2[%add3A_12] : memref<425984xi32, #tpu.memory_space<hbm>> -> memref<512xi32, #tpu.memory_space<hbm>>
    tpu.enqueue_dma source(%dma_start3A_83 : memref<512xi32, #tpu.memory_space<hbm>>) target(%dma_start3A_82 : memref<512xi32, #tpu.memory_space<vmem>>) target_semaphore(%arg11 : memref<!tpu.dma_semaphore, #tpu.memory_space<semaphore_mem>>)
    %dma_start3A_84 = arith.constant 2560 : i32
    %dma_start3A_85 = tpu.memref_slice %arg6[%dma_start3A_84] : memref<13312xi32, #tpu.memory_space<vmem>> -> memref<512xi32, #tpu.memory_space<vmem>>
    %dma_start3A_86 = tpu.memref_slice %arg2[%add3A_14] : memref<425984xi32, #tpu.memory_space<hbm>> -> memref<512xi32, #tpu.memory_space<hbm>>
    %dma_start3A_87 = arith.constant 2560 : i32
    %dma_start3A_88 = tpu.memref_slice %arg6[%dma_start3A_87] : memref<13312xi32, #tpu.memory_space<vmem>> -> memref<512xi32, #tpu.memory_space<vmem>>
    %dma_start3A_89 = tpu.memref_slice %arg2[%add3A_14] : memref<425984xi32, #tpu.memory_space<hbm>> -> memref<512xi32, #tpu.memory_space<hbm>>
    tpu.enqueue_dma source(%dma_start3A_89 : memref<512xi32, #tpu.memory_space<hbm>>) target(%dma_start3A_88 : memref<512xi32, #tpu.memory_space<vmem>>) target_semaphore(%arg11 : memref<!tpu.dma_semaphore, #tpu.memory_space<semaphore_mem>>)
    %dma_start3A_90 = arith.constant 3072 : i32
    %dma_start3A_91 = tpu.memref_slice %arg6[%dma_start3A_90] : memref<13312xi32, #tpu.memory_space<vmem>> -> memref<512xi32, #tpu.memory_space<vmem>>
    %dma_start3A_92 = tpu.memref_slice %arg2[%add3A_16] : memref<425984xi32, #tpu.memory_space<hbm>> -> memref<512xi32, #tpu.memory_space<hbm>>
    %dma_start3A_93 = arith.constant 3072 : i32
    %dma_start3A_94 = tpu.memref_slice %arg6[%dma_start3A_93] : memref<13312xi32, #tpu.memory_space<vmem>> -> memref<512xi32, #tpu.memory_space<vmem>>
    %dma_start3A_95 = tpu.memref_slice %arg2[%add3A_16] : memref<425984xi32, #tpu.memory_space<hbm>> -> memref<512xi32, #tpu.memory_space<hbm>>
    tpu.enqueue_dma source(%dma_start3A_95 : memref<512xi32, #tpu.memory_space<hbm>>) target(%dma_start3A_94 : memref<512xi32, #tpu.memory_space<vmem>>) target_semaphore(%arg11 : memref<!tpu.dma_semaphore, #tpu.memory_space<semaphore_mem>>)
    %dma_start3A_96 = arith.constant 3584 : i32
    %dma_start3A_97 = tpu.memref_slice %arg6[%dma_start3A_96] : memref<13312xi32, #tpu.memory_space<vmem>> -> memref<512xi32, #tpu.memory_space<vmem>>
    %dma_start3A_98 = tpu.memref_slice %arg2[%add3A_18] : memref<425984xi32, #tpu.memory_space<hbm>> -> memref<512xi32, #tpu.memory_space<hbm>>
    %dma_start3A_99 = arith.constant 3584 : i32
    %dma_start3A_100 = tpu.memref_slice %arg6[%dma_start3A_99] : memref<13312xi32, #tpu.memory_space<vmem>> -> memref<512xi32, #tpu.memory_space<vmem>>
    %dma_start3A_101 = tpu.memref_slice %arg2[%add3A_18] : memref<425984xi32, #tpu.memory_space<hbm>> -> memref<512xi32, #tpu.memory_space<hbm>>
    tpu.enqueue_dma source(%dma_start3A_101 : memref<512xi32, #tpu.memory_space<hbm>>) target(%dma_start3A_100 : memref<512xi32, #tpu.memory_space<vmem>>) target_semaphore(%arg11 : memref<!tpu.dma_semaphore, #tpu.memory_space<semaphore_mem>>)
    %dma_start3A_102 = arith.constant 4096 : i32
    %dma_start3A_103 = tpu.memref_slice %arg6[%dma_start3A_102] : memref<13312xi32, #tpu.memory_space<vmem>> -> memref<512xi32, #tpu.memory_space<vmem>>
    %dma_start3A_104 = tpu.memref_slice %arg2[%add3A_20] : memref<425984xi32, #tpu.memory_space<hbm>> -> memref<512xi32, #tpu.memory_space<hbm>>
    %dma_start3A_105 = arith.constant 4096 : i32
    %dma_start3A_106 = tpu.memref_slice %arg6[%dma_start3A_105] : memref<13312xi32, #tpu.memory_space<vmem>> -> memref<512xi32, #tpu.memory_space<vmem>>
    %dma_start3A_107 = tpu.memref_slice %arg2[%add3A_20] : memref<425984xi32, #tpu.memory_space<hbm>> -> memref<512xi32, #tpu.memory_space<hbm>>
    tpu.enqueue_dma source(%dma_start3A_107 : memref<512xi32, #tpu.memory_space<hbm>>) target(%dma_start3A_106 : memref<512xi32, #tpu.memory_space<vmem>>) target_semaphore(%arg11 : memref<!tpu.dma_semaphore, #tpu.memory_space<semaphore_mem>>)
    %dma_start3A_108 = arith.constant 4608 : i32
    %dma_start3A_109 = tpu.memref_slice %arg6[%dma_start3A_108] : memref<13312xi32, #tpu.memory_space<vmem>> -> memref<512xi32, #tpu.memory_space<vmem>>
    %dma_start3A_110 = tpu.memref_slice %arg2[%add3A_22] : memref<425984xi32, #tpu.memory_space<hbm>> -> memref<512xi32, #tpu.memory_space<hbm>>
    %dma_start3A_111 = arith.constant 4608 : i32
    %dma_start3A_112 = tpu.memref_slice %arg6[%dma_start3A_111] : memref<13312xi32, #tpu.memory_space<vmem>> -> memref<512xi32, #tpu.memory_space<vmem>>
    %dma_start3A_113 = tpu.memref_slice %arg2[%add3A_22] : memref<425984xi32, #tpu.memory_space<hbm>> -> memref<512xi32, #tpu.memory_space<hbm>>
    tpu.enqueue_dma source(%dma_start3A_113 : memref<512xi32, #tpu.memory_space<hbm>>) target(%dma_start3A_112 : memref<512xi32, #tpu.memory_space<vmem>>) target_semaphore(%arg11 : memref<!tpu.dma_semaphore, #tpu.memory_space<semaphore_mem>>)
    %dma_start3A_114 = arith.constant 5120 : i32
    %dma_start3A_115 = tpu.memref_slice %arg6[%dma_start3A_114] : memref<13312xi32, #tpu.memory_space<vmem>> -> memref<512xi32, #tpu.memory_space<vmem>>
    %dma_start3A_116 = tpu.memref_slice %arg2[%add3A_24] : memref<425984xi32, #tpu.memory_space<hbm>> -> memref<512xi32, #tpu.memory_space<hbm>>
    %dma_start3A_117 = arith.constant 5120 : i32
    %dma_start3A_118 = tpu.memref_slice %arg6[%dma_start3A_117] : memref<13312xi32, #tpu.memory_space<vmem>> -> memref<512xi32, #tpu.memory_space<vmem>>
    %dma_start3A_119 = tpu.memref_slice %arg2[%add3A_24] : memref<425984xi32, #tpu.memory_space<hbm>> -> memref<512xi32, #tpu.memory_space<hbm>>
    tpu.enqueue_dma source(%dma_start3A_119 : memref<512xi32, #tpu.memory_space<hbm>>) target(%dma_start3A_118 : memref<512xi32, #tpu.memory_space<vmem>>) target_semaphore(%arg11 : memref<!tpu.dma_semaphore, #tpu.memory_space<semaphore_mem>>)
    %dma_start3A_120 = arith.constant 5632 : i32
    %dma_start3A_121 = tpu.memref_slice %arg6[%dma_start3A_120] : memref<13312xi32, #tpu.memory_space<vmem>> -> memref<512xi32, #tpu.memory_space<vmem>>
    %dma_start3A_122 = tpu.memref_slice %arg2[%add3A_26] : memref<425984xi32, #tpu.memory_space<hbm>> -> memref<512xi32, #tpu.memory_space<hbm>>
    %dma_start3A_123 = arith.constant 5632 : i32
    %dma_start3A_124 = tpu.memref_slice %arg6[%dma_start3A_123] : memref<13312xi32, #tpu.memory_space<vmem>> -> memref<512xi32, #tpu.memory_space<vmem>>
    %dma_start3A_125 = tpu.memref_slice %arg2[%add3A_26] : memref<425984xi32, #tpu.memory_space<hbm>> -> memref<512xi32, #tpu.memory_space<hbm>>
    tpu.enqueue_dma source(%dma_start3A_125 : memref<512xi32, #tpu.memory_space<hbm>>) target(%dma_start3A_124 : memref<512xi32, #tpu.memory_space<vmem>>) target_semaphore(%arg11 : memref<!tpu.dma_semaphore, #tpu.memory_space<semaphore_mem>>)
    %dma_start3A_126 = arith.constant 6144 : i32
    %dma_start3A_127 = tpu.memref_slice %arg6[%dma_start3A_126] : memref<13312xi32, #tpu.memory_space<vmem>> -> memref<512xi32, #tpu.memory_space<vmem>>
    %dma_start3A_128 = tpu.memref_slice %arg2[%add3A_28] : memref<425984xi32, #tpu.memory_space<hbm>> -> memref<512xi32, #tpu.memory_space<hbm>>
    %dma_start3A_129 = arith.constant 6144 : i32
    %dma_start3A_130 = tpu.memref_slice %arg6[%dma_start3A_129] : memref<13312xi32, #tpu.memory_space<vmem>> -> memref<512xi32, #tpu.memory_space<vmem>>
    %dma_start3A_131 = tpu.memref_slice %arg2[%add3A_28] : memref<425984xi32, #tpu.memory_space<hbm>> -> memref<512xi32, #tpu.memory_space<hbm>>
    tpu.enqueue_dma source(%dma_start3A_131 : memref<512xi32, #tpu.memory_space<hbm>>) target(%dma_start3A_130 : memref<512xi32, #tpu.memory_space<vmem>>) target_semaphore(%arg11 : memref<!tpu.dma_semaphore, #tpu.memory_space<semaphore_mem>>)
    %dma_start3A_132 = arith.constant 6656 : i32
    %dma_start3A_133 = tpu.memref_slice %arg6[%dma_start3A_132] : memref<13312xi32, #tpu.memory_space<vmem>> -> memref<512xi32, #tpu.memory_space<vmem>>
    %dma_start3A_134 = tpu.memref_slice %arg2[%add3A_30] : memref<425984xi32, #tpu.memory_space<hbm>> -> memref<512xi32, #tpu.memory_space<hbm>>
    %dma_start3A_135 = arith.constant 6656 : i32
    %dma_start3A_136 = tpu.memref_slice %arg6[%dma_start3A_135] : memref<13312xi32, #tpu.memory_space<vmem>> -> memref<512xi32, #tpu.memory_space<vmem>>
    %dma_start3A_137 = tpu.memref_slice %arg2[%add3A_30] : memref<425984xi32, #tpu.memory_space<hbm>> -> memref<512xi32, #tpu.memory_space<hbm>>
    tpu.enqueue_dma source(%dma_start3A_137 : memref<512xi32, #tpu.memory_space<hbm>>) target(%dma_start3A_136 : memref<512xi32, #tpu.memory_space<vmem>>) target_semaphore(%arg11 : memref<!tpu.dma_semaphore, #tpu.memory_space<semaphore_mem>>)
    %dma_start3A_138 = arith.constant 7168 : i32
    %dma_start3A_139 = tpu.memref_slice %arg6[%dma_start3A_138] : memref<13312xi32, #tpu.memory_space<vmem>> -> memref<512xi32, #tpu.memory_space<vmem>>
    %dma_start3A_140 = tpu.memref_slice %arg2[%add3A_32] : memref<425984xi32, #tpu.memory_space<hbm>> -> memref<512xi32, #tpu.memory_space<hbm>>
    %dma_start3A_141 = arith.constant 7168 : i32
    %dma_start3A_142 = tpu.memref_slice %arg6[%dma_start3A_141] : memref<13312xi32, #tpu.memory_space<vmem>> -> memref<512xi32, #tpu.memory_space<vmem>>
    %dma_start3A_143 = tpu.memref_slice %arg2[%add3A_32] : memref<425984xi32, #tpu.memory_space<hbm>> -> memref<512xi32, #tpu.memory_space<hbm>>
    tpu.enqueue_dma source(%dma_start3A_143 : memref<512xi32, #tpu.memory_space<hbm>>) target(%dma_start3A_142 : memref<512xi32, #tpu.memory_space<vmem>>) target_semaphore(%arg11 : memref<!tpu.dma_semaphore, #tpu.memory_space<semaphore_mem>>)
    %dma_start3A_144 = arith.constant 7680 : i32
    %dma_start3A_145 = tpu.memref_slice %arg6[%dma_start3A_144] : memref<13312xi32, #tpu.memory_space<vmem>> -> memref<512xi32, #tpu.memory_space<vmem>>
    %dma_start3A_146 = tpu.memref_slice %arg2[%add3A_34] : memref<425984xi32, #tpu.memory_space<hbm>> -> memref<512xi32, #tpu.memory_space<hbm>>
    %dma_start3A_147 = arith.constant 7680 : i32
    %dma_start3A_148 = tpu.memref_slice %arg6[%dma_start3A_147] : memref<13312xi32, #tpu.memory_space<vmem>> -> memref<512xi32, #tpu.memory_space<vmem>>
    %dma_start3A_149 = tpu.memref_slice %arg2[%add3A_34] : memref<425984xi32, #tpu.memory_space<hbm>> -> memref<512xi32, #tpu.memory_space<hbm>>
    tpu.enqueue_dma source(%dma_start3A_149 : memref<512xi32, #tpu.memory_space<hbm>>) target(%dma_start3A_148 : memref<512xi32, #tpu.memory_space<vmem>>) target_semaphore(%arg11 : memref<!tpu.dma_semaphore, #tpu.memory_space<semaphore_mem>>)
    %dma_start3A_150 = arith.constant 8192 : i32
    %dma_start3A_151 = tpu.memref_slice %arg6[%dma_start3A_150] : memref<13312xi32, #tpu.memory_space<vmem>> -> memref<512xi32, #tpu.memory_space<vmem>>
    %dma_start3A_152 = tpu.memref_slice %arg2[%add3A_36] : memref<425984xi32, #tpu.memory_space<hbm>> -> memref<512xi32, #tpu.memory_space<hbm>>
    %dma_start3A_153 = arith.constant 8192 : i32
    %dma_start3A_154 = tpu.memref_slice %arg6[%dma_start3A_153] : memref<13312xi32, #tpu.memory_space<vmem>> -> memref<512xi32, #tpu.memory_space<vmem>>
    %dma_start3A_155 = tpu.memref_slice %arg2[%add3A_36] : memref<425984xi32, #tpu.memory_space<hbm>> -> memref<512xi32, #tpu.memory_space<hbm>>
    tpu.enqueue_dma source(%dma_start3A_155 : memref<512xi32, #tpu.memory_space<hbm>>) target(%dma_start3A_154 : memref<512xi32, #tpu.memory_space<vmem>>) target_semaphore(%arg11 : memref<!tpu.dma_semaphore, #tpu.memory_space<semaphore_mem>>)
    %dma_start3A_156 = arith.constant 8704 : i32
    %dma_start3A_157 = tpu.memref_slice %arg6[%dma_start3A_156] : memref<13312xi32, #tpu.memory_space<vmem>> -> memref<512xi32, #tpu.memory_space<vmem>>
    %dma_start3A_158 = tpu.memref_slice %arg2[%add3A_38] : memref<425984xi32, #tpu.memory_space<hbm>> -> memref<512xi32, #tpu.memory_space<hbm>>
    %dma_start3A_159 = arith.constant 8704 : i32
    %dma_start3A_160 = tpu.memref_slice %arg6[%dma_start3A_159] : memref<13312xi32, #tpu.memory_space<vmem>> -> memref<512xi32, #tpu.memory_space<vmem>>
    %dma_start3A_161 = tpu.memref_slice %arg2[%add3A_38] : memref<425984xi32, #tpu.memory_space<hbm>> -> memref<512xi32, #tpu.memory_space<hbm>>
    tpu.enqueue_dma source(%dma_start3A_161 : memref<512xi32, #tpu.memory_space<hbm>>) target(%dma_start3A_160 : memref<512xi32, #tpu.memory_space<vmem>>) target_semaphore(%arg11 : memref<!tpu.dma_semaphore, #tpu.memory_space<semaphore_mem>>)
    %dma_start3A_162 = arith.constant 9216 : i32
    %dma_start3A_163 = tpu.memref_slice %arg6[%dma_start3A_162] : memref<13312xi32, #tpu.memory_space<vmem>> -> memref<512xi32, #tpu.memory_space<vmem>>
    %dma_start3A_164 = tpu.memref_slice %arg2[%add3A_40] : memref<425984xi32, #tpu.memory_space<hbm>> -> memref<512xi32, #tpu.memory_space<hbm>>
    %dma_start3A_165 = arith.constant 9216 : i32
    %dma_start3A_166 = tpu.memref_slice %arg6[%dma_start3A_165] : memref<13312xi32, #tpu.memory_space<vmem>> -> memref<512xi32, #tpu.memory_space<vmem>>
    %dma_start3A_167 = tpu.memref_slice %arg2[%add3A_40] : memref<425984xi32, #tpu.memory_space<hbm>> -> memref<512xi32, #tpu.memory_space<hbm>>
    tpu.enqueue_dma source(%dma_start3A_167 : memref<512xi32, #tpu.memory_space<hbm>>) target(%dma_start3A_166 : memref<512xi32, #tpu.memory_space<vmem>>) target_semaphore(%arg11 : memref<!tpu.dma_semaphore, #tpu.memory_space<semaphore_mem>>)
    %dma_start3A_168 = arith.constant 9728 : i32
    %dma_start3A_169 = tpu.memref_slice %arg6[%dma_start3A_168] : memref<13312xi32, #tpu.memory_space<vmem>> -> memref<512xi32, #tpu.memory_space<vmem>>
    %dma_start3A_170 = tpu.memref_slice %arg2[%add3A_42] : memref<425984xi32, #tpu.memory_space<hbm>> -> memref<512xi32, #tpu.memory_space<hbm>>
    %dma_start3A_171 = arith.constant 9728 : i32
    %dma_start3A_172 = tpu.memref_slice %arg6[%dma_start3A_171] : memref<13312xi32, #tpu.memory_space<vmem>> -> memref<512xi32, #tpu.memory_space<vmem>>
    %dma_start3A_173 = tpu.memref_slice %arg2[%add3A_42] : memref<425984xi32, #tpu.memory_space<hbm>> -> memref<512xi32, #tpu.memory_space<hbm>>
    tpu.enqueue_dma source(%dma_start3A_173 : memref<512xi32, #tpu.memory_space<hbm>>) target(%dma_start3A_172 : memref<512xi32, #tpu.memory_space<vmem>>) target_semaphore(%arg11 : memref<!tpu.dma_semaphore, #tpu.memory_space<semaphore_mem>>)
    %dma_start3A_174 = arith.constant 10240 : i32
    %dma_start3A_175 = tpu.memref_slice %arg6[%dma_start3A_174] : memref<13312xi32, #tpu.memory_space<vmem>> -> memref<512xi32, #tpu.memory_space<vmem>>
    %dma_start3A_176 = tpu.memref_slice %arg2[%add3A_44] : memref<425984xi32, #tpu.memory_space<hbm>> -> memref<512xi32, #tpu.memory_space<hbm>>
    %dma_start3A_177 = arith.constant 10240 : i32
    %dma_start3A_178 = tpu.memref_slice %arg6[%dma_start3A_177] : memref<13312xi32, #tpu.memory_space<vmem>> -> memref<512xi32, #tpu.memory_space<vmem>>
    %dma_start3A_179 = tpu.memref_slice %arg2[%add3A_44] : memref<425984xi32, #tpu.memory_space<hbm>> -> memref<512xi32, #tpu.memory_space<hbm>>
    tpu.enqueue_dma source(%dma_start3A_179 : memref<512xi32, #tpu.memory_space<hbm>>) target(%dma_start3A_178 : memref<512xi32, #tpu.memory_space<vmem>>) target_semaphore(%arg11 : memref<!tpu.dma_semaphore, #tpu.memory_space<semaphore_mem>>)
    %dma_start3A_180 = arith.constant 10752 : i32
    %dma_start3A_181 = tpu.memref_slice %arg6[%dma_start3A_180] : memref<13312xi32, #tpu.memory_space<vmem>> -> memref<512xi32, #tpu.memory_space<vmem>>
    %dma_start3A_182 = tpu.memref_slice %arg2[%add3A_46] : memref<425984xi32, #tpu.memory_space<hbm>> -> memref<512xi32, #tpu.memory_space<hbm>>
    %dma_start3A_183 = arith.constant 10752 : i32
    %dma_start3A_184 = tpu.memref_slice %arg6[%dma_start3A_183] : memref<13312xi32, #tpu.memory_space<vmem>> -> memref<512xi32, #tpu.memory_space<vmem>>
    %dma_start3A_185 = tpu.memref_slice %arg2[%add3A_46] : memref<425984xi32, #tpu.memory_space<hbm>> -> memref<512xi32, #tpu.memory_space<hbm>>
    tpu.enqueue_dma source(%dma_start3A_185 : memref<512xi32, #tpu.memory_space<hbm>>) target(%dma_start3A_184 : memref<512xi32, #tpu.memory_space<vmem>>) target_semaphore(%arg11 : memref<!tpu.dma_semaphore, #tpu.memory_space<semaphore_mem>>)
    %dma_start3A_186 = arith.constant 11264 : i32
    %dma_start3A_187 = tpu.memref_slice %arg6[%dma_start3A_186] : memref<13312xi32, #tpu.memory_space<vmem>> -> memref<512xi32, #tpu.memory_space<vmem>>
    %dma_start3A_188 = tpu.memref_slice %arg2[%add3A_48] : memref<425984xi32, #tpu.memory_space<hbm>> -> memref<512xi32, #tpu.memory_space<hbm>>
    %dma_start3A_189 = arith.constant 11264 : i32
    %dma_start3A_190 = tpu.memref_slice %arg6[%dma_start3A_189] : memref<13312xi32, #tpu.memory_space<vmem>> -> memref<512xi32, #tpu.memory_space<vmem>>
    %dma_start3A_191 = tpu.memref_slice %arg2[%add3A_48] : memref<425984xi32, #tpu.memory_space<hbm>> -> memref<512xi32, #tpu.memory_space<hbm>>
    tpu.enqueue_dma source(%dma_start3A_191 : memref<512xi32, #tpu.memory_space<hbm>>) target(%dma_start3A_190 : memref<512xi32, #tpu.memory_space<vmem>>) target_semaphore(%arg11 : memref<!tpu.dma_semaphore, #tpu.memory_space<semaphore_mem>>)
    %dma_start3A_192 = arith.constant 11776 : i32
    %dma_start3A_193 = tpu.memref_slice %arg6[%dma_start3A_192] : memref<13312xi32, #tpu.memory_space<vmem>> -> memref<512xi32, #tpu.memory_space<vmem>>
    %dma_start3A_194 = tpu.memref_slice %arg2[%add3A_50] : memref<425984xi32, #tpu.memory_space<hbm>> -> memref<512xi32, #tpu.memory_space<hbm>>
    %dma_start3A_195 = arith.constant 11776 : i32
    %dma_start3A_196 = tpu.memref_slice %arg6[%dma_start3A_195] : memref<13312xi32, #tpu.memory_space<vmem>> -> memref<512xi32, #tpu.memory_space<vmem>>
    %dma_start3A_197 = tpu.memref_slice %arg2[%add3A_50] : memref<425984xi32, #tpu.memory_space<hbm>> -> memref<512xi32, #tpu.memory_space<hbm>>
    tpu.enqueue_dma source(%dma_start3A_197 : memref<512xi32, #tpu.memory_space<hbm>>) target(%dma_start3A_196 : memref<512xi32, #tpu.memory_space<vmem>>) target_semaphore(%arg11 : memref<!tpu.dma_semaphore, #tpu.memory_space<semaphore_mem>>)
    %dma_start3A_198 = arith.constant 12288 : i32
    %dma_start3A_199 = tpu.memref_slice %arg6[%dma_start3A_198] : memref<13312xi32, #tpu.memory_space<vmem>> -> memref<512xi32, #tpu.memory_space<vmem>>
    %dma_start3A_200 = tpu.memref_slice %arg2[%add3A_52] : memref<425984xi32, #tpu.memory_space<hbm>> -> memref<512xi32, #tpu.memory_space<hbm>>
    %dma_start3A_201 = arith.constant 12288 : i32
    %dma_start3A_202 = tpu.memref_slice %arg6[%dma_start3A_201] : memref<13312xi32, #tpu.memory_space<vmem>> -> memref<512xi32, #tpu.memory_space<vmem>>
    %dma_start3A_203 = tpu.memref_slice %arg2[%add3A_52] : memref<425984xi32, #tpu.memory_space<hbm>> -> memref<512xi32, #tpu.memory_space<hbm>>
    tpu.enqueue_dma source(%dma_start3A_203 : memref<512xi32, #tpu.memory_space<hbm>>) target(%dma_start3A_202 : memref<512xi32, #tpu.memory_space<vmem>>) target_semaphore(%arg11 : memref<!tpu.dma_semaphore, #tpu.memory_space<semaphore_mem>>)
    %dma_start3A_204 = arith.constant 12800 : i32
    %dma_start3A_205 = tpu.memref_slice %arg6[%dma_start3A_204] : memref<13312xi32, #tpu.memory_space<vmem>> -> memref<512xi32, #tpu.memory_space<vmem>>
    %dma_start3A_206 = tpu.memref_slice %arg2[%add3A_54] : memref<425984xi32, #tpu.memory_space<hbm>> -> memref<512xi32, #tpu.memory_space<hbm>>
    %dma_start3A_207 = arith.constant 12800 : i32
    %dma_start3A_208 = tpu.memref_slice %arg6[%dma_start3A_207] : memref<13312xi32, #tpu.memory_space<vmem>> -> memref<512xi32, #tpu.memory_space<vmem>>
    %dma_start3A_209 = tpu.memref_slice %arg2[%add3A_54] : memref<425984xi32, #tpu.memory_space<hbm>> -> memref<512xi32, #tpu.memory_space<hbm>>
    tpu.enqueue_dma source(%dma_start3A_209 : memref<512xi32, #tpu.memory_space<hbm>>) target(%dma_start3A_208 : memref<512xi32, #tpu.memory_space<vmem>>) target_semaphore(%arg11 : memref<!tpu.dma_semaphore, #tpu.memory_space<semaphore_mem>>)
    "tpu.region"() ({
      %run_scoped3A = tpu.sem_alloc : memref<!tpu.dma_semaphore, #tpu.memory_space<semaphore_mem>>
      tpu.enqueue_dma source(%arg4 : memref<16xf32, #tpu.memory_space<hbm>>) target(%arg10 : memref<16xf32, #tpu.memory_space<vmem>>) target_semaphore(%run_scoped3A : memref<!tpu.dma_semaphore, #tpu.memory_space<semaphore_mem>>)
      tpu.wait_dma2 semaphore(%run_scoped3A : memref<!tpu.dma_semaphore, #tpu.memory_space<semaphore_mem>>) src(%arg4 : memref<16xf32, #tpu.memory_space<hbm>>) dst(%arg10 : memref<16xf32, #tpu.memory_space<vmem>>)
      tpu.yield
    }) : () -> ()
    %dma_wait3A = arith.constant 0 : i32
    %dma_wait3A_210 = tpu.memref_slice %arg6[%dma_wait3A] : memref<13312xi32, #tpu.memory_space<vmem>> -> memref<512xi32, #tpu.memory_space<vmem>>
    %dma_wait3A_211 = tpu.memref_slice %arg2[%add3A_4] : memref<425984xi32, #tpu.memory_space<hbm>> -> memref<512xi32, #tpu.memory_space<hbm>>
    %dma_wait3A_212 = arith.constant 0 : i32
    %dma_wait3A_213 = tpu.memref_slice %arg6[%dma_wait3A_212] : memref<13312xi32, #tpu.memory_space<vmem>> -> memref<512xi32, #tpu.memory_space<vmem>>
    %dma_wait3A_214 = tpu.memref_slice %arg2[%add3A_4] : memref<425984xi32, #tpu.memory_space<hbm>> -> memref<512xi32, #tpu.memory_space<hbm>>
    tpu.wait_dma2 semaphore(%arg11 : memref<!tpu.dma_semaphore, #tpu.memory_space<semaphore_mem>>) src(%dma_wait3A_214 : memref<512xi32, #tpu.memory_space<hbm>>) dst(%dma_wait3A_213 : memref<512xi32, #tpu.memory_space<vmem>>)
    %scan3A = arith.constant 0 : i32
    %scan3A_215 = arith.constant 0 : i32
    %scan3A_216 = arith.constant 32 : i32
    %scan3A_217 = arith.addi %scan3A_215, %scan3A_216 : i32
    %scan3A_218 = arith.constant 1 : i32
    scf.for %scan3A_846 = %scan3A_215 to %scan3A_217 step %scan3A_218  : i32 {
      %add3A_847 = arith.constant 0 : i32
      %add3A_848 = arith.addi %add3A_847, %scan3A_846 : i32
      %mul3A_849 = arith.constant 16 : i32
      %mul3A_850 = arith.muli %add3A_848, %mul3A_849 : i32
      %get3A_851 = arith.index_cast %mul3A_850 : i32 to index
      %get3A_852 = tpu.vector_load %arg6[%get3A_851] {strides = array<i32>} : memref<13312xi32, #tpu.memory_space<vmem>>, vector<16xi32>,
      %get3A_853 = vector.shape_cast %get3A_852 : vector<16xi32> to vector<16xi32>
      %add3A_854 = arith.constant 0 : i32
      %add3A_855 = vector.broadcast %add3A_854 : i32 to vector<16xi32>
      %add3A_856 = arith.addi %get3A_853, %add3A_855 : vector<16xi32>
      %mul3A_857 = arith.constant 16 : i32
      %mul3A_858 = arith.muli %add3A_848, %mul3A_857 : i32
      %swap3A = arith.index_cast %mul3A_858 : i32 to index
      %swap3A_859 = tpu.vector_load %arg7[%swap3A] {strides = array<i32>} : memref<13312xi32, #tpu.memory_space<vmem>>, vector<16xi32>,
      %swap3A_860 = vector.shape_cast %swap3A_859 : vector<16xi32> to vector<16xi32>
      %swap3A_861 = vector.shape_cast %add3A_856 : vector<16xi32> to vector<16xi32>
      tpu.vector_store %arg7[%swap3A], %swap3A_861 {strides = array<i32>} : memref<13312xi32, #tpu.memory_space<vmem>>, vector<16xi32>,
    }
    %scan3A_219 = arith.constant 32 : i32
    %dma_start3A_220 = arith.constant 0 : i32
    %dma_start3A_221 = tpu.memref_slice %arg8[%dma_start3A_220] : memref<13312xf32, #tpu.memory_space<vmem>> -> memref<512xf32, #tpu.memory_space<vmem>>
    %dma_start3A_222 = arith.constant 0 : i32
    %dma_start3A_223 = tpu.memref_slice %arg7[%dma_start3A_222] : memref<13312xi32, #tpu.memory_space<vmem>> -> memref<512xi32, #tpu.memory_space<vmem>>
    %dma_start3A_224 = arith.constant 0 : i32
    %dma_start3A_225 = tpu.memref_slice %arg3[%dma_start3A_224] : memref<2600000xf32, #tpu.memory_space<hbm>> -> memref<2600000xf32, #tpu.memory_space<hbm>>
    tpu.enqueue_indirect_dma source(%dma_start3A_225 : memref<2600000xf32, #tpu.memory_space<hbm>>) target(%dma_start3A_221 : memref<512xf32, #tpu.memory_space<vmem>>) offsets(%dma_start3A_223 : memref<512xi32, #tpu.memory_space<vmem>>) semaphore(%arg12 : memref<!tpu.dma_semaphore, #tpu.memory_space<semaphore_mem>>)
    %dma_wait3A_226 = arith.constant 512 : i32
    %dma_wait3A_227 = tpu.memref_slice %arg6[%dma_wait3A_226] : memref<13312xi32, #tpu.memory_space<vmem>> -> memref<512xi32, #tpu.memory_space<vmem>>
    %dma_wait3A_228 = tpu.memref_slice %arg2[%add3A_6] : memref<425984xi32, #tpu.memory_space<hbm>> -> memref<512xi32, #tpu.memory_space<hbm>>
    %dma_wait3A_229 = arith.constant 512 : i32
    %dma_wait3A_230 = tpu.memref_slice %arg6[%dma_wait3A_229] : memref<13312xi32, #tpu.memory_space<vmem>> -> memref<512xi32, #tpu.memory_space<vmem>>
    %dma_wait3A_231 = tpu.memref_slice %arg2[%add3A_6] : memref<425984xi32, #tpu.memory_space<hbm>> -> memref<512xi32, #tpu.memory_space<hbm>>
    tpu.wait_dma2 semaphore(%arg11 : memref<!tpu.dma_semaphore, #tpu.memory_space<semaphore_mem>>) src(%dma_wait3A_231 : memref<512xi32, #tpu.memory_space<hbm>>) dst(%dma_wait3A_230 : memref<512xi32, #tpu.memory_space<vmem>>)
    %scan3A_232 = arith.constant 0 : i32
    %scan3A_233 = arith.constant 0 : i32
    %scan3A_234 = arith.constant 32 : i32
    %scan3A_235 = arith.addi %scan3A_233, %scan3A_234 : i32
    %scan3A_236 = arith.constant 1 : i32
    scf.for %scan3A_846 = %scan3A_233 to %scan3A_235 step %scan3A_236  : i32 {
      %add3A_847 = arith.constant 32 : i32
      %add3A_848 = arith.addi %add3A_847, %scan3A_846 : i32
      %mul3A_849 = arith.constant 16 : i32
      %mul3A_850 = arith.muli %add3A_848, %mul3A_849 : i32
      %get3A_851 = arith.index_cast %mul3A_850 : i32 to index
      %get3A_852 = tpu.vector_load %arg6[%get3A_851] {strides = array<i32>} : memref<13312xi32, #tpu.memory_space<vmem>>, vector<16xi32>,
      %get3A_853 = vector.shape_cast %get3A_852 : vector<16xi32> to vector<16xi32>
      %add3A_854 = arith.constant 100000 : i32
      %add3A_855 = vector.broadcast %add3A_854 : i32 to vector<16xi32>
      %add3A_856 = arith.addi %get3A_853, %add3A_855 : vector<16xi32>
      %mul3A_857 = arith.constant 16 : i32
      %mul3A_858 = arith.muli %add3A_848, %mul3A_857 : i32
      %swap3A = arith.index_cast %mul3A_858 : i32 to index
      %swap3A_859 = tpu.vector_load %arg7[%swap3A] {strides = array<i32>} : memref<13312xi32, #tpu.memory_space<vmem>>, vector<16xi32>,
      %swap3A_860 = vector.shape_cast %swap3A_859 : vector<16xi32> to vector<16xi32>
      %swap3A_861 = vector.shape_cast %add3A_856 : vector<16xi32> to vector<16xi32>
      tpu.vector_store %arg7[%swap3A], %swap3A_861 {strides = array<i32>} : memref<13312xi32, #tpu.memory_space<vmem>>, vector<16xi32>,
    }
    %scan3A_237 = arith.constant 32 : i32
    %dma_start3A_238 = arith.constant 512 : i32
    %dma_start3A_239 = tpu.memref_slice %arg8[%dma_start3A_238] : memref<13312xf32, #tpu.memory_space<vmem>> -> memref<512xf32, #tpu.memory_space<vmem>>
    %dma_start3A_240 = arith.constant 512 : i32
    %dma_start3A_241 = tpu.memref_slice %arg7[%dma_start3A_240] : memref<13312xi32, #tpu.memory_space<vmem>> -> memref<512xi32, #tpu.memory_space<vmem>>
    %dma_start3A_242 = arith.constant 0 : i32
    %dma_start3A_243 = tpu.memref_slice %arg3[%dma_start3A_242] : memref<2600000xf32, #tpu.memory_space<hbm>> -> memref<2600000xf32, #tpu.memory_space<hbm>>
    tpu.enqueue_indirect_dma source(%dma_start3A_243 : memref<2600000xf32, #tpu.memory_space<hbm>>) target(%dma_start3A_239 : memref<512xf32, #tpu.memory_space<vmem>>) offsets(%dma_start3A_241 : memref<512xi32, #tpu.memory_space<vmem>>) semaphore(%arg12 : memref<!tpu.dma_semaphore, #tpu.memory_space<semaphore_mem>>)
    %dma_wait3A_244 = arith.constant 1024 : i32
    %dma_wait3A_245 = tpu.memref_slice %arg6[%dma_wait3A_244] : memref<13312xi32, #tpu.memory_space<vmem>> -> memref<512xi32, #tpu.memory_space<vmem>>
    %dma_wait3A_246 = tpu.memref_slice %arg2[%add3A_8] : memref<425984xi32, #tpu.memory_space<hbm>> -> memref<512xi32, #tpu.memory_space<hbm>>
    %dma_wait3A_247 = arith.constant 1024 : i32
    %dma_wait3A_248 = tpu.memref_slice %arg6[%dma_wait3A_247] : memref<13312xi32, #tpu.memory_space<vmem>> -> memref<512xi32, #tpu.memory_space<vmem>>
    %dma_wait3A_249 = tpu.memref_slice %arg2[%add3A_8] : memref<425984xi32, #tpu.memory_space<hbm>> -> memref<512xi32, #tpu.memory_space<hbm>>
    tpu.wait_dma2 semaphore(%arg11 : memref<!tpu.dma_semaphore, #tpu.memory_space<semaphore_mem>>) src(%dma_wait3A_249 : memref<512xi32, #tpu.memory_space<hbm>>) dst(%dma_wait3A_248 : memref<512xi32, #tpu.memory_space<vmem>>)
    %scan3A_250 = arith.constant 0 : i32
    %scan3A_251 = arith.constant 0 : i32
    %scan3A_252 = arith.constant 32 : i32
    %scan3A_253 = arith.addi %scan3A_251, %scan3A_252 : i32
    %scan3A_254 = arith.constant 1 : i32
    scf.for %scan3A_846 = %scan3A_251 to %scan3A_253 step %scan3A_254  : i32 {
      %add3A_847 = arith.constant 64 : i32
      %add3A_848 = arith.addi %add3A_847, %scan3A_846 : i32
      %mul3A_849 = arith.constant 16 : i32
      %mul3A_850 = arith.muli %add3A_848, %mul3A_849 : i32
      %get3A_851 = arith.index_cast %mul3A_850 : i32 to index
      %get3A_852 = tpu.vector_load %arg6[%get3A_851] {strides = array<i32>} : memref<13312xi32, #tpu.memory_space<vmem>>, vector<16xi32>,
      %get3A_853 = vector.shape_cast %get3A_852 : vector<16xi32> to vector<16xi32>
      %add3A_854 = arith.constant 200000 : i32
      %add3A_855 = vector.broadcast %add3A_854 : i32 to vector<16xi32>
      %add3A_856 = arith.addi %get3A_853, %add3A_855 : vector<16xi32>
      %mul3A_857 = arith.constant 16 : i32
      %mul3A_858 = arith.muli %add3A_848, %mul3A_857 : i32
      %swap3A = arith.index_cast %mul3A_858 : i32 to index
      %swap3A_859 = tpu.vector_load %arg7[%swap3A] {strides = array<i32>} : memref<13312xi32, #tpu.memory_space<vmem>>, vector<16xi32>,
      %swap3A_860 = vector.shape_cast %swap3A_859 : vector<16xi32> to vector<16xi32>
      %swap3A_861 = vector.shape_cast %add3A_856 : vector<16xi32> to vector<16xi32>
      tpu.vector_store %arg7[%swap3A], %swap3A_861 {strides = array<i32>} : memref<13312xi32, #tpu.memory_space<vmem>>, vector<16xi32>,
    }
    %scan3A_255 = arith.constant 32 : i32
    %dma_start3A_256 = arith.constant 1024 : i32
    %dma_start3A_257 = tpu.memref_slice %arg8[%dma_start3A_256] : memref<13312xf32, #tpu.memory_space<vmem>> -> memref<512xf32, #tpu.memory_space<vmem>>
    %dma_start3A_258 = arith.constant 1024 : i32
    %dma_start3A_259 = tpu.memref_slice %arg7[%dma_start3A_258] : memref<13312xi32, #tpu.memory_space<vmem>> -> memref<512xi32, #tpu.memory_space<vmem>>
    %dma_start3A_260 = arith.constant 0 : i32
    %dma_start3A_261 = tpu.memref_slice %arg3[%dma_start3A_260] : memref<2600000xf32, #tpu.memory_space<hbm>> -> memref<2600000xf32, #tpu.memory_space<hbm>>
    tpu.enqueue_indirect_dma source(%dma_start3A_261 : memref<2600000xf32, #tpu.memory_space<hbm>>) target(%dma_start3A_257 : memref<512xf32, #tpu.memory_space<vmem>>) offsets(%dma_start3A_259 : memref<512xi32, #tpu.memory_space<vmem>>) semaphore(%arg12 : memref<!tpu.dma_semaphore, #tpu.memory_space<semaphore_mem>>)
    %dma_wait3A_262 = arith.constant 1536 : i32
    %dma_wait3A_263 = tpu.memref_slice %arg6[%dma_wait3A_262] : memref<13312xi32, #tpu.memory_space<vmem>> -> memref<512xi32, #tpu.memory_space<vmem>>
    %dma_wait3A_264 = tpu.memref_slice %arg2[%add3A_10] : memref<425984xi32, #tpu.memory_space<hbm>> -> memref<512xi32, #tpu.memory_space<hbm>>
    %dma_wait3A_265 = arith.constant 1536 : i32
    %dma_wait3A_266 = tpu.memref_slice %arg6[%dma_wait3A_265] : memref<13312xi32, #tpu.memory_space<vmem>> -> memref<512xi32, #tpu.memory_space<vmem>>
    %dma_wait3A_267 = tpu.memref_slice %arg2[%add3A_10] : memref<425984xi32, #tpu.memory_space<hbm>> -> memref<512xi32, #tpu.memory_space<hbm>>
    tpu.wait_dma2 semaphore(%arg11 : memref<!tpu.dma_semaphore, #tpu.memory_space<semaphore_mem>>) src(%dma_wait3A_267 : memref<512xi32, #tpu.memory_space<hbm>>) dst(%dma_wait3A_266 : memref<512xi32, #tpu.memory_space<vmem>>)
    %scan3A_268 = arith.constant 0 : i32
    %scan3A_269 = arith.constant 0 : i32
    %scan3A_270 = arith.constant 32 : i32
    %scan3A_271 = arith.addi %scan3A_269, %scan3A_270 : i32
    %scan3A_272 = arith.constant 1 : i32
    scf.for %scan3A_846 = %scan3A_269 to %scan3A_271 step %scan3A_272  : i32 {
      %add3A_847 = arith.constant 96 : i32
      %add3A_848 = arith.addi %add3A_847, %scan3A_846 : i32
      %mul3A_849 = arith.constant 16 : i32
      %mul3A_850 = arith.muli %add3A_848, %mul3A_849 : i32
      %get3A_851 = arith.index_cast %mul3A_850 : i32 to index
      %get3A_852 = tpu.vector_load %arg6[%get3A_851] {strides = array<i32>} : memref<13312xi32, #tpu.memory_space<vmem>>, vector<16xi32>,
      %get3A_853 = vector.shape_cast %get3A_852 : vector<16xi32> to vector<16xi32>
      %add3A_854 = arith.constant 300000 : i32
      %add3A_855 = vector.broadcast %add3A_854 : i32 to vector<16xi32>
      %add3A_856 = arith.addi %get3A_853, %add3A_855 : vector<16xi32>
      %mul3A_857 = arith.constant 16 : i32
      %mul3A_858 = arith.muli %add3A_848, %mul3A_857 : i32
      %swap3A = arith.index_cast %mul3A_858 : i32 to index
      %swap3A_859 = tpu.vector_load %arg7[%swap3A] {strides = array<i32>} : memref<13312xi32, #tpu.memory_space<vmem>>, vector<16xi32>,
      %swap3A_860 = vector.shape_cast %swap3A_859 : vector<16xi32> to vector<16xi32>
      %swap3A_861 = vector.shape_cast %add3A_856 : vector<16xi32> to vector<16xi32>
      tpu.vector_store %arg7[%swap3A], %swap3A_861 {strides = array<i32>} : memref<13312xi32, #tpu.memory_space<vmem>>, vector<16xi32>,
    }
    %scan3A_273 = arith.constant 32 : i32
    %dma_start3A_274 = arith.constant 1536 : i32
    %dma_start3A_275 = tpu.memref_slice %arg8[%dma_start3A_274] : memref<13312xf32, #tpu.memory_space<vmem>> -> memref<512xf32, #tpu.memory_space<vmem>>
    %dma_start3A_276 = arith.constant 1536 : i32
    %dma_start3A_277 = tpu.memref_slice %arg7[%dma_start3A_276] : memref<13312xi32, #tpu.memory_space<vmem>> -> memref<512xi32, #tpu.memory_space<vmem>>
    %dma_start3A_278 = arith.constant 0 : i32
    %dma_start3A_279 = tpu.memref_slice %arg3[%dma_start3A_278] : memref<2600000xf32, #tpu.memory_space<hbm>> -> memref<2600000xf32, #tpu.memory_space<hbm>>
    tpu.enqueue_indirect_dma source(%dma_start3A_279 : memref<2600000xf32, #tpu.memory_space<hbm>>) target(%dma_start3A_275 : memref<512xf32, #tpu.memory_space<vmem>>) offsets(%dma_start3A_277 : memref<512xi32, #tpu.memory_space<vmem>>) semaphore(%arg12 : memref<!tpu.dma_semaphore, #tpu.memory_space<semaphore_mem>>)
    %dma_wait3A_280 = arith.constant 2048 : i32
    %dma_wait3A_281 = tpu.memref_slice %arg6[%dma_wait3A_280] : memref<13312xi32, #tpu.memory_space<vmem>> -> memref<512xi32, #tpu.memory_space<vmem>>
    %dma_wait3A_282 = tpu.memref_slice %arg2[%add3A_12] : memref<425984xi32, #tpu.memory_space<hbm>> -> memref<512xi32, #tpu.memory_space<hbm>>
    %dma_wait3A_283 = arith.constant 2048 : i32
    %dma_wait3A_284 = tpu.memref_slice %arg6[%dma_wait3A_283] : memref<13312xi32, #tpu.memory_space<vmem>> -> memref<512xi32, #tpu.memory_space<vmem>>
    %dma_wait3A_285 = tpu.memref_slice %arg2[%add3A_12] : memref<425984xi32, #tpu.memory_space<hbm>> -> memref<512xi32, #tpu.memory_space<hbm>>
    tpu.wait_dma2 semaphore(%arg11 : memref<!tpu.dma_semaphore, #tpu.memory_space<semaphore_mem>>) src(%dma_wait3A_285 : memref<512xi32, #tpu.memory_space<hbm>>) dst(%dma_wait3A_284 : memref<512xi32, #tpu.memory_space<vmem>>)
    %scan3A_286 = arith.constant 0 : i32
    %scan3A_287 = arith.constant 0 : i32
    %scan3A_288 = arith.constant 32 : i32
    %scan3A_289 = arith.addi %scan3A_287, %scan3A_288 : i32
    %scan3A_290 = arith.constant 1 : i32
    scf.for %scan3A_846 = %scan3A_287 to %scan3A_289 step %scan3A_290  : i32 {
      %add3A_847 = arith.constant 128 : i32
      %add3A_848 = arith.addi %add3A_847, %scan3A_846 : i32
      %mul3A_849 = arith.constant 16 : i32
      %mul3A_850 = arith.muli %add3A_848, %mul3A_849 : i32
      %get3A_851 = arith.index_cast %mul3A_850 : i32 to index
      %get3A_852 = tpu.vector_load %arg6[%get3A_851] {strides = array<i32>} : memref<13312xi32, #tpu.memory_space<vmem>>, vector<16xi32>,
      %get3A_853 = vector.shape_cast %get3A_852 : vector<16xi32> to vector<16xi32>
      %add3A_854 = arith.constant 400000 : i32
      %add3A_855 = vector.broadcast %add3A_854 : i32 to vector<16xi32>
      %add3A_856 = arith.addi %get3A_853, %add3A_855 : vector<16xi32>
      %mul3A_857 = arith.constant 16 : i32
      %mul3A_858 = arith.muli %add3A_848, %mul3A_857 : i32
      %swap3A = arith.index_cast %mul3A_858 : i32 to index
      %swap3A_859 = tpu.vector_load %arg7[%swap3A] {strides = array<i32>} : memref<13312xi32, #tpu.memory_space<vmem>>, vector<16xi32>,
      %swap3A_860 = vector.shape_cast %swap3A_859 : vector<16xi32> to vector<16xi32>
      %swap3A_861 = vector.shape_cast %add3A_856 : vector<16xi32> to vector<16xi32>
      tpu.vector_store %arg7[%swap3A], %swap3A_861 {strides = array<i32>} : memref<13312xi32, #tpu.memory_space<vmem>>, vector<16xi32>,
    }
    %scan3A_291 = arith.constant 32 : i32
    %dma_start3A_292 = arith.constant 2048 : i32
    %dma_start3A_293 = tpu.memref_slice %arg8[%dma_start3A_292] : memref<13312xf32, #tpu.memory_space<vmem>> -> memref<512xf32, #tpu.memory_space<vmem>>
    %dma_start3A_294 = arith.constant 2048 : i32
    %dma_start3A_295 = tpu.memref_slice %arg7[%dma_start3A_294] : memref<13312xi32, #tpu.memory_space<vmem>> -> memref<512xi32, #tpu.memory_space<vmem>>
    %dma_start3A_296 = arith.constant 0 : i32
    %dma_start3A_297 = tpu.memref_slice %arg3[%dma_start3A_296] : memref<2600000xf32, #tpu.memory_space<hbm>> -> memref<2600000xf32, #tpu.memory_space<hbm>>
    tpu.enqueue_indirect_dma source(%dma_start3A_297 : memref<2600000xf32, #tpu.memory_space<hbm>>) target(%dma_start3A_293 : memref<512xf32, #tpu.memory_space<vmem>>) offsets(%dma_start3A_295 : memref<512xi32, #tpu.memory_space<vmem>>) semaphore(%arg12 : memref<!tpu.dma_semaphore, #tpu.memory_space<semaphore_mem>>)
    %dma_wait3A_298 = arith.constant 2560 : i32
    %dma_wait3A_299 = tpu.memref_slice %arg6[%dma_wait3A_298] : memref<13312xi32, #tpu.memory_space<vmem>> -> memref<512xi32, #tpu.memory_space<vmem>>
    %dma_wait3A_300 = tpu.memref_slice %arg2[%add3A_14] : memref<425984xi32, #tpu.memory_space<hbm>> -> memref<512xi32, #tpu.memory_space<hbm>>
    %dma_wait3A_301 = arith.constant 2560 : i32
    %dma_wait3A_302 = tpu.memref_slice %arg6[%dma_wait3A_301] : memref<13312xi32, #tpu.memory_space<vmem>> -> memref<512xi32, #tpu.memory_space<vmem>>
    %dma_wait3A_303 = tpu.memref_slice %arg2[%add3A_14] : memref<425984xi32, #tpu.memory_space<hbm>> -> memref<512xi32, #tpu.memory_space<hbm>>
    tpu.wait_dma2 semaphore(%arg11 : memref<!tpu.dma_semaphore, #tpu.memory_space<semaphore_mem>>) src(%dma_wait3A_303 : memref<512xi32, #tpu.memory_space<hbm>>) dst(%dma_wait3A_302 : memref<512xi32, #tpu.memory_space<vmem>>)
    %scan3A_304 = arith.constant 0 : i32
    %scan3A_305 = arith.constant 0 : i32
    %scan3A_306 = arith.constant 32 : i32
    %scan3A_307 = arith.addi %scan3A_305, %scan3A_306 : i32
    %scan3A_308 = arith.constant 1 : i32
    scf.for %scan3A_846 = %scan3A_305 to %scan3A_307 step %scan3A_308  : i32 {
      %add3A_847 = arith.constant 160 : i32
      %add3A_848 = arith.addi %add3A_847, %scan3A_846 : i32
      %mul3A_849 = arith.constant 16 : i32
      %mul3A_850 = arith.muli %add3A_848, %mul3A_849 : i32
      %get3A_851 = arith.index_cast %mul3A_850 : i32 to index
      %get3A_852 = tpu.vector_load %arg6[%get3A_851] {strides = array<i32>} : memref<13312xi32, #tpu.memory_space<vmem>>, vector<16xi32>,
      %get3A_853 = vector.shape_cast %get3A_852 : vector<16xi32> to vector<16xi32>
      %add3A_854 = arith.constant 500000 : i32
      %add3A_855 = vector.broadcast %add3A_854 : i32 to vector<16xi32>
      %add3A_856 = arith.addi %get3A_853, %add3A_855 : vector<16xi32>
      %mul3A_857 = arith.constant 16 : i32
      %mul3A_858 = arith.muli %add3A_848, %mul3A_857 : i32
      %swap3A = arith.index_cast %mul3A_858 : i32 to index
      %swap3A_859 = tpu.vector_load %arg7[%swap3A] {strides = array<i32>} : memref<13312xi32, #tpu.memory_space<vmem>>, vector<16xi32>,
      %swap3A_860 = vector.shape_cast %swap3A_859 : vector<16xi32> to vector<16xi32>
      %swap3A_861 = vector.shape_cast %add3A_856 : vector<16xi32> to vector<16xi32>
      tpu.vector_store %arg7[%swap3A], %swap3A_861 {strides = array<i32>} : memref<13312xi32, #tpu.memory_space<vmem>>, vector<16xi32>,
    }
    %scan3A_309 = arith.constant 32 : i32
    %dma_start3A_310 = arith.constant 2560 : i32
    %dma_start3A_311 = tpu.memref_slice %arg8[%dma_start3A_310] : memref<13312xf32, #tpu.memory_space<vmem>> -> memref<512xf32, #tpu.memory_space<vmem>>
    %dma_start3A_312 = arith.constant 2560 : i32
    %dma_start3A_313 = tpu.memref_slice %arg7[%dma_start3A_312] : memref<13312xi32, #tpu.memory_space<vmem>> -> memref<512xi32, #tpu.memory_space<vmem>>
    %dma_start3A_314 = arith.constant 0 : i32
    %dma_start3A_315 = tpu.memref_slice %arg3[%dma_start3A_314] : memref<2600000xf32, #tpu.memory_space<hbm>> -> memref<2600000xf32, #tpu.memory_space<hbm>>
    tpu.enqueue_indirect_dma source(%dma_start3A_315 : memref<2600000xf32, #tpu.memory_space<hbm>>) target(%dma_start3A_311 : memref<512xf32, #tpu.memory_space<vmem>>) offsets(%dma_start3A_313 : memref<512xi32, #tpu.memory_space<vmem>>) semaphore(%arg12 : memref<!tpu.dma_semaphore, #tpu.memory_space<semaphore_mem>>)
    %dma_wait3A_316 = arith.constant 3072 : i32
    %dma_wait3A_317 = tpu.memref_slice %arg6[%dma_wait3A_316] : memref<13312xi32, #tpu.memory_space<vmem>> -> memref<512xi32, #tpu.memory_space<vmem>>
    %dma_wait3A_318 = tpu.memref_slice %arg2[%add3A_16] : memref<425984xi32, #tpu.memory_space<hbm>> -> memref<512xi32, #tpu.memory_space<hbm>>
    %dma_wait3A_319 = arith.constant 3072 : i32
    %dma_wait3A_320 = tpu.memref_slice %arg6[%dma_wait3A_319] : memref<13312xi32, #tpu.memory_space<vmem>> -> memref<512xi32, #tpu.memory_space<vmem>>
    %dma_wait3A_321 = tpu.memref_slice %arg2[%add3A_16] : memref<425984xi32, #tpu.memory_space<hbm>> -> memref<512xi32, #tpu.memory_space<hbm>>
    tpu.wait_dma2 semaphore(%arg11 : memref<!tpu.dma_semaphore, #tpu.memory_space<semaphore_mem>>) src(%dma_wait3A_321 : memref<512xi32, #tpu.memory_space<hbm>>) dst(%dma_wait3A_320 : memref<512xi32, #tpu.memory_space<vmem>>)
    %scan3A_322 = arith.constant 0 : i32
    %scan3A_323 = arith.constant 0 : i32
    %scan3A_324 = arith.constant 32 : i32
    %scan3A_325 = arith.addi %scan3A_323, %scan3A_324 : i32
    %scan3A_326 = arith.constant 1 : i32
    scf.for %scan3A_846 = %scan3A_323 to %scan3A_325 step %scan3A_326  : i32 {
      %add3A_847 = arith.constant 192 : i32
      %add3A_848 = arith.addi %add3A_847, %scan3A_846 : i32
      %mul3A_849 = arith.constant 16 : i32
      %mul3A_850 = arith.muli %add3A_848, %mul3A_849 : i32
      %get3A_851 = arith.index_cast %mul3A_850 : i32 to index
      %get3A_852 = tpu.vector_load %arg6[%get3A_851] {strides = array<i32>} : memref<13312xi32, #tpu.memory_space<vmem>>, vector<16xi32>,
      %get3A_853 = vector.shape_cast %get3A_852 : vector<16xi32> to vector<16xi32>
      %add3A_854 = arith.constant 600000 : i32
      %add3A_855 = vector.broadcast %add3A_854 : i32 to vector<16xi32>
      %add3A_856 = arith.addi %get3A_853, %add3A_855 : vector<16xi32>
      %mul3A_857 = arith.constant 16 : i32
      %mul3A_858 = arith.muli %add3A_848, %mul3A_857 : i32
      %swap3A = arith.index_cast %mul3A_858 : i32 to index
      %swap3A_859 = tpu.vector_load %arg7[%swap3A] {strides = array<i32>} : memref<13312xi32, #tpu.memory_space<vmem>>, vector<16xi32>,
      %swap3A_860 = vector.shape_cast %swap3A_859 : vector<16xi32> to vector<16xi32>
      %swap3A_861 = vector.shape_cast %add3A_856 : vector<16xi32> to vector<16xi32>
      tpu.vector_store %arg7[%swap3A], %swap3A_861 {strides = array<i32>} : memref<13312xi32, #tpu.memory_space<vmem>>, vector<16xi32>,
    }
    %scan3A_327 = arith.constant 32 : i32
    %dma_start3A_328 = arith.constant 3072 : i32
    %dma_start3A_329 = tpu.memref_slice %arg8[%dma_start3A_328] : memref<13312xf32, #tpu.memory_space<vmem>> -> memref<512xf32, #tpu.memory_space<vmem>>
    %dma_start3A_330 = arith.constant 3072 : i32
    %dma_start3A_331 = tpu.memref_slice %arg7[%dma_start3A_330] : memref<13312xi32, #tpu.memory_space<vmem>> -> memref<512xi32, #tpu.memory_space<vmem>>
    %dma_start3A_332 = arith.constant 0 : i32
    %dma_start3A_333 = tpu.memref_slice %arg3[%dma_start3A_332] : memref<2600000xf32, #tpu.memory_space<hbm>> -> memref<2600000xf32, #tpu.memory_space<hbm>>
    tpu.enqueue_indirect_dma source(%dma_start3A_333 : memref<2600000xf32, #tpu.memory_space<hbm>>) target(%dma_start3A_329 : memref<512xf32, #tpu.memory_space<vmem>>) offsets(%dma_start3A_331 : memref<512xi32, #tpu.memory_space<vmem>>) semaphore(%arg12 : memref<!tpu.dma_semaphore, #tpu.memory_space<semaphore_mem>>)
    %dma_wait3A_334 = arith.constant 3584 : i32
    %dma_wait3A_335 = tpu.memref_slice %arg6[%dma_wait3A_334] : memref<13312xi32, #tpu.memory_space<vmem>> -> memref<512xi32, #tpu.memory_space<vmem>>
    %dma_wait3A_336 = tpu.memref_slice %arg2[%add3A_18] : memref<425984xi32, #tpu.memory_space<hbm>> -> memref<512xi32, #tpu.memory_space<hbm>>
    %dma_wait3A_337 = arith.constant 3584 : i32
    %dma_wait3A_338 = tpu.memref_slice %arg6[%dma_wait3A_337] : memref<13312xi32, #tpu.memory_space<vmem>> -> memref<512xi32, #tpu.memory_space<vmem>>
    %dma_wait3A_339 = tpu.memref_slice %arg2[%add3A_18] : memref<425984xi32, #tpu.memory_space<hbm>> -> memref<512xi32, #tpu.memory_space<hbm>>
    tpu.wait_dma2 semaphore(%arg11 : memref<!tpu.dma_semaphore, #tpu.memory_space<semaphore_mem>>) src(%dma_wait3A_339 : memref<512xi32, #tpu.memory_space<hbm>>) dst(%dma_wait3A_338 : memref<512xi32, #tpu.memory_space<vmem>>)
    %scan3A_340 = arith.constant 0 : i32
    %scan3A_341 = arith.constant 0 : i32
    %scan3A_342 = arith.constant 32 : i32
    %scan3A_343 = arith.addi %scan3A_341, %scan3A_342 : i32
    %scan3A_344 = arith.constant 1 : i32
    scf.for %scan3A_846 = %scan3A_341 to %scan3A_343 step %scan3A_344  : i32 {
      %add3A_847 = arith.constant 224 : i32
      %add3A_848 = arith.addi %add3A_847, %scan3A_846 : i32
      %mul3A_849 = arith.constant 16 : i32
      %mul3A_850 = arith.muli %add3A_848, %mul3A_849 : i32
      %get3A_851 = arith.index_cast %mul3A_850 : i32 to index
      %get3A_852 = tpu.vector_load %arg6[%get3A_851] {strides = array<i32>} : memref<13312xi32, #tpu.memory_space<vmem>>, vector<16xi32>,
      %get3A_853 = vector.shape_cast %get3A_852 : vector<16xi32> to vector<16xi32>
      %add3A_854 = arith.constant 700000 : i32
      %add3A_855 = vector.broadcast %add3A_854 : i32 to vector<16xi32>
      %add3A_856 = arith.addi %get3A_853, %add3A_855 : vector<16xi32>
      %mul3A_857 = arith.constant 16 : i32
      %mul3A_858 = arith.muli %add3A_848, %mul3A_857 : i32
      %swap3A = arith.index_cast %mul3A_858 : i32 to index
      %swap3A_859 = tpu.vector_load %arg7[%swap3A] {strides = array<i32>} : memref<13312xi32, #tpu.memory_space<vmem>>, vector<16xi32>,
      %swap3A_860 = vector.shape_cast %swap3A_859 : vector<16xi32> to vector<16xi32>
      %swap3A_861 = vector.shape_cast %add3A_856 : vector<16xi32> to vector<16xi32>
      tpu.vector_store %arg7[%swap3A], %swap3A_861 {strides = array<i32>} : memref<13312xi32, #tpu.memory_space<vmem>>, vector<16xi32>,
    }
    %scan3A_345 = arith.constant 32 : i32
    %dma_start3A_346 = arith.constant 3584 : i32
    %dma_start3A_347 = tpu.memref_slice %arg8[%dma_start3A_346] : memref<13312xf32, #tpu.memory_space<vmem>> -> memref<512xf32, #tpu.memory_space<vmem>>
    %dma_start3A_348 = arith.constant 3584 : i32
    %dma_start3A_349 = tpu.memref_slice %arg7[%dma_start3A_348] : memref<13312xi32, #tpu.memory_space<vmem>> -> memref<512xi32, #tpu.memory_space<vmem>>
    %dma_start3A_350 = arith.constant 0 : i32
    %dma_start3A_351 = tpu.memref_slice %arg3[%dma_start3A_350] : memref<2600000xf32, #tpu.memory_space<hbm>> -> memref<2600000xf32, #tpu.memory_space<hbm>>
    tpu.enqueue_indirect_dma source(%dma_start3A_351 : memref<2600000xf32, #tpu.memory_space<hbm>>) target(%dma_start3A_347 : memref<512xf32, #tpu.memory_space<vmem>>) offsets(%dma_start3A_349 : memref<512xi32, #tpu.memory_space<vmem>>) semaphore(%arg12 : memref<!tpu.dma_semaphore, #tpu.memory_space<semaphore_mem>>)
    %dma_wait3A_352 = arith.constant 4096 : i32
    %dma_wait3A_353 = tpu.memref_slice %arg6[%dma_wait3A_352] : memref<13312xi32, #tpu.memory_space<vmem>> -> memref<512xi32, #tpu.memory_space<vmem>>
    %dma_wait3A_354 = tpu.memref_slice %arg2[%add3A_20] : memref<425984xi32, #tpu.memory_space<hbm>> -> memref<512xi32, #tpu.memory_space<hbm>>
    %dma_wait3A_355 = arith.constant 4096 : i32
    %dma_wait3A_356 = tpu.memref_slice %arg6[%dma_wait3A_355] : memref<13312xi32, #tpu.memory_space<vmem>> -> memref<512xi32, #tpu.memory_space<vmem>>
    %dma_wait3A_357 = tpu.memref_slice %arg2[%add3A_20] : memref<425984xi32, #tpu.memory_space<hbm>> -> memref<512xi32, #tpu.memory_space<hbm>>
    tpu.wait_dma2 semaphore(%arg11 : memref<!tpu.dma_semaphore, #tpu.memory_space<semaphore_mem>>) src(%dma_wait3A_357 : memref<512xi32, #tpu.memory_space<hbm>>) dst(%dma_wait3A_356 : memref<512xi32, #tpu.memory_space<vmem>>)
    %scan3A_358 = arith.constant 0 : i32
    %scan3A_359 = arith.constant 0 : i32
    %scan3A_360 = arith.constant 32 : i32
    %scan3A_361 = arith.addi %scan3A_359, %scan3A_360 : i32
    %scan3A_362 = arith.constant 1 : i32
    scf.for %scan3A_846 = %scan3A_359 to %scan3A_361 step %scan3A_362  : i32 {
      %add3A_847 = arith.constant 256 : i32
      %add3A_848 = arith.addi %add3A_847, %scan3A_846 : i32
      %mul3A_849 = arith.constant 16 : i32
      %mul3A_850 = arith.muli %add3A_848, %mul3A_849 : i32
      %get3A_851 = arith.index_cast %mul3A_850 : i32 to index
      %get3A_852 = tpu.vector_load %arg6[%get3A_851] {strides = array<i32>} : memref<13312xi32, #tpu.memory_space<vmem>>, vector<16xi32>,
      %get3A_853 = vector.shape_cast %get3A_852 : vector<16xi32> to vector<16xi32>
      %add3A_854 = arith.constant 800000 : i32
      %add3A_855 = vector.broadcast %add3A_854 : i32 to vector<16xi32>
      %add3A_856 = arith.addi %get3A_853, %add3A_855 : vector<16xi32>
      %mul3A_857 = arith.constant 16 : i32
      %mul3A_858 = arith.muli %add3A_848, %mul3A_857 : i32
      %swap3A = arith.index_cast %mul3A_858 : i32 to index
      %swap3A_859 = tpu.vector_load %arg7[%swap3A] {strides = array<i32>} : memref<13312xi32, #tpu.memory_space<vmem>>, vector<16xi32>,
      %swap3A_860 = vector.shape_cast %swap3A_859 : vector<16xi32> to vector<16xi32>
      %swap3A_861 = vector.shape_cast %add3A_856 : vector<16xi32> to vector<16xi32>
      tpu.vector_store %arg7[%swap3A], %swap3A_861 {strides = array<i32>} : memref<13312xi32, #tpu.memory_space<vmem>>, vector<16xi32>,
    }
    %scan3A_363 = arith.constant 32 : i32
    %dma_start3A_364 = arith.constant 4096 : i32
    %dma_start3A_365 = tpu.memref_slice %arg8[%dma_start3A_364] : memref<13312xf32, #tpu.memory_space<vmem>> -> memref<512xf32, #tpu.memory_space<vmem>>
    %dma_start3A_366 = arith.constant 4096 : i32
    %dma_start3A_367 = tpu.memref_slice %arg7[%dma_start3A_366] : memref<13312xi32, #tpu.memory_space<vmem>> -> memref<512xi32, #tpu.memory_space<vmem>>
    %dma_start3A_368 = arith.constant 0 : i32
    %dma_start3A_369 = tpu.memref_slice %arg3[%dma_start3A_368] : memref<2600000xf32, #tpu.memory_space<hbm>> -> memref<2600000xf32, #tpu.memory_space<hbm>>
    tpu.enqueue_indirect_dma source(%dma_start3A_369 : memref<2600000xf32, #tpu.memory_space<hbm>>) target(%dma_start3A_365 : memref<512xf32, #tpu.memory_space<vmem>>) offsets(%dma_start3A_367 : memref<512xi32, #tpu.memory_space<vmem>>) semaphore(%arg12 : memref<!tpu.dma_semaphore, #tpu.memory_space<semaphore_mem>>)
    %dma_wait3A_370 = arith.constant 4608 : i32
    %dma_wait3A_371 = tpu.memref_slice %arg6[%dma_wait3A_370] : memref<13312xi32, #tpu.memory_space<vmem>> -> memref<512xi32, #tpu.memory_space<vmem>>
    %dma_wait3A_372 = tpu.memref_slice %arg2[%add3A_22] : memref<425984xi32, #tpu.memory_space<hbm>> -> memref<512xi32, #tpu.memory_space<hbm>>
    %dma_wait3A_373 = arith.constant 4608 : i32
    %dma_wait3A_374 = tpu.memref_slice %arg6[%dma_wait3A_373] : memref<13312xi32, #tpu.memory_space<vmem>> -> memref<512xi32, #tpu.memory_space<vmem>>
    %dma_wait3A_375 = tpu.memref_slice %arg2[%add3A_22] : memref<425984xi32, #tpu.memory_space<hbm>> -> memref<512xi32, #tpu.memory_space<hbm>>
    tpu.wait_dma2 semaphore(%arg11 : memref<!tpu.dma_semaphore, #tpu.memory_space<semaphore_mem>>) src(%dma_wait3A_375 : memref<512xi32, #tpu.memory_space<hbm>>) dst(%dma_wait3A_374 : memref<512xi32, #tpu.memory_space<vmem>>)
    %scan3A_376 = arith.constant 0 : i32
    %scan3A_377 = arith.constant 0 : i32
    %scan3A_378 = arith.constant 32 : i32
    %scan3A_379 = arith.addi %scan3A_377, %scan3A_378 : i32
    %scan3A_380 = arith.constant 1 : i32
    scf.for %scan3A_846 = %scan3A_377 to %scan3A_379 step %scan3A_380  : i32 {
      %add3A_847 = arith.constant 288 : i32
      %add3A_848 = arith.addi %add3A_847, %scan3A_846 : i32
      %mul3A_849 = arith.constant 16 : i32
      %mul3A_850 = arith.muli %add3A_848, %mul3A_849 : i32
      %get3A_851 = arith.index_cast %mul3A_850 : i32 to index
      %get3A_852 = tpu.vector_load %arg6[%get3A_851] {strides = array<i32>} : memref<13312xi32, #tpu.memory_space<vmem>>, vector<16xi32>,
      %get3A_853 = vector.shape_cast %get3A_852 : vector<16xi32> to vector<16xi32>
      %add3A_854 = arith.constant 900000 : i32
      %add3A_855 = vector.broadcast %add3A_854 : i32 to vector<16xi32>
      %add3A_856 = arith.addi %get3A_853, %add3A_855 : vector<16xi32>
      %mul3A_857 = arith.constant 16 : i32
      %mul3A_858 = arith.muli %add3A_848, %mul3A_857 : i32
      %swap3A = arith.index_cast %mul3A_858 : i32 to index
      %swap3A_859 = tpu.vector_load %arg7[%swap3A] {strides = array<i32>} : memref<13312xi32, #tpu.memory_space<vmem>>, vector<16xi32>,
      %swap3A_860 = vector.shape_cast %swap3A_859 : vector<16xi32> to vector<16xi32>
      %swap3A_861 = vector.shape_cast %add3A_856 : vector<16xi32> to vector<16xi32>
      tpu.vector_store %arg7[%swap3A], %swap3A_861 {strides = array<i32>} : memref<13312xi32, #tpu.memory_space<vmem>>, vector<16xi32>,
    }
    %scan3A_381 = arith.constant 32 : i32
    %dma_start3A_382 = arith.constant 4608 : i32
    %dma_start3A_383 = tpu.memref_slice %arg8[%dma_start3A_382] : memref<13312xf32, #tpu.memory_space<vmem>> -> memref<512xf32, #tpu.memory_space<vmem>>
    %dma_start3A_384 = arith.constant 4608 : i32
    %dma_start3A_385 = tpu.memref_slice %arg7[%dma_start3A_384] : memref<13312xi32, #tpu.memory_space<vmem>> -> memref<512xi32, #tpu.memory_space<vmem>>
    %dma_start3A_386 = arith.constant 0 : i32
    %dma_start3A_387 = tpu.memref_slice %arg3[%dma_start3A_386] : memref<2600000xf32, #tpu.memory_space<hbm>> -> memref<2600000xf32, #tpu.memory_space<hbm>>
    tpu.enqueue_indirect_dma source(%dma_start3A_387 : memref<2600000xf32, #tpu.memory_space<hbm>>) target(%dma_start3A_383 : memref<512xf32, #tpu.memory_space<vmem>>) offsets(%dma_start3A_385 : memref<512xi32, #tpu.memory_space<vmem>>) semaphore(%arg12 : memref<!tpu.dma_semaphore, #tpu.memory_space<semaphore_mem>>)
    %dma_wait3A_388 = arith.constant 5120 : i32
    %dma_wait3A_389 = tpu.memref_slice %arg6[%dma_wait3A_388] : memref<13312xi32, #tpu.memory_space<vmem>> -> memref<512xi32, #tpu.memory_space<vmem>>
    %dma_wait3A_390 = tpu.memref_slice %arg2[%add3A_24] : memref<425984xi32, #tpu.memory_space<hbm>> -> memref<512xi32, #tpu.memory_space<hbm>>
    %dma_wait3A_391 = arith.constant 5120 : i32
    %dma_wait3A_392 = tpu.memref_slice %arg6[%dma_wait3A_391] : memref<13312xi32, #tpu.memory_space<vmem>> -> memref<512xi32, #tpu.memory_space<vmem>>
    %dma_wait3A_393 = tpu.memref_slice %arg2[%add3A_24] : memref<425984xi32, #tpu.memory_space<hbm>> -> memref<512xi32, #tpu.memory_space<hbm>>
    tpu.wait_dma2 semaphore(%arg11 : memref<!tpu.dma_semaphore, #tpu.memory_space<semaphore_mem>>) src(%dma_wait3A_393 : memref<512xi32, #tpu.memory_space<hbm>>) dst(%dma_wait3A_392 : memref<512xi32, #tpu.memory_space<vmem>>)
    %scan3A_394 = arith.constant 0 : i32
    %scan3A_395 = arith.constant 0 : i32
    %scan3A_396 = arith.constant 32 : i32
    %scan3A_397 = arith.addi %scan3A_395, %scan3A_396 : i32
    %scan3A_398 = arith.constant 1 : i32
    scf.for %scan3A_846 = %scan3A_395 to %scan3A_397 step %scan3A_398  : i32 {
      %add3A_847 = arith.constant 320 : i32
      %add3A_848 = arith.addi %add3A_847, %scan3A_846 : i32
      %mul3A_849 = arith.constant 16 : i32
      %mul3A_850 = arith.muli %add3A_848, %mul3A_849 : i32
      %get3A_851 = arith.index_cast %mul3A_850 : i32 to index
      %get3A_852 = tpu.vector_load %arg6[%get3A_851] {strides = array<i32>} : memref<13312xi32, #tpu.memory_space<vmem>>, vector<16xi32>,
      %get3A_853 = vector.shape_cast %get3A_852 : vector<16xi32> to vector<16xi32>
      %add3A_854 = arith.constant 1000000 : i32
      %add3A_855 = vector.broadcast %add3A_854 : i32 to vector<16xi32>
      %add3A_856 = arith.addi %get3A_853, %add3A_855 : vector<16xi32>
      %mul3A_857 = arith.constant 16 : i32
      %mul3A_858 = arith.muli %add3A_848, %mul3A_857 : i32
      %swap3A = arith.index_cast %mul3A_858 : i32 to index
      %swap3A_859 = tpu.vector_load %arg7[%swap3A] {strides = array<i32>} : memref<13312xi32, #tpu.memory_space<vmem>>, vector<16xi32>,
      %swap3A_860 = vector.shape_cast %swap3A_859 : vector<16xi32> to vector<16xi32>
      %swap3A_861 = vector.shape_cast %add3A_856 : vector<16xi32> to vector<16xi32>
      tpu.vector_store %arg7[%swap3A], %swap3A_861 {strides = array<i32>} : memref<13312xi32, #tpu.memory_space<vmem>>, vector<16xi32>,
    }
    %scan3A_399 = arith.constant 32 : i32
    %dma_start3A_400 = arith.constant 5120 : i32
    %dma_start3A_401 = tpu.memref_slice %arg8[%dma_start3A_400] : memref<13312xf32, #tpu.memory_space<vmem>> -> memref<512xf32, #tpu.memory_space<vmem>>
    %dma_start3A_402 = arith.constant 5120 : i32
    %dma_start3A_403 = tpu.memref_slice %arg7[%dma_start3A_402] : memref<13312xi32, #tpu.memory_space<vmem>> -> memref<512xi32, #tpu.memory_space<vmem>>
    %dma_start3A_404 = arith.constant 0 : i32
    %dma_start3A_405 = tpu.memref_slice %arg3[%dma_start3A_404] : memref<2600000xf32, #tpu.memory_space<hbm>> -> memref<2600000xf32, #tpu.memory_space<hbm>>
    tpu.enqueue_indirect_dma source(%dma_start3A_405 : memref<2600000xf32, #tpu.memory_space<hbm>>) target(%dma_start3A_401 : memref<512xf32, #tpu.memory_space<vmem>>) offsets(%dma_start3A_403 : memref<512xi32, #tpu.memory_space<vmem>>) semaphore(%arg12 : memref<!tpu.dma_semaphore, #tpu.memory_space<semaphore_mem>>)
    %dma_wait3A_406 = arith.constant 5632 : i32
    %dma_wait3A_407 = tpu.memref_slice %arg6[%dma_wait3A_406] : memref<13312xi32, #tpu.memory_space<vmem>> -> memref<512xi32, #tpu.memory_space<vmem>>
    %dma_wait3A_408 = tpu.memref_slice %arg2[%add3A_26] : memref<425984xi32, #tpu.memory_space<hbm>> -> memref<512xi32, #tpu.memory_space<hbm>>
    %dma_wait3A_409 = arith.constant 5632 : i32
    %dma_wait3A_410 = tpu.memref_slice %arg6[%dma_wait3A_409] : memref<13312xi32, #tpu.memory_space<vmem>> -> memref<512xi32, #tpu.memory_space<vmem>>
    %dma_wait3A_411 = tpu.memref_slice %arg2[%add3A_26] : memref<425984xi32, #tpu.memory_space<hbm>> -> memref<512xi32, #tpu.memory_space<hbm>>
    tpu.wait_dma2 semaphore(%arg11 : memref<!tpu.dma_semaphore, #tpu.memory_space<semaphore_mem>>) src(%dma_wait3A_411 : memref<512xi32, #tpu.memory_space<hbm>>) dst(%dma_wait3A_410 : memref<512xi32, #tpu.memory_space<vmem>>)
    %scan3A_412 = arith.constant 0 : i32
    %scan3A_413 = arith.constant 0 : i32
    %scan3A_414 = arith.constant 32 : i32
    %scan3A_415 = arith.addi %scan3A_413, %scan3A_414 : i32
    %scan3A_416 = arith.constant 1 : i32
    scf.for %scan3A_846 = %scan3A_413 to %scan3A_415 step %scan3A_416  : i32 {
      %add3A_847 = arith.constant 352 : i32
      %add3A_848 = arith.addi %add3A_847, %scan3A_846 : i32
      %mul3A_849 = arith.constant 16 : i32
      %mul3A_850 = arith.muli %add3A_848, %mul3A_849 : i32
      %get3A_851 = arith.index_cast %mul3A_850 : i32 to index
      %get3A_852 = tpu.vector_load %arg6[%get3A_851] {strides = array<i32>} : memref<13312xi32, #tpu.memory_space<vmem>>, vector<16xi32>,
      %get3A_853 = vector.shape_cast %get3A_852 : vector<16xi32> to vector<16xi32>
      %add3A_854 = arith.constant 1100000 : i32
      %add3A_855 = vector.broadcast %add3A_854 : i32 to vector<16xi32>
      %add3A_856 = arith.addi %get3A_853, %add3A_855 : vector<16xi32>
      %mul3A_857 = arith.constant 16 : i32
      %mul3A_858 = arith.muli %add3A_848, %mul3A_857 : i32
      %swap3A = arith.index_cast %mul3A_858 : i32 to index
      %swap3A_859 = tpu.vector_load %arg7[%swap3A] {strides = array<i32>} : memref<13312xi32, #tpu.memory_space<vmem>>, vector<16xi32>,
      %swap3A_860 = vector.shape_cast %swap3A_859 : vector<16xi32> to vector<16xi32>
      %swap3A_861 = vector.shape_cast %add3A_856 : vector<16xi32> to vector<16xi32>
      tpu.vector_store %arg7[%swap3A], %swap3A_861 {strides = array<i32>} : memref<13312xi32, #tpu.memory_space<vmem>>, vector<16xi32>,
    }
    %scan3A_417 = arith.constant 32 : i32
    %dma_start3A_418 = arith.constant 5632 : i32
    %dma_start3A_419 = tpu.memref_slice %arg8[%dma_start3A_418] : memref<13312xf32, #tpu.memory_space<vmem>> -> memref<512xf32, #tpu.memory_space<vmem>>
    %dma_start3A_420 = arith.constant 5632 : i32
    %dma_start3A_421 = tpu.memref_slice %arg7[%dma_start3A_420] : memref<13312xi32, #tpu.memory_space<vmem>> -> memref<512xi32, #tpu.memory_space<vmem>>
    %dma_start3A_422 = arith.constant 0 : i32
    %dma_start3A_423 = tpu.memref_slice %arg3[%dma_start3A_422] : memref<2600000xf32, #tpu.memory_space<hbm>> -> memref<2600000xf32, #tpu.memory_space<hbm>>
    tpu.enqueue_indirect_dma source(%dma_start3A_423 : memref<2600000xf32, #tpu.memory_space<hbm>>) target(%dma_start3A_419 : memref<512xf32, #tpu.memory_space<vmem>>) offsets(%dma_start3A_421 : memref<512xi32, #tpu.memory_space<vmem>>) semaphore(%arg12 : memref<!tpu.dma_semaphore, #tpu.memory_space<semaphore_mem>>)
    %dma_wait3A_424 = arith.constant 6144 : i32
    %dma_wait3A_425 = tpu.memref_slice %arg6[%dma_wait3A_424] : memref<13312xi32, #tpu.memory_space<vmem>> -> memref<512xi32, #tpu.memory_space<vmem>>
    %dma_wait3A_426 = tpu.memref_slice %arg2[%add3A_28] : memref<425984xi32, #tpu.memory_space<hbm>> -> memref<512xi32, #tpu.memory_space<hbm>>
    %dma_wait3A_427 = arith.constant 6144 : i32
    %dma_wait3A_428 = tpu.memref_slice %arg6[%dma_wait3A_427] : memref<13312xi32, #tpu.memory_space<vmem>> -> memref<512xi32, #tpu.memory_space<vmem>>
    %dma_wait3A_429 = tpu.memref_slice %arg2[%add3A_28] : memref<425984xi32, #tpu.memory_space<hbm>> -> memref<512xi32, #tpu.memory_space<hbm>>
    tpu.wait_dma2 semaphore(%arg11 : memref<!tpu.dma_semaphore, #tpu.memory_space<semaphore_mem>>) src(%dma_wait3A_429 : memref<512xi32, #tpu.memory_space<hbm>>) dst(%dma_wait3A_428 : memref<512xi32, #tpu.memory_space<vmem>>)
    %scan3A_430 = arith.constant 0 : i32
    %scan3A_431 = arith.constant 0 : i32
    %scan3A_432 = arith.constant 32 : i32
    %scan3A_433 = arith.addi %scan3A_431, %scan3A_432 : i32
    %scan3A_434 = arith.constant 1 : i32
    scf.for %scan3A_846 = %scan3A_431 to %scan3A_433 step %scan3A_434  : i32 {
      %add3A_847 = arith.constant 384 : i32
      %add3A_848 = arith.addi %add3A_847, %scan3A_846 : i32
      %mul3A_849 = arith.constant 16 : i32
      %mul3A_850 = arith.muli %add3A_848, %mul3A_849 : i32
      %get3A_851 = arith.index_cast %mul3A_850 : i32 to index
      %get3A_852 = tpu.vector_load %arg6[%get3A_851] {strides = array<i32>} : memref<13312xi32, #tpu.memory_space<vmem>>, vector<16xi32>,
      %get3A_853 = vector.shape_cast %get3A_852 : vector<16xi32> to vector<16xi32>
      %add3A_854 = arith.constant 1200000 : i32
      %add3A_855 = vector.broadcast %add3A_854 : i32 to vector<16xi32>
      %add3A_856 = arith.addi %get3A_853, %add3A_855 : vector<16xi32>
      %mul3A_857 = arith.constant 16 : i32
      %mul3A_858 = arith.muli %add3A_848, %mul3A_857 : i32
      %swap3A = arith.index_cast %mul3A_858 : i32 to index
      %swap3A_859 = tpu.vector_load %arg7[%swap3A] {strides = array<i32>} : memref<13312xi32, #tpu.memory_space<vmem>>, vector<16xi32>,
      %swap3A_860 = vector.shape_cast %swap3A_859 : vector<16xi32> to vector<16xi32>
      %swap3A_861 = vector.shape_cast %add3A_856 : vector<16xi32> to vector<16xi32>
      tpu.vector_store %arg7[%swap3A], %swap3A_861 {strides = array<i32>} : memref<13312xi32, #tpu.memory_space<vmem>>, vector<16xi32>,
    }
    %scan3A_435 = arith.constant 32 : i32
    %dma_start3A_436 = arith.constant 6144 : i32
    %dma_start3A_437 = tpu.memref_slice %arg8[%dma_start3A_436] : memref<13312xf32, #tpu.memory_space<vmem>> -> memref<512xf32, #tpu.memory_space<vmem>>
    %dma_start3A_438 = arith.constant 6144 : i32
    %dma_start3A_439 = tpu.memref_slice %arg7[%dma_start3A_438] : memref<13312xi32, #tpu.memory_space<vmem>> -> memref<512xi32, #tpu.memory_space<vmem>>
    %dma_start3A_440 = arith.constant 0 : i32
    %dma_start3A_441 = tpu.memref_slice %arg3[%dma_start3A_440] : memref<2600000xf32, #tpu.memory_space<hbm>> -> memref<2600000xf32, #tpu.memory_space<hbm>>
    tpu.enqueue_indirect_dma source(%dma_start3A_441 : memref<2600000xf32, #tpu.memory_space<hbm>>) target(%dma_start3A_437 : memref<512xf32, #tpu.memory_space<vmem>>) offsets(%dma_start3A_439 : memref<512xi32, #tpu.memory_space<vmem>>) semaphore(%arg12 : memref<!tpu.dma_semaphore, #tpu.memory_space<semaphore_mem>>)
    %dma_wait3A_442 = arith.constant 6656 : i32
    %dma_wait3A_443 = tpu.memref_slice %arg6[%dma_wait3A_442] : memref<13312xi32, #tpu.memory_space<vmem>> -> memref<512xi32, #tpu.memory_space<vmem>>
    %dma_wait3A_444 = tpu.memref_slice %arg2[%add3A_30] : memref<425984xi32, #tpu.memory_space<hbm>> -> memref<512xi32, #tpu.memory_space<hbm>>
    %dma_wait3A_445 = arith.constant 6656 : i32
    %dma_wait3A_446 = tpu.memref_slice %arg6[%dma_wait3A_445] : memref<13312xi32, #tpu.memory_space<vmem>> -> memref<512xi32, #tpu.memory_space<vmem>>
    %dma_wait3A_447 = tpu.memref_slice %arg2[%add3A_30] : memref<425984xi32, #tpu.memory_space<hbm>> -> memref<512xi32, #tpu.memory_space<hbm>>
    tpu.wait_dma2 semaphore(%arg11 : memref<!tpu.dma_semaphore, #tpu.memory_space<semaphore_mem>>) src(%dma_wait3A_447 : memref<512xi32, #tpu.memory_space<hbm>>) dst(%dma_wait3A_446 : memref<512xi32, #tpu.memory_space<vmem>>)
    %scan3A_448 = arith.constant 0 : i32
    %scan3A_449 = arith.constant 0 : i32
    %scan3A_450 = arith.constant 32 : i32
    %scan3A_451 = arith.addi %scan3A_449, %scan3A_450 : i32
    %scan3A_452 = arith.constant 1 : i32
    scf.for %scan3A_846 = %scan3A_449 to %scan3A_451 step %scan3A_452  : i32 {
      %add3A_847 = arith.constant 416 : i32
      %add3A_848 = arith.addi %add3A_847, %scan3A_846 : i32
      %mul3A_849 = arith.constant 16 : i32
      %mul3A_850 = arith.muli %add3A_848, %mul3A_849 : i32
      %get3A_851 = arith.index_cast %mul3A_850 : i32 to index
      %get3A_852 = tpu.vector_load %arg6[%get3A_851] {strides = array<i32>} : memref<13312xi32, #tpu.memory_space<vmem>>, vector<16xi32>,
      %get3A_853 = vector.shape_cast %get3A_852 : vector<16xi32> to vector<16xi32>
      %add3A_854 = arith.constant 1300000 : i32
      %add3A_855 = vector.broadcast %add3A_854 : i32 to vector<16xi32>
      %add3A_856 = arith.addi %get3A_853, %add3A_855 : vector<16xi32>
      %mul3A_857 = arith.constant 16 : i32
      %mul3A_858 = arith.muli %add3A_848, %mul3A_857 : i32
      %swap3A = arith.index_cast %mul3A_858 : i32 to index
      %swap3A_859 = tpu.vector_load %arg7[%swap3A] {strides = array<i32>} : memref<13312xi32, #tpu.memory_space<vmem>>, vector<16xi32>,
      %swap3A_860 = vector.shape_cast %swap3A_859 : vector<16xi32> to vector<16xi32>
      %swap3A_861 = vector.shape_cast %add3A_856 : vector<16xi32> to vector<16xi32>
      tpu.vector_store %arg7[%swap3A], %swap3A_861 {strides = array<i32>} : memref<13312xi32, #tpu.memory_space<vmem>>, vector<16xi32>,
    }
    %scan3A_453 = arith.constant 32 : i32
    %dma_start3A_454 = arith.constant 6656 : i32
    %dma_start3A_455 = tpu.memref_slice %arg8[%dma_start3A_454] : memref<13312xf32, #tpu.memory_space<vmem>> -> memref<512xf32, #tpu.memory_space<vmem>>
    %dma_start3A_456 = arith.constant 6656 : i32
    %dma_start3A_457 = tpu.memref_slice %arg7[%dma_start3A_456] : memref<13312xi32, #tpu.memory_space<vmem>> -> memref<512xi32, #tpu.memory_space<vmem>>
    %dma_start3A_458 = arith.constant 0 : i32
    %dma_start3A_459 = tpu.memref_slice %arg3[%dma_start3A_458] : memref<2600000xf32, #tpu.memory_space<hbm>> -> memref<2600000xf32, #tpu.memory_space<hbm>>
    tpu.enqueue_indirect_dma source(%dma_start3A_459 : memref<2600000xf32, #tpu.memory_space<hbm>>) target(%dma_start3A_455 : memref<512xf32, #tpu.memory_space<vmem>>) offsets(%dma_start3A_457 : memref<512xi32, #tpu.memory_space<vmem>>) semaphore(%arg12 : memref<!tpu.dma_semaphore, #tpu.memory_space<semaphore_mem>>)
    %dma_wait3A_460 = arith.constant 7168 : i32
    %dma_wait3A_461 = tpu.memref_slice %arg6[%dma_wait3A_460] : memref<13312xi32, #tpu.memory_space<vmem>> -> memref<512xi32, #tpu.memory_space<vmem>>
    %dma_wait3A_462 = tpu.memref_slice %arg2[%add3A_32] : memref<425984xi32, #tpu.memory_space<hbm>> -> memref<512xi32, #tpu.memory_space<hbm>>
    %dma_wait3A_463 = arith.constant 7168 : i32
    %dma_wait3A_464 = tpu.memref_slice %arg6[%dma_wait3A_463] : memref<13312xi32, #tpu.memory_space<vmem>> -> memref<512xi32, #tpu.memory_space<vmem>>
    %dma_wait3A_465 = tpu.memref_slice %arg2[%add3A_32] : memref<425984xi32, #tpu.memory_space<hbm>> -> memref<512xi32, #tpu.memory_space<hbm>>
    tpu.wait_dma2 semaphore(%arg11 : memref<!tpu.dma_semaphore, #tpu.memory_space<semaphore_mem>>) src(%dma_wait3A_465 : memref<512xi32, #tpu.memory_space<hbm>>) dst(%dma_wait3A_464 : memref<512xi32, #tpu.memory_space<vmem>>)
    %scan3A_466 = arith.constant 0 : i32
    %scan3A_467 = arith.constant 0 : i32
    %scan3A_468 = arith.constant 32 : i32
    %scan3A_469 = arith.addi %scan3A_467, %scan3A_468 : i32
    %scan3A_470 = arith.constant 1 : i32
    scf.for %scan3A_846 = %scan3A_467 to %scan3A_469 step %scan3A_470  : i32 {
      %add3A_847 = arith.constant 448 : i32
      %add3A_848 = arith.addi %add3A_847, %scan3A_846 : i32
      %mul3A_849 = arith.constant 16 : i32
      %mul3A_850 = arith.muli %add3A_848, %mul3A_849 : i32
      %get3A_851 = arith.index_cast %mul3A_850 : i32 to index
      %get3A_852 = tpu.vector_load %arg6[%get3A_851] {strides = array<i32>} : memref<13312xi32, #tpu.memory_space<vmem>>, vector<16xi32>,
      %get3A_853 = vector.shape_cast %get3A_852 : vector<16xi32> to vector<16xi32>
      %add3A_854 = arith.constant 1400000 : i32
      %add3A_855 = vector.broadcast %add3A_854 : i32 to vector<16xi32>
      %add3A_856 = arith.addi %get3A_853, %add3A_855 : vector<16xi32>
      %mul3A_857 = arith.constant 16 : i32
      %mul3A_858 = arith.muli %add3A_848, %mul3A_857 : i32
      %swap3A = arith.index_cast %mul3A_858 : i32 to index
      %swap3A_859 = tpu.vector_load %arg7[%swap3A] {strides = array<i32>} : memref<13312xi32, #tpu.memory_space<vmem>>, vector<16xi32>,
      %swap3A_860 = vector.shape_cast %swap3A_859 : vector<16xi32> to vector<16xi32>
      %swap3A_861 = vector.shape_cast %add3A_856 : vector<16xi32> to vector<16xi32>
      tpu.vector_store %arg7[%swap3A], %swap3A_861 {strides = array<i32>} : memref<13312xi32, #tpu.memory_space<vmem>>, vector<16xi32>,
    }
    %scan3A_471 = arith.constant 32 : i32
    %dma_start3A_472 = arith.constant 7168 : i32
    %dma_start3A_473 = tpu.memref_slice %arg8[%dma_start3A_472] : memref<13312xf32, #tpu.memory_space<vmem>> -> memref<512xf32, #tpu.memory_space<vmem>>
    %dma_start3A_474 = arith.constant 7168 : i32
    %dma_start3A_475 = tpu.memref_slice %arg7[%dma_start3A_474] : memref<13312xi32, #tpu.memory_space<vmem>> -> memref<512xi32, #tpu.memory_space<vmem>>
    %dma_start3A_476 = arith.constant 0 : i32
    %dma_start3A_477 = tpu.memref_slice %arg3[%dma_start3A_476] : memref<2600000xf32, #tpu.memory_space<hbm>> -> memref<2600000xf32, #tpu.memory_space<hbm>>
    tpu.enqueue_indirect_dma source(%dma_start3A_477 : memref<2600000xf32, #tpu.memory_space<hbm>>) target(%dma_start3A_473 : memref<512xf32, #tpu.memory_space<vmem>>) offsets(%dma_start3A_475 : memref<512xi32, #tpu.memory_space<vmem>>) semaphore(%arg12 : memref<!tpu.dma_semaphore, #tpu.memory_space<semaphore_mem>>)
    %dma_wait3A_478 = arith.constant 7680 : i32
    %dma_wait3A_479 = tpu.memref_slice %arg6[%dma_wait3A_478] : memref<13312xi32, #tpu.memory_space<vmem>> -> memref<512xi32, #tpu.memory_space<vmem>>
    %dma_wait3A_480 = tpu.memref_slice %arg2[%add3A_34] : memref<425984xi32, #tpu.memory_space<hbm>> -> memref<512xi32, #tpu.memory_space<hbm>>
    %dma_wait3A_481 = arith.constant 7680 : i32
    %dma_wait3A_482 = tpu.memref_slice %arg6[%dma_wait3A_481] : memref<13312xi32, #tpu.memory_space<vmem>> -> memref<512xi32, #tpu.memory_space<vmem>>
    %dma_wait3A_483 = tpu.memref_slice %arg2[%add3A_34] : memref<425984xi32, #tpu.memory_space<hbm>> -> memref<512xi32, #tpu.memory_space<hbm>>
    tpu.wait_dma2 semaphore(%arg11 : memref<!tpu.dma_semaphore, #tpu.memory_space<semaphore_mem>>) src(%dma_wait3A_483 : memref<512xi32, #tpu.memory_space<hbm>>) dst(%dma_wait3A_482 : memref<512xi32, #tpu.memory_space<vmem>>)
    %scan3A_484 = arith.constant 0 : i32
    %scan3A_485 = arith.constant 0 : i32
    %scan3A_486 = arith.constant 32 : i32
    %scan3A_487 = arith.addi %scan3A_485, %scan3A_486 : i32
    %scan3A_488 = arith.constant 1 : i32
    scf.for %scan3A_846 = %scan3A_485 to %scan3A_487 step %scan3A_488  : i32 {
      %add3A_847 = arith.constant 480 : i32
      %add3A_848 = arith.addi %add3A_847, %scan3A_846 : i32
      %mul3A_849 = arith.constant 16 : i32
      %mul3A_850 = arith.muli %add3A_848, %mul3A_849 : i32
      %get3A_851 = arith.index_cast %mul3A_850 : i32 to index
      %get3A_852 = tpu.vector_load %arg6[%get3A_851] {strides = array<i32>} : memref<13312xi32, #tpu.memory_space<vmem>>, vector<16xi32>,
      %get3A_853 = vector.shape_cast %get3A_852 : vector<16xi32> to vector<16xi32>
      %add3A_854 = arith.constant 1500000 : i32
      %add3A_855 = vector.broadcast %add3A_854 : i32 to vector<16xi32>
      %add3A_856 = arith.addi %get3A_853, %add3A_855 : vector<16xi32>
      %mul3A_857 = arith.constant 16 : i32
      %mul3A_858 = arith.muli %add3A_848, %mul3A_857 : i32
      %swap3A = arith.index_cast %mul3A_858 : i32 to index
      %swap3A_859 = tpu.vector_load %arg7[%swap3A] {strides = array<i32>} : memref<13312xi32, #tpu.memory_space<vmem>>, vector<16xi32>,
      %swap3A_860 = vector.shape_cast %swap3A_859 : vector<16xi32> to vector<16xi32>
      %swap3A_861 = vector.shape_cast %add3A_856 : vector<16xi32> to vector<16xi32>
      tpu.vector_store %arg7[%swap3A], %swap3A_861 {strides = array<i32>} : memref<13312xi32, #tpu.memory_space<vmem>>, vector<16xi32>,
    }
    %scan3A_489 = arith.constant 32 : i32
    %dma_start3A_490 = arith.constant 7680 : i32
    %dma_start3A_491 = tpu.memref_slice %arg8[%dma_start3A_490] : memref<13312xf32, #tpu.memory_space<vmem>> -> memref<512xf32, #tpu.memory_space<vmem>>
    %dma_start3A_492 = arith.constant 7680 : i32
    %dma_start3A_493 = tpu.memref_slice %arg7[%dma_start3A_492] : memref<13312xi32, #tpu.memory_space<vmem>> -> memref<512xi32, #tpu.memory_space<vmem>>
    %dma_start3A_494 = arith.constant 0 : i32
    %dma_start3A_495 = tpu.memref_slice %arg3[%dma_start3A_494] : memref<2600000xf32, #tpu.memory_space<hbm>> -> memref<2600000xf32, #tpu.memory_space<hbm>>
    tpu.enqueue_indirect_dma source(%dma_start3A_495 : memref<2600000xf32, #tpu.memory_space<hbm>>) target(%dma_start3A_491 : memref<512xf32, #tpu.memory_space<vmem>>) offsets(%dma_start3A_493 : memref<512xi32, #tpu.memory_space<vmem>>) semaphore(%arg12 : memref<!tpu.dma_semaphore, #tpu.memory_space<semaphore_mem>>)
    %dma_wait3A_496 = arith.constant 8192 : i32
    %dma_wait3A_497 = tpu.memref_slice %arg6[%dma_wait3A_496] : memref<13312xi32, #tpu.memory_space<vmem>> -> memref<512xi32, #tpu.memory_space<vmem>>
    %dma_wait3A_498 = tpu.memref_slice %arg2[%add3A_36] : memref<425984xi32, #tpu.memory_space<hbm>> -> memref<512xi32, #tpu.memory_space<hbm>>
    %dma_wait3A_499 = arith.constant 8192 : i32
    %dma_wait3A_500 = tpu.memref_slice %arg6[%dma_wait3A_499] : memref<13312xi32, #tpu.memory_space<vmem>> -> memref<512xi32, #tpu.memory_space<vmem>>
    %dma_wait3A_501 = tpu.memref_slice %arg2[%add3A_36] : memref<425984xi32, #tpu.memory_space<hbm>> -> memref<512xi32, #tpu.memory_space<hbm>>
    tpu.wait_dma2 semaphore(%arg11 : memref<!tpu.dma_semaphore, #tpu.memory_space<semaphore_mem>>) src(%dma_wait3A_501 : memref<512xi32, #tpu.memory_space<hbm>>) dst(%dma_wait3A_500 : memref<512xi32, #tpu.memory_space<vmem>>)
    %scan3A_502 = arith.constant 0 : i32
    %scan3A_503 = arith.constant 0 : i32
    %scan3A_504 = arith.constant 32 : i32
    %scan3A_505 = arith.addi %scan3A_503, %scan3A_504 : i32
    %scan3A_506 = arith.constant 1 : i32
    scf.for %scan3A_846 = %scan3A_503 to %scan3A_505 step %scan3A_506  : i32 {
      %add3A_847 = arith.constant 512 : i32
      %add3A_848 = arith.addi %add3A_847, %scan3A_846 : i32
      %mul3A_849 = arith.constant 16 : i32
      %mul3A_850 = arith.muli %add3A_848, %mul3A_849 : i32
      %get3A_851 = arith.index_cast %mul3A_850 : i32 to index
      %get3A_852 = tpu.vector_load %arg6[%get3A_851] {strides = array<i32>} : memref<13312xi32, #tpu.memory_space<vmem>>, vector<16xi32>,
      %get3A_853 = vector.shape_cast %get3A_852 : vector<16xi32> to vector<16xi32>
      %add3A_854 = arith.constant 1600000 : i32
      %add3A_855 = vector.broadcast %add3A_854 : i32 to vector<16xi32>
      %add3A_856 = arith.addi %get3A_853, %add3A_855 : vector<16xi32>
      %mul3A_857 = arith.constant 16 : i32
      %mul3A_858 = arith.muli %add3A_848, %mul3A_857 : i32
      %swap3A = arith.index_cast %mul3A_858 : i32 to index
      %swap3A_859 = tpu.vector_load %arg7[%swap3A] {strides = array<i32>} : memref<13312xi32, #tpu.memory_space<vmem>>, vector<16xi32>,
      %swap3A_860 = vector.shape_cast %swap3A_859 : vector<16xi32> to vector<16xi32>
      %swap3A_861 = vector.shape_cast %add3A_856 : vector<16xi32> to vector<16xi32>
      tpu.vector_store %arg7[%swap3A], %swap3A_861 {strides = array<i32>} : memref<13312xi32, #tpu.memory_space<vmem>>, vector<16xi32>,
    }
    %scan3A_507 = arith.constant 32 : i32
    %dma_start3A_508 = arith.constant 8192 : i32
    %dma_start3A_509 = tpu.memref_slice %arg8[%dma_start3A_508] : memref<13312xf32, #tpu.memory_space<vmem>> -> memref<512xf32, #tpu.memory_space<vmem>>
    %dma_start3A_510 = arith.constant 8192 : i32
    %dma_start3A_511 = tpu.memref_slice %arg7[%dma_start3A_510] : memref<13312xi32, #tpu.memory_space<vmem>> -> memref<512xi32, #tpu.memory_space<vmem>>
    %dma_start3A_512 = arith.constant 0 : i32
    %dma_start3A_513 = tpu.memref_slice %arg3[%dma_start3A_512] : memref<2600000xf32, #tpu.memory_space<hbm>> -> memref<2600000xf32, #tpu.memory_space<hbm>>
    tpu.enqueue_indirect_dma source(%dma_start3A_513 : memref<2600000xf32, #tpu.memory_space<hbm>>) target(%dma_start3A_509 : memref<512xf32, #tpu.memory_space<vmem>>) offsets(%dma_start3A_511 : memref<512xi32, #tpu.memory_space<vmem>>) semaphore(%arg12 : memref<!tpu.dma_semaphore, #tpu.memory_space<semaphore_mem>>)
    %dma_wait3A_514 = arith.constant 8704 : i32
    %dma_wait3A_515 = tpu.memref_slice %arg6[%dma_wait3A_514] : memref<13312xi32, #tpu.memory_space<vmem>> -> memref<512xi32, #tpu.memory_space<vmem>>
    %dma_wait3A_516 = tpu.memref_slice %arg2[%add3A_38] : memref<425984xi32, #tpu.memory_space<hbm>> -> memref<512xi32, #tpu.memory_space<hbm>>
    %dma_wait3A_517 = arith.constant 8704 : i32
    %dma_wait3A_518 = tpu.memref_slice %arg6[%dma_wait3A_517] : memref<13312xi32, #tpu.memory_space<vmem>> -> memref<512xi32, #tpu.memory_space<vmem>>
    %dma_wait3A_519 = tpu.memref_slice %arg2[%add3A_38] : memref<425984xi32, #tpu.memory_space<hbm>> -> memref<512xi32, #tpu.memory_space<hbm>>
    tpu.wait_dma2 semaphore(%arg11 : memref<!tpu.dma_semaphore, #tpu.memory_space<semaphore_mem>>) src(%dma_wait3A_519 : memref<512xi32, #tpu.memory_space<hbm>>) dst(%dma_wait3A_518 : memref<512xi32, #tpu.memory_space<vmem>>)
    %scan3A_520 = arith.constant 0 : i32
    %scan3A_521 = arith.constant 0 : i32
    %scan3A_522 = arith.constant 32 : i32
    %scan3A_523 = arith.addi %scan3A_521, %scan3A_522 : i32
    %scan3A_524 = arith.constant 1 : i32
    scf.for %scan3A_846 = %scan3A_521 to %scan3A_523 step %scan3A_524  : i32 {
      %add3A_847 = arith.constant 544 : i32
      %add3A_848 = arith.addi %add3A_847, %scan3A_846 : i32
      %mul3A_849 = arith.constant 16 : i32
      %mul3A_850 = arith.muli %add3A_848, %mul3A_849 : i32
      %get3A_851 = arith.index_cast %mul3A_850 : i32 to index
      %get3A_852 = tpu.vector_load %arg6[%get3A_851] {strides = array<i32>} : memref<13312xi32, #tpu.memory_space<vmem>>, vector<16xi32>,
      %get3A_853 = vector.shape_cast %get3A_852 : vector<16xi32> to vector<16xi32>
      %add3A_854 = arith.constant 1700000 : i32
      %add3A_855 = vector.broadcast %add3A_854 : i32 to vector<16xi32>
      %add3A_856 = arith.addi %get3A_853, %add3A_855 : vector<16xi32>
      %mul3A_857 = arith.constant 16 : i32
      %mul3A_858 = arith.muli %add3A_848, %mul3A_857 : i32
      %swap3A = arith.index_cast %mul3A_858 : i32 to index
      %swap3A_859 = tpu.vector_load %arg7[%swap3A] {strides = array<i32>} : memref<13312xi32, #tpu.memory_space<vmem>>, vector<16xi32>,
      %swap3A_860 = vector.shape_cast %swap3A_859 : vector<16xi32> to vector<16xi32>
      %swap3A_861 = vector.shape_cast %add3A_856 : vector<16xi32> to vector<16xi32>
      tpu.vector_store %arg7[%swap3A], %swap3A_861 {strides = array<i32>} : memref<13312xi32, #tpu.memory_space<vmem>>, vector<16xi32>,
    }
    %scan3A_525 = arith.constant 32 : i32
    %dma_start3A_526 = arith.constant 8704 : i32
    %dma_start3A_527 = tpu.memref_slice %arg8[%dma_start3A_526] : memref<13312xf32, #tpu.memory_space<vmem>> -> memref<512xf32, #tpu.memory_space<vmem>>
    %dma_start3A_528 = arith.constant 8704 : i32
    %dma_start3A_529 = tpu.memref_slice %arg7[%dma_start3A_528] : memref<13312xi32, #tpu.memory_space<vmem>> -> memref<512xi32, #tpu.memory_space<vmem>>
    %dma_start3A_530 = arith.constant 0 : i32
    %dma_start3A_531 = tpu.memref_slice %arg3[%dma_start3A_530] : memref<2600000xf32, #tpu.memory_space<hbm>> -> memref<2600000xf32, #tpu.memory_space<hbm>>
    tpu.enqueue_indirect_dma source(%dma_start3A_531 : memref<2600000xf32, #tpu.memory_space<hbm>>) target(%dma_start3A_527 : memref<512xf32, #tpu.memory_space<vmem>>) offsets(%dma_start3A_529 : memref<512xi32, #tpu.memory_space<vmem>>) semaphore(%arg12 : memref<!tpu.dma_semaphore, #tpu.memory_space<semaphore_mem>>)
    %dma_wait3A_532 = arith.constant 9216 : i32
    %dma_wait3A_533 = tpu.memref_slice %arg6[%dma_wait3A_532] : memref<13312xi32, #tpu.memory_space<vmem>> -> memref<512xi32, #tpu.memory_space<vmem>>
    %dma_wait3A_534 = tpu.memref_slice %arg2[%add3A_40] : memref<425984xi32, #tpu.memory_space<hbm>> -> memref<512xi32, #tpu.memory_space<hbm>>
    %dma_wait3A_535 = arith.constant 9216 : i32
    %dma_wait3A_536 = tpu.memref_slice %arg6[%dma_wait3A_535] : memref<13312xi32, #tpu.memory_space<vmem>> -> memref<512xi32, #tpu.memory_space<vmem>>
    %dma_wait3A_537 = tpu.memref_slice %arg2[%add3A_40] : memref<425984xi32, #tpu.memory_space<hbm>> -> memref<512xi32, #tpu.memory_space<hbm>>
    tpu.wait_dma2 semaphore(%arg11 : memref<!tpu.dma_semaphore, #tpu.memory_space<semaphore_mem>>) src(%dma_wait3A_537 : memref<512xi32, #tpu.memory_space<hbm>>) dst(%dma_wait3A_536 : memref<512xi32, #tpu.memory_space<vmem>>)
    %scan3A_538 = arith.constant 0 : i32
    %scan3A_539 = arith.constant 0 : i32
    %scan3A_540 = arith.constant 32 : i32
    %scan3A_541 = arith.addi %scan3A_539, %scan3A_540 : i32
    %scan3A_542 = arith.constant 1 : i32
    scf.for %scan3A_846 = %scan3A_539 to %scan3A_541 step %scan3A_542  : i32 {
      %add3A_847 = arith.constant 576 : i32
      %add3A_848 = arith.addi %add3A_847, %scan3A_846 : i32
      %mul3A_849 = arith.constant 16 : i32
      %mul3A_850 = arith.muli %add3A_848, %mul3A_849 : i32
      %get3A_851 = arith.index_cast %mul3A_850 : i32 to index
      %get3A_852 = tpu.vector_load %arg6[%get3A_851] {strides = array<i32>} : memref<13312xi32, #tpu.memory_space<vmem>>, vector<16xi32>,
      %get3A_853 = vector.shape_cast %get3A_852 : vector<16xi32> to vector<16xi32>
      %add3A_854 = arith.constant 1800000 : i32
      %add3A_855 = vector.broadcast %add3A_854 : i32 to vector<16xi32>
      %add3A_856 = arith.addi %get3A_853, %add3A_855 : vector<16xi32>
      %mul3A_857 = arith.constant 16 : i32
      %mul3A_858 = arith.muli %add3A_848, %mul3A_857 : i32
      %swap3A = arith.index_cast %mul3A_858 : i32 to index
      %swap3A_859 = tpu.vector_load %arg7[%swap3A] {strides = array<i32>} : memref<13312xi32, #tpu.memory_space<vmem>>, vector<16xi32>,
      %swap3A_860 = vector.shape_cast %swap3A_859 : vector<16xi32> to vector<16xi32>
      %swap3A_861 = vector.shape_cast %add3A_856 : vector<16xi32> to vector<16xi32>
      tpu.vector_store %arg7[%swap3A], %swap3A_861 {strides = array<i32>} : memref<13312xi32, #tpu.memory_space<vmem>>, vector<16xi32>,
    }
    %scan3A_543 = arith.constant 32 : i32
    %dma_start3A_544 = arith.constant 9216 : i32
    %dma_start3A_545 = tpu.memref_slice %arg8[%dma_start3A_544] : memref<13312xf32, #tpu.memory_space<vmem>> -> memref<512xf32, #tpu.memory_space<vmem>>
    %dma_start3A_546 = arith.constant 9216 : i32
    %dma_start3A_547 = tpu.memref_slice %arg7[%dma_start3A_546] : memref<13312xi32, #tpu.memory_space<vmem>> -> memref<512xi32, #tpu.memory_space<vmem>>
    %dma_start3A_548 = arith.constant 0 : i32
    %dma_start3A_549 = tpu.memref_slice %arg3[%dma_start3A_548] : memref<2600000xf32, #tpu.memory_space<hbm>> -> memref<2600000xf32, #tpu.memory_space<hbm>>
    tpu.enqueue_indirect_dma source(%dma_start3A_549 : memref<2600000xf32, #tpu.memory_space<hbm>>) target(%dma_start3A_545 : memref<512xf32, #tpu.memory_space<vmem>>) offsets(%dma_start3A_547 : memref<512xi32, #tpu.memory_space<vmem>>) semaphore(%arg12 : memref<!tpu.dma_semaphore, #tpu.memory_space<semaphore_mem>>)
    %dma_wait3A_550 = arith.constant 9728 : i32
    %dma_wait3A_551 = tpu.memref_slice %arg6[%dma_wait3A_550] : memref<13312xi32, #tpu.memory_space<vmem>> -> memref<512xi32, #tpu.memory_space<vmem>>
    %dma_wait3A_552 = tpu.memref_slice %arg2[%add3A_42] : memref<425984xi32, #tpu.memory_space<hbm>> -> memref<512xi32, #tpu.memory_space<hbm>>
    %dma_wait3A_553 = arith.constant 9728 : i32
    %dma_wait3A_554 = tpu.memref_slice %arg6[%dma_wait3A_553] : memref<13312xi32, #tpu.memory_space<vmem>> -> memref<512xi32, #tpu.memory_space<vmem>>
    %dma_wait3A_555 = tpu.memref_slice %arg2[%add3A_42] : memref<425984xi32, #tpu.memory_space<hbm>> -> memref<512xi32, #tpu.memory_space<hbm>>
    tpu.wait_dma2 semaphore(%arg11 : memref<!tpu.dma_semaphore, #tpu.memory_space<semaphore_mem>>) src(%dma_wait3A_555 : memref<512xi32, #tpu.memory_space<hbm>>) dst(%dma_wait3A_554 : memref<512xi32, #tpu.memory_space<vmem>>)
    %scan3A_556 = arith.constant 0 : i32
    %scan3A_557 = arith.constant 0 : i32
    %scan3A_558 = arith.constant 32 : i32
    %scan3A_559 = arith.addi %scan3A_557, %scan3A_558 : i32
    %scan3A_560 = arith.constant 1 : i32
    scf.for %scan3A_846 = %scan3A_557 to %scan3A_559 step %scan3A_560  : i32 {
      %add3A_847 = arith.constant 608 : i32
      %add3A_848 = arith.addi %add3A_847, %scan3A_846 : i32
      %mul3A_849 = arith.constant 16 : i32
      %mul3A_850 = arith.muli %add3A_848, %mul3A_849 : i32
      %get3A_851 = arith.index_cast %mul3A_850 : i32 to index
      %get3A_852 = tpu.vector_load %arg6[%get3A_851] {strides = array<i32>} : memref<13312xi32, #tpu.memory_space<vmem>>, vector<16xi32>,
      %get3A_853 = vector.shape_cast %get3A_852 : vector<16xi32> to vector<16xi32>
      %add3A_854 = arith.constant 1900000 : i32
      %add3A_855 = vector.broadcast %add3A_854 : i32 to vector<16xi32>
      %add3A_856 = arith.addi %get3A_853, %add3A_855 : vector<16xi32>
      %mul3A_857 = arith.constant 16 : i32
      %mul3A_858 = arith.muli %add3A_848, %mul3A_857 : i32
      %swap3A = arith.index_cast %mul3A_858 : i32 to index
      %swap3A_859 = tpu.vector_load %arg7[%swap3A] {strides = array<i32>} : memref<13312xi32, #tpu.memory_space<vmem>>, vector<16xi32>,
      %swap3A_860 = vector.shape_cast %swap3A_859 : vector<16xi32> to vector<16xi32>
      %swap3A_861 = vector.shape_cast %add3A_856 : vector<16xi32> to vector<16xi32>
      tpu.vector_store %arg7[%swap3A], %swap3A_861 {strides = array<i32>} : memref<13312xi32, #tpu.memory_space<vmem>>, vector<16xi32>,
    }
    %scan3A_561 = arith.constant 32 : i32
    %dma_start3A_562 = arith.constant 9728 : i32
    %dma_start3A_563 = tpu.memref_slice %arg8[%dma_start3A_562] : memref<13312xf32, #tpu.memory_space<vmem>> -> memref<512xf32, #tpu.memory_space<vmem>>
    %dma_start3A_564 = arith.constant 9728 : i32
    %dma_start3A_565 = tpu.memref_slice %arg7[%dma_start3A_564] : memref<13312xi32, #tpu.memory_space<vmem>> -> memref<512xi32, #tpu.memory_space<vmem>>
    %dma_start3A_566 = arith.constant 0 : i32
    %dma_start3A_567 = tpu.memref_slice %arg3[%dma_start3A_566] : memref<2600000xf32, #tpu.memory_space<hbm>> -> memref<2600000xf32, #tpu.memory_space<hbm>>
    tpu.enqueue_indirect_dma source(%dma_start3A_567 : memref<2600000xf32, #tpu.memory_space<hbm>>) target(%dma_start3A_563 : memref<512xf32, #tpu.memory_space<vmem>>) offsets(%dma_start3A_565 : memref<512xi32, #tpu.memory_space<vmem>>) semaphore(%arg12 : memref<!tpu.dma_semaphore, #tpu.memory_space<semaphore_mem>>)
    %dma_wait3A_568 = arith.constant 10240 : i32
    %dma_wait3A_569 = tpu.memref_slice %arg6[%dma_wait3A_568] : memref<13312xi32, #tpu.memory_space<vmem>> -> memref<512xi32, #tpu.memory_space<vmem>>
    %dma_wait3A_570 = tpu.memref_slice %arg2[%add3A_44] : memref<425984xi32, #tpu.memory_space<hbm>> -> memref<512xi32, #tpu.memory_space<hbm>>
    %dma_wait3A_571 = arith.constant 10240 : i32
    %dma_wait3A_572 = tpu.memref_slice %arg6[%dma_wait3A_571] : memref<13312xi32, #tpu.memory_space<vmem>> -> memref<512xi32, #tpu.memory_space<vmem>>
    %dma_wait3A_573 = tpu.memref_slice %arg2[%add3A_44] : memref<425984xi32, #tpu.memory_space<hbm>> -> memref<512xi32, #tpu.memory_space<hbm>>
    tpu.wait_dma2 semaphore(%arg11 : memref<!tpu.dma_semaphore, #tpu.memory_space<semaphore_mem>>) src(%dma_wait3A_573 : memref<512xi32, #tpu.memory_space<hbm>>) dst(%dma_wait3A_572 : memref<512xi32, #tpu.memory_space<vmem>>)
    %scan3A_574 = arith.constant 0 : i32
    %scan3A_575 = arith.constant 0 : i32
    %scan3A_576 = arith.constant 32 : i32
    %scan3A_577 = arith.addi %scan3A_575, %scan3A_576 : i32
    %scan3A_578 = arith.constant 1 : i32
    scf.for %scan3A_846 = %scan3A_575 to %scan3A_577 step %scan3A_578  : i32 {
      %add3A_847 = arith.constant 640 : i32
      %add3A_848 = arith.addi %add3A_847, %scan3A_846 : i32
      %mul3A_849 = arith.constant 16 : i32
      %mul3A_850 = arith.muli %add3A_848, %mul3A_849 : i32
      %get3A_851 = arith.index_cast %mul3A_850 : i32 to index
      %get3A_852 = tpu.vector_load %arg6[%get3A_851] {strides = array<i32>} : memref<13312xi32, #tpu.memory_space<vmem>>, vector<16xi32>,
      %get3A_853 = vector.shape_cast %get3A_852 : vector<16xi32> to vector<16xi32>
      %add3A_854 = arith.constant 2000000 : i32
      %add3A_855 = vector.broadcast %add3A_854 : i32 to vector<16xi32>
      %add3A_856 = arith.addi %get3A_853, %add3A_855 : vector<16xi32>
      %mul3A_857 = arith.constant 16 : i32
      %mul3A_858 = arith.muli %add3A_848, %mul3A_857 : i32
      %swap3A = arith.index_cast %mul3A_858 : i32 to index
      %swap3A_859 = tpu.vector_load %arg7[%swap3A] {strides = array<i32>} : memref<13312xi32, #tpu.memory_space<vmem>>, vector<16xi32>,
      %swap3A_860 = vector.shape_cast %swap3A_859 : vector<16xi32> to vector<16xi32>
      %swap3A_861 = vector.shape_cast %add3A_856 : vector<16xi32> to vector<16xi32>
      tpu.vector_store %arg7[%swap3A], %swap3A_861 {strides = array<i32>} : memref<13312xi32, #tpu.memory_space<vmem>>, vector<16xi32>,
    }
    %scan3A_579 = arith.constant 32 : i32
    %dma_start3A_580 = arith.constant 10240 : i32
    %dma_start3A_581 = tpu.memref_slice %arg8[%dma_start3A_580] : memref<13312xf32, #tpu.memory_space<vmem>> -> memref<512xf32, #tpu.memory_space<vmem>>
    %dma_start3A_582 = arith.constant 10240 : i32
    %dma_start3A_583 = tpu.memref_slice %arg7[%dma_start3A_582] : memref<13312xi32, #tpu.memory_space<vmem>> -> memref<512xi32, #tpu.memory_space<vmem>>
    %dma_start3A_584 = arith.constant 0 : i32
    %dma_start3A_585 = tpu.memref_slice %arg3[%dma_start3A_584] : memref<2600000xf32, #tpu.memory_space<hbm>> -> memref<2600000xf32, #tpu.memory_space<hbm>>
    tpu.enqueue_indirect_dma source(%dma_start3A_585 : memref<2600000xf32, #tpu.memory_space<hbm>>) target(%dma_start3A_581 : memref<512xf32, #tpu.memory_space<vmem>>) offsets(%dma_start3A_583 : memref<512xi32, #tpu.memory_space<vmem>>) semaphore(%arg12 : memref<!tpu.dma_semaphore, #tpu.memory_space<semaphore_mem>>)
    %dma_wait3A_586 = arith.constant 10752 : i32
    %dma_wait3A_587 = tpu.memref_slice %arg6[%dma_wait3A_586] : memref<13312xi32, #tpu.memory_space<vmem>> -> memref<512xi32, #tpu.memory_space<vmem>>
    %dma_wait3A_588 = tpu.memref_slice %arg2[%add3A_46] : memref<425984xi32, #tpu.memory_space<hbm>> -> memref<512xi32, #tpu.memory_space<hbm>>
    %dma_wait3A_589 = arith.constant 10752 : i32
    %dma_wait3A_590 = tpu.memref_slice %arg6[%dma_wait3A_589] : memref<13312xi32, #tpu.memory_space<vmem>> -> memref<512xi32, #tpu.memory_space<vmem>>
    %dma_wait3A_591 = tpu.memref_slice %arg2[%add3A_46] : memref<425984xi32, #tpu.memory_space<hbm>> -> memref<512xi32, #tpu.memory_space<hbm>>
    tpu.wait_dma2 semaphore(%arg11 : memref<!tpu.dma_semaphore, #tpu.memory_space<semaphore_mem>>) src(%dma_wait3A_591 : memref<512xi32, #tpu.memory_space<hbm>>) dst(%dma_wait3A_590 : memref<512xi32, #tpu.memory_space<vmem>>)
    %scan3A_592 = arith.constant 0 : i32
    %scan3A_593 = arith.constant 0 : i32
    %scan3A_594 = arith.constant 32 : i32
    %scan3A_595 = arith.addi %scan3A_593, %scan3A_594 : i32
    %scan3A_596 = arith.constant 1 : i32
    scf.for %scan3A_846 = %scan3A_593 to %scan3A_595 step %scan3A_596  : i32 {
      %add3A_847 = arith.constant 672 : i32
      %add3A_848 = arith.addi %add3A_847, %scan3A_846 : i32
      %mul3A_849 = arith.constant 16 : i32
      %mul3A_850 = arith.muli %add3A_848, %mul3A_849 : i32
      %get3A_851 = arith.index_cast %mul3A_850 : i32 to index
      %get3A_852 = tpu.vector_load %arg6[%get3A_851] {strides = array<i32>} : memref<13312xi32, #tpu.memory_space<vmem>>, vector<16xi32>,
      %get3A_853 = vector.shape_cast %get3A_852 : vector<16xi32> to vector<16xi32>
      %add3A_854 = arith.constant 2100000 : i32
      %add3A_855 = vector.broadcast %add3A_854 : i32 to vector<16xi32>
      %add3A_856 = arith.addi %get3A_853, %add3A_855 : vector<16xi32>
      %mul3A_857 = arith.constant 16 : i32
      %mul3A_858 = arith.muli %add3A_848, %mul3A_857 : i32
      %swap3A = arith.index_cast %mul3A_858 : i32 to index
      %swap3A_859 = tpu.vector_load %arg7[%swap3A] {strides = array<i32>} : memref<13312xi32, #tpu.memory_space<vmem>>, vector<16xi32>,
      %swap3A_860 = vector.shape_cast %swap3A_859 : vector<16xi32> to vector<16xi32>
      %swap3A_861 = vector.shape_cast %add3A_856 : vector<16xi32> to vector<16xi32>
      tpu.vector_store %arg7[%swap3A], %swap3A_861 {strides = array<i32>} : memref<13312xi32, #tpu.memory_space<vmem>>, vector<16xi32>,
    }
    %scan3A_597 = arith.constant 32 : i32
    %dma_start3A_598 = arith.constant 10752 : i32
    %dma_start3A_599 = tpu.memref_slice %arg8[%dma_start3A_598] : memref<13312xf32, #tpu.memory_space<vmem>> -> memref<512xf32, #tpu.memory_space<vmem>>
    %dma_start3A_600 = arith.constant 10752 : i32
    %dma_start3A_601 = tpu.memref_slice %arg7[%dma_start3A_600] : memref<13312xi32, #tpu.memory_space<vmem>> -> memref<512xi32, #tpu.memory_space<vmem>>
    %dma_start3A_602 = arith.constant 0 : i32
    %dma_start3A_603 = tpu.memref_slice %arg3[%dma_start3A_602] : memref<2600000xf32, #tpu.memory_space<hbm>> -> memref<2600000xf32, #tpu.memory_space<hbm>>
    tpu.enqueue_indirect_dma source(%dma_start3A_603 : memref<2600000xf32, #tpu.memory_space<hbm>>) target(%dma_start3A_599 : memref<512xf32, #tpu.memory_space<vmem>>) offsets(%dma_start3A_601 : memref<512xi32, #tpu.memory_space<vmem>>) semaphore(%arg12 : memref<!tpu.dma_semaphore, #tpu.memory_space<semaphore_mem>>)
    %dma_wait3A_604 = arith.constant 11264 : i32
    %dma_wait3A_605 = tpu.memref_slice %arg6[%dma_wait3A_604] : memref<13312xi32, #tpu.memory_space<vmem>> -> memref<512xi32, #tpu.memory_space<vmem>>
    %dma_wait3A_606 = tpu.memref_slice %arg2[%add3A_48] : memref<425984xi32, #tpu.memory_space<hbm>> -> memref<512xi32, #tpu.memory_space<hbm>>
    %dma_wait3A_607 = arith.constant 11264 : i32
    %dma_wait3A_608 = tpu.memref_slice %arg6[%dma_wait3A_607] : memref<13312xi32, #tpu.memory_space<vmem>> -> memref<512xi32, #tpu.memory_space<vmem>>
    %dma_wait3A_609 = tpu.memref_slice %arg2[%add3A_48] : memref<425984xi32, #tpu.memory_space<hbm>> -> memref<512xi32, #tpu.memory_space<hbm>>
    tpu.wait_dma2 semaphore(%arg11 : memref<!tpu.dma_semaphore, #tpu.memory_space<semaphore_mem>>) src(%dma_wait3A_609 : memref<512xi32, #tpu.memory_space<hbm>>) dst(%dma_wait3A_608 : memref<512xi32, #tpu.memory_space<vmem>>)
    %scan3A_610 = arith.constant 0 : i32
    %scan3A_611 = arith.constant 0 : i32
    %scan3A_612 = arith.constant 32 : i32
    %scan3A_613 = arith.addi %scan3A_611, %scan3A_612 : i32
    %scan3A_614 = arith.constant 1 : i32
    scf.for %scan3A_846 = %scan3A_611 to %scan3A_613 step %scan3A_614  : i32 {
      %add3A_847 = arith.constant 704 : i32
      %add3A_848 = arith.addi %add3A_847, %scan3A_846 : i32
      %mul3A_849 = arith.constant 16 : i32
      %mul3A_850 = arith.muli %add3A_848, %mul3A_849 : i32
      %get3A_851 = arith.index_cast %mul3A_850 : i32 to index
      %get3A_852 = tpu.vector_load %arg6[%get3A_851] {strides = array<i32>} : memref<13312xi32, #tpu.memory_space<vmem>>, vector<16xi32>,
      %get3A_853 = vector.shape_cast %get3A_852 : vector<16xi32> to vector<16xi32>
      %add3A_854 = arith.constant 2200000 : i32
      %add3A_855 = vector.broadcast %add3A_854 : i32 to vector<16xi32>
      %add3A_856 = arith.addi %get3A_853, %add3A_855 : vector<16xi32>
      %mul3A_857 = arith.constant 16 : i32
      %mul3A_858 = arith.muli %add3A_848, %mul3A_857 : i32
      %swap3A = arith.index_cast %mul3A_858 : i32 to index
      %swap3A_859 = tpu.vector_load %arg7[%swap3A] {strides = array<i32>} : memref<13312xi32, #tpu.memory_space<vmem>>, vector<16xi32>,
      %swap3A_860 = vector.shape_cast %swap3A_859 : vector<16xi32> to vector<16xi32>
      %swap3A_861 = vector.shape_cast %add3A_856 : vector<16xi32> to vector<16xi32>
      tpu.vector_store %arg7[%swap3A], %swap3A_861 {strides = array<i32>} : memref<13312xi32, #tpu.memory_space<vmem>>, vector<16xi32>,
    }
    %scan3A_615 = arith.constant 32 : i32
    %dma_start3A_616 = arith.constant 11264 : i32
    %dma_start3A_617 = tpu.memref_slice %arg8[%dma_start3A_616] : memref<13312xf32, #tpu.memory_space<vmem>> -> memref<512xf32, #tpu.memory_space<vmem>>
    %dma_start3A_618 = arith.constant 11264 : i32
    %dma_start3A_619 = tpu.memref_slice %arg7[%dma_start3A_618] : memref<13312xi32, #tpu.memory_space<vmem>> -> memref<512xi32, #tpu.memory_space<vmem>>
    %dma_start3A_620 = arith.constant 0 : i32
    %dma_start3A_621 = tpu.memref_slice %arg3[%dma_start3A_620] : memref<2600000xf32, #tpu.memory_space<hbm>> -> memref<2600000xf32, #tpu.memory_space<hbm>>
    tpu.enqueue_indirect_dma source(%dma_start3A_621 : memref<2600000xf32, #tpu.memory_space<hbm>>) target(%dma_start3A_617 : memref<512xf32, #tpu.memory_space<vmem>>) offsets(%dma_start3A_619 : memref<512xi32, #tpu.memory_space<vmem>>) semaphore(%arg12 : memref<!tpu.dma_semaphore, #tpu.memory_space<semaphore_mem>>)
    %dma_wait3A_622 = arith.constant 11776 : i32
    %dma_wait3A_623 = tpu.memref_slice %arg6[%dma_wait3A_622] : memref<13312xi32, #tpu.memory_space<vmem>> -> memref<512xi32, #tpu.memory_space<vmem>>
    %dma_wait3A_624 = tpu.memref_slice %arg2[%add3A_50] : memref<425984xi32, #tpu.memory_space<hbm>> -> memref<512xi32, #tpu.memory_space<hbm>>
    %dma_wait3A_625 = arith.constant 11776 : i32
    %dma_wait3A_626 = tpu.memref_slice %arg6[%dma_wait3A_625] : memref<13312xi32, #tpu.memory_space<vmem>> -> memref<512xi32, #tpu.memory_space<vmem>>
    %dma_wait3A_627 = tpu.memref_slice %arg2[%add3A_50] : memref<425984xi32, #tpu.memory_space<hbm>> -> memref<512xi32, #tpu.memory_space<hbm>>
    tpu.wait_dma2 semaphore(%arg11 : memref<!tpu.dma_semaphore, #tpu.memory_space<semaphore_mem>>) src(%dma_wait3A_627 : memref<512xi32, #tpu.memory_space<hbm>>) dst(%dma_wait3A_626 : memref<512xi32, #tpu.memory_space<vmem>>)
    %scan3A_628 = arith.constant 0 : i32
    %scan3A_629 = arith.constant 0 : i32
    %scan3A_630 = arith.constant 32 : i32
    %scan3A_631 = arith.addi %scan3A_629, %scan3A_630 : i32
    %scan3A_632 = arith.constant 1 : i32
    scf.for %scan3A_846 = %scan3A_629 to %scan3A_631 step %scan3A_632  : i32 {
      %add3A_847 = arith.constant 736 : i32
      %add3A_848 = arith.addi %add3A_847, %scan3A_846 : i32
      %mul3A_849 = arith.constant 16 : i32
      %mul3A_850 = arith.muli %add3A_848, %mul3A_849 : i32
      %get3A_851 = arith.index_cast %mul3A_850 : i32 to index
      %get3A_852 = tpu.vector_load %arg6[%get3A_851] {strides = array<i32>} : memref<13312xi32, #tpu.memory_space<vmem>>, vector<16xi32>,
      %get3A_853 = vector.shape_cast %get3A_852 : vector<16xi32> to vector<16xi32>
      %add3A_854 = arith.constant 2300000 : i32
      %add3A_855 = vector.broadcast %add3A_854 : i32 to vector<16xi32>
      %add3A_856 = arith.addi %get3A_853, %add3A_855 : vector<16xi32>
      %mul3A_857 = arith.constant 16 : i32
      %mul3A_858 = arith.muli %add3A_848, %mul3A_857 : i32
      %swap3A = arith.index_cast %mul3A_858 : i32 to index
      %swap3A_859 = tpu.vector_load %arg7[%swap3A] {strides = array<i32>} : memref<13312xi32, #tpu.memory_space<vmem>>, vector<16xi32>,
      %swap3A_860 = vector.shape_cast %swap3A_859 : vector<16xi32> to vector<16xi32>
      %swap3A_861 = vector.shape_cast %add3A_856 : vector<16xi32> to vector<16xi32>
      tpu.vector_store %arg7[%swap3A], %swap3A_861 {strides = array<i32>} : memref<13312xi32, #tpu.memory_space<vmem>>, vector<16xi32>,
    }
    %scan3A_633 = arith.constant 32 : i32
    %dma_start3A_634 = arith.constant 11776 : i32
    %dma_start3A_635 = tpu.memref_slice %arg8[%dma_start3A_634] : memref<13312xf32, #tpu.memory_space<vmem>> -> memref<512xf32, #tpu.memory_space<vmem>>
    %dma_start3A_636 = arith.constant 11776 : i32
    %dma_start3A_637 = tpu.memref_slice %arg7[%dma_start3A_636] : memref<13312xi32, #tpu.memory_space<vmem>> -> memref<512xi32, #tpu.memory_space<vmem>>
    %dma_start3A_638 = arith.constant 0 : i32
    %dma_start3A_639 = tpu.memref_slice %arg3[%dma_start3A_638] : memref<2600000xf32, #tpu.memory_space<hbm>> -> memref<2600000xf32, #tpu.memory_space<hbm>>
    tpu.enqueue_indirect_dma source(%dma_start3A_639 : memref<2600000xf32, #tpu.memory_space<hbm>>) target(%dma_start3A_635 : memref<512xf32, #tpu.memory_space<vmem>>) offsets(%dma_start3A_637 : memref<512xi32, #tpu.memory_space<vmem>>) semaphore(%arg12 : memref<!tpu.dma_semaphore, #tpu.memory_space<semaphore_mem>>)
    %dma_wait3A_640 = arith.constant 12288 : i32
    %dma_wait3A_641 = tpu.memref_slice %arg6[%dma_wait3A_640] : memref<13312xi32, #tpu.memory_space<vmem>> -> memref<512xi32, #tpu.memory_space<vmem>>
    %dma_wait3A_642 = tpu.memref_slice %arg2[%add3A_52] : memref<425984xi32, #tpu.memory_space<hbm>> -> memref<512xi32, #tpu.memory_space<hbm>>
    %dma_wait3A_643 = arith.constant 12288 : i32
    %dma_wait3A_644 = tpu.memref_slice %arg6[%dma_wait3A_643] : memref<13312xi32, #tpu.memory_space<vmem>> -> memref<512xi32, #tpu.memory_space<vmem>>
    %dma_wait3A_645 = tpu.memref_slice %arg2[%add3A_52] : memref<425984xi32, #tpu.memory_space<hbm>> -> memref<512xi32, #tpu.memory_space<hbm>>
    tpu.wait_dma2 semaphore(%arg11 : memref<!tpu.dma_semaphore, #tpu.memory_space<semaphore_mem>>) src(%dma_wait3A_645 : memref<512xi32, #tpu.memory_space<hbm>>) dst(%dma_wait3A_644 : memref<512xi32, #tpu.memory_space<vmem>>)
    %scan3A_646 = arith.constant 0 : i32
    %scan3A_647 = arith.constant 0 : i32
    %scan3A_648 = arith.constant 32 : i32
    %scan3A_649 = arith.addi %scan3A_647, %scan3A_648 : i32
    %scan3A_650 = arith.constant 1 : i32
    scf.for %scan3A_846 = %scan3A_647 to %scan3A_649 step %scan3A_650  : i32 {
      %add3A_847 = arith.constant 768 : i32
      %add3A_848 = arith.addi %add3A_847, %scan3A_846 : i32
      %mul3A_849 = arith.constant 16 : i32
      %mul3A_850 = arith.muli %add3A_848, %mul3A_849 : i32
      %get3A_851 = arith.index_cast %mul3A_850 : i32 to index
      %get3A_852 = tpu.vector_load %arg6[%get3A_851] {strides = array<i32>} : memref<13312xi32, #tpu.memory_space<vmem>>, vector<16xi32>,
      %get3A_853 = vector.shape_cast %get3A_852 : vector<16xi32> to vector<16xi32>
      %add3A_854 = arith.constant 2400000 : i32
      %add3A_855 = vector.broadcast %add3A_854 : i32 to vector<16xi32>
      %add3A_856 = arith.addi %get3A_853, %add3A_855 : vector<16xi32>
      %mul3A_857 = arith.constant 16 : i32
      %mul3A_858 = arith.muli %add3A_848, %mul3A_857 : i32
      %swap3A = arith.index_cast %mul3A_858 : i32 to index
      %swap3A_859 = tpu.vector_load %arg7[%swap3A] {strides = array<i32>} : memref<13312xi32, #tpu.memory_space<vmem>>, vector<16xi32>,
      %swap3A_860 = vector.shape_cast %swap3A_859 : vector<16xi32> to vector<16xi32>
      %swap3A_861 = vector.shape_cast %add3A_856 : vector<16xi32> to vector<16xi32>
      tpu.vector_store %arg7[%swap3A], %swap3A_861 {strides = array<i32>} : memref<13312xi32, #tpu.memory_space<vmem>>, vector<16xi32>,
    }
    %scan3A_651 = arith.constant 32 : i32
    %dma_start3A_652 = arith.constant 12288 : i32
    %dma_start3A_653 = tpu.memref_slice %arg8[%dma_start3A_652] : memref<13312xf32, #tpu.memory_space<vmem>> -> memref<512xf32, #tpu.memory_space<vmem>>
    %dma_start3A_654 = arith.constant 12288 : i32
    %dma_start3A_655 = tpu.memref_slice %arg7[%dma_start3A_654] : memref<13312xi32, #tpu.memory_space<vmem>> -> memref<512xi32, #tpu.memory_space<vmem>>
    %dma_start3A_656 = arith.constant 0 : i32
    %dma_start3A_657 = tpu.memref_slice %arg3[%dma_start3A_656] : memref<2600000xf32, #tpu.memory_space<hbm>> -> memref<2600000xf32, #tpu.memory_space<hbm>>
    tpu.enqueue_indirect_dma source(%dma_start3A_657 : memref<2600000xf32, #tpu.memory_space<hbm>>) target(%dma_start3A_653 : memref<512xf32, #tpu.memory_space<vmem>>) offsets(%dma_start3A_655 : memref<512xi32, #tpu.memory_space<vmem>>) semaphore(%arg12 : memref<!tpu.dma_semaphore, #tpu.memory_space<semaphore_mem>>)
    %dma_wait3A_658 = arith.constant 12800 : i32
    %dma_wait3A_659 = tpu.memref_slice %arg6[%dma_wait3A_658] : memref<13312xi32, #tpu.memory_space<vmem>> -> memref<512xi32, #tpu.memory_space<vmem>>
    %dma_wait3A_660 = tpu.memref_slice %arg2[%add3A_54] : memref<425984xi32, #tpu.memory_space<hbm>> -> memref<512xi32, #tpu.memory_space<hbm>>
    %dma_wait3A_661 = arith.constant 12800 : i32
    %dma_wait3A_662 = tpu.memref_slice %arg6[%dma_wait3A_661] : memref<13312xi32, #tpu.memory_space<vmem>> -> memref<512xi32, #tpu.memory_space<vmem>>
    %dma_wait3A_663 = tpu.memref_slice %arg2[%add3A_54] : memref<425984xi32, #tpu.memory_space<hbm>> -> memref<512xi32, #tpu.memory_space<hbm>>
    tpu.wait_dma2 semaphore(%arg11 : memref<!tpu.dma_semaphore, #tpu.memory_space<semaphore_mem>>) src(%dma_wait3A_663 : memref<512xi32, #tpu.memory_space<hbm>>) dst(%dma_wait3A_662 : memref<512xi32, #tpu.memory_space<vmem>>)
    %scan3A_664 = arith.constant 0 : i32
    %scan3A_665 = arith.constant 0 : i32
    %scan3A_666 = arith.constant 32 : i32
    %scan3A_667 = arith.addi %scan3A_665, %scan3A_666 : i32
    %scan3A_668 = arith.constant 1 : i32
    scf.for %scan3A_846 = %scan3A_665 to %scan3A_667 step %scan3A_668  : i32 {
      %add3A_847 = arith.constant 800 : i32
      %add3A_848 = arith.addi %add3A_847, %scan3A_846 : i32
      %mul3A_849 = arith.constant 16 : i32
      %mul3A_850 = arith.muli %add3A_848, %mul3A_849 : i32
      %get3A_851 = arith.index_cast %mul3A_850 : i32 to index
      %get3A_852 = tpu.vector_load %arg6[%get3A_851] {strides = array<i32>} : memref<13312xi32, #tpu.memory_space<vmem>>, vector<16xi32>,
      %get3A_853 = vector.shape_cast %get3A_852 : vector<16xi32> to vector<16xi32>
      %add3A_854 = arith.constant 2500000 : i32
      %add3A_855 = vector.broadcast %add3A_854 : i32 to vector<16xi32>
      %add3A_856 = arith.addi %get3A_853, %add3A_855 : vector<16xi32>
      %mul3A_857 = arith.constant 16 : i32
      %mul3A_858 = arith.muli %add3A_848, %mul3A_857 : i32
      %swap3A = arith.index_cast %mul3A_858 : i32 to index
      %swap3A_859 = tpu.vector_load %arg7[%swap3A] {strides = array<i32>} : memref<13312xi32, #tpu.memory_space<vmem>>, vector<16xi32>,
      %swap3A_860 = vector.shape_cast %swap3A_859 : vector<16xi32> to vector<16xi32>
      %swap3A_861 = vector.shape_cast %add3A_856 : vector<16xi32> to vector<16xi32>
      tpu.vector_store %arg7[%swap3A], %swap3A_861 {strides = array<i32>} : memref<13312xi32, #tpu.memory_space<vmem>>, vector<16xi32>,
    }
    %scan3A_669 = arith.constant 32 : i32
    %dma_start3A_670 = arith.constant 12800 : i32
    %dma_start3A_671 = tpu.memref_slice %arg8[%dma_start3A_670] : memref<13312xf32, #tpu.memory_space<vmem>> -> memref<512xf32, #tpu.memory_space<vmem>>
    %dma_start3A_672 = arith.constant 12800 : i32
    %dma_start3A_673 = tpu.memref_slice %arg7[%dma_start3A_672] : memref<13312xi32, #tpu.memory_space<vmem>> -> memref<512xi32, #tpu.memory_space<vmem>>
    %dma_start3A_674 = arith.constant 0 : i32
    %dma_start3A_675 = tpu.memref_slice %arg3[%dma_start3A_674] : memref<2600000xf32, #tpu.memory_space<hbm>> -> memref<2600000xf32, #tpu.memory_space<hbm>>
    tpu.enqueue_indirect_dma source(%dma_start3A_675 : memref<2600000xf32, #tpu.memory_space<hbm>>) target(%dma_start3A_671 : memref<512xf32, #tpu.memory_space<vmem>>) offsets(%dma_start3A_673 : memref<512xi32, #tpu.memory_space<vmem>>) semaphore(%arg12 : memref<!tpu.dma_semaphore, #tpu.memory_space<semaphore_mem>>)
    %dma_wait3A_676 = arith.constant 0 : i32
    %dma_wait3A_677 = tpu.memref_slice %arg8[%dma_wait3A_676] : memref<13312xf32, #tpu.memory_space<vmem>> -> memref<512xf32, #tpu.memory_space<vmem>>
    %dma_wait3A_678 = arith.constant 0 : i32
    %dma_wait3A_679 = tpu.memref_slice %arg7[%dma_wait3A_678] : memref<13312xi32, #tpu.memory_space<vmem>> -> memref<512xi32, #tpu.memory_space<vmem>>
    %dma_wait3A_680 = arith.constant 0 : i32
    %dma_wait3A_681 = tpu.memref_slice %arg3[%dma_wait3A_680] : memref<2600000xf32, #tpu.memory_space<hbm>> -> memref<2600000xf32, #tpu.memory_space<hbm>>
    tpu.wait_indirect_dma semaphore(%arg12 : memref<!tpu.dma_semaphore, #tpu.memory_space<semaphore_mem>>) src(%dma_wait3A_681 : memref<2600000xf32, #tpu.memory_space<hbm>>) dst(%dma_wait3A_677 : memref<512xf32, #tpu.memory_space<vmem>>)
    %dma_wait3A_682 = arith.constant 512 : i32
    %dma_wait3A_683 = tpu.memref_slice %arg8[%dma_wait3A_682] : memref<13312xf32, #tpu.memory_space<vmem>> -> memref<512xf32, #tpu.memory_space<vmem>>
    %dma_wait3A_684 = arith.constant 512 : i32
    %dma_wait3A_685 = tpu.memref_slice %arg7[%dma_wait3A_684] : memref<13312xi32, #tpu.memory_space<vmem>> -> memref<512xi32, #tpu.memory_space<vmem>>
    %dma_wait3A_686 = arith.constant 0 : i32
    %dma_wait3A_687 = tpu.memref_slice %arg3[%dma_wait3A_686] : memref<2600000xf32, #tpu.memory_space<hbm>> -> memref<2600000xf32, #tpu.memory_space<hbm>>
    tpu.wait_indirect_dma semaphore(%arg12 : memref<!tpu.dma_semaphore, #tpu.memory_space<semaphore_mem>>) src(%dma_wait3A_687 : memref<2600000xf32, #tpu.memory_space<hbm>>) dst(%dma_wait3A_683 : memref<512xf32, #tpu.memory_space<vmem>>)
    %dma_wait3A_688 = arith.constant 1024 : i32
    %dma_wait3A_689 = tpu.memref_slice %arg8[%dma_wait3A_688] : memref<13312xf32, #tpu.memory_space<vmem>> -> memref<512xf32, #tpu.memory_space<vmem>>
    %dma_wait3A_690 = arith.constant 1024 : i32
    %dma_wait3A_691 = tpu.memref_slice %arg7[%dma_wait3A_690] : memref<13312xi32, #tpu.memory_space<vmem>> -> memref<512xi32, #tpu.memory_space<vmem>>
    %dma_wait3A_692 = arith.constant 0 : i32
    %dma_wait3A_693 = tpu.memref_slice %arg3[%dma_wait3A_692] : memref<2600000xf32, #tpu.memory_space<hbm>> -> memref<2600000xf32, #tpu.memory_space<hbm>>
    tpu.wait_indirect_dma semaphore(%arg12 : memref<!tpu.dma_semaphore, #tpu.memory_space<semaphore_mem>>) src(%dma_wait3A_693 : memref<2600000xf32, #tpu.memory_space<hbm>>) dst(%dma_wait3A_689 : memref<512xf32, #tpu.memory_space<vmem>>)
    %dma_wait3A_694 = arith.constant 1536 : i32
    %dma_wait3A_695 = tpu.memref_slice %arg8[%dma_wait3A_694] : memref<13312xf32, #tpu.memory_space<vmem>> -> memref<512xf32, #tpu.memory_space<vmem>>
    %dma_wait3A_696 = arith.constant 1536 : i32
    %dma_wait3A_697 = tpu.memref_slice %arg7[%dma_wait3A_696] : memref<13312xi32, #tpu.memory_space<vmem>> -> memref<512xi32, #tpu.memory_space<vmem>>
    %dma_wait3A_698 = arith.constant 0 : i32
    %dma_wait3A_699 = tpu.memref_slice %arg3[%dma_wait3A_698] : memref<2600000xf32, #tpu.memory_space<hbm>> -> memref<2600000xf32, #tpu.memory_space<hbm>>
    tpu.wait_indirect_dma semaphore(%arg12 : memref<!tpu.dma_semaphore, #tpu.memory_space<semaphore_mem>>) src(%dma_wait3A_699 : memref<2600000xf32, #tpu.memory_space<hbm>>) dst(%dma_wait3A_695 : memref<512xf32, #tpu.memory_space<vmem>>)
    %dma_wait3A_700 = arith.constant 2048 : i32
    %dma_wait3A_701 = tpu.memref_slice %arg8[%dma_wait3A_700] : memref<13312xf32, #tpu.memory_space<vmem>> -> memref<512xf32, #tpu.memory_space<vmem>>
    %dma_wait3A_702 = arith.constant 2048 : i32
    %dma_wait3A_703 = tpu.memref_slice %arg7[%dma_wait3A_702] : memref<13312xi32, #tpu.memory_space<vmem>> -> memref<512xi32, #tpu.memory_space<vmem>>
    %dma_wait3A_704 = arith.constant 0 : i32
    %dma_wait3A_705 = tpu.memref_slice %arg3[%dma_wait3A_704] : memref<2600000xf32, #tpu.memory_space<hbm>> -> memref<2600000xf32, #tpu.memory_space<hbm>>
    tpu.wait_indirect_dma semaphore(%arg12 : memref<!tpu.dma_semaphore, #tpu.memory_space<semaphore_mem>>) src(%dma_wait3A_705 : memref<2600000xf32, #tpu.memory_space<hbm>>) dst(%dma_wait3A_701 : memref<512xf32, #tpu.memory_space<vmem>>)
    %dma_wait3A_706 = arith.constant 2560 : i32
    %dma_wait3A_707 = tpu.memref_slice %arg8[%dma_wait3A_706] : memref<13312xf32, #tpu.memory_space<vmem>> -> memref<512xf32, #tpu.memory_space<vmem>>
    %dma_wait3A_708 = arith.constant 2560 : i32
    %dma_wait3A_709 = tpu.memref_slice %arg7[%dma_wait3A_708] : memref<13312xi32, #tpu.memory_space<vmem>> -> memref<512xi32, #tpu.memory_space<vmem>>
    %dma_wait3A_710 = arith.constant 0 : i32
    %dma_wait3A_711 = tpu.memref_slice %arg3[%dma_wait3A_710] : memref<2600000xf32, #tpu.memory_space<hbm>> -> memref<2600000xf32, #tpu.memory_space<hbm>>
    tpu.wait_indirect_dma semaphore(%arg12 : memref<!tpu.dma_semaphore, #tpu.memory_space<semaphore_mem>>) src(%dma_wait3A_711 : memref<2600000xf32, #tpu.memory_space<hbm>>) dst(%dma_wait3A_707 : memref<512xf32, #tpu.memory_space<vmem>>)
    %dma_wait3A_712 = arith.constant 3072 : i32
    %dma_wait3A_713 = tpu.memref_slice %arg8[%dma_wait3A_712] : memref<13312xf32, #tpu.memory_space<vmem>> -> memref<512xf32, #tpu.memory_space<vmem>>
    %dma_wait3A_714 = arith.constant 3072 : i32
    %dma_wait3A_715 = tpu.memref_slice %arg7[%dma_wait3A_714] : memref<13312xi32, #tpu.memory_space<vmem>> -> memref<512xi32, #tpu.memory_space<vmem>>
    %dma_wait3A_716 = arith.constant 0 : i32
    %dma_wait3A_717 = tpu.memref_slice %arg3[%dma_wait3A_716] : memref<2600000xf32, #tpu.memory_space<hbm>> -> memref<2600000xf32, #tpu.memory_space<hbm>>
    tpu.wait_indirect_dma semaphore(%arg12 : memref<!tpu.dma_semaphore, #tpu.memory_space<semaphore_mem>>) src(%dma_wait3A_717 : memref<2600000xf32, #tpu.memory_space<hbm>>) dst(%dma_wait3A_713 : memref<512xf32, #tpu.memory_space<vmem>>)
    %dma_wait3A_718 = arith.constant 3584 : i32
    %dma_wait3A_719 = tpu.memref_slice %arg8[%dma_wait3A_718] : memref<13312xf32, #tpu.memory_space<vmem>> -> memref<512xf32, #tpu.memory_space<vmem>>
    %dma_wait3A_720 = arith.constant 3584 : i32
    %dma_wait3A_721 = tpu.memref_slice %arg7[%dma_wait3A_720] : memref<13312xi32, #tpu.memory_space<vmem>> -> memref<512xi32, #tpu.memory_space<vmem>>
    %dma_wait3A_722 = arith.constant 0 : i32
    %dma_wait3A_723 = tpu.memref_slice %arg3[%dma_wait3A_722] : memref<2600000xf32, #tpu.memory_space<hbm>> -> memref<2600000xf32, #tpu.memory_space<hbm>>
    tpu.wait_indirect_dma semaphore(%arg12 : memref<!tpu.dma_semaphore, #tpu.memory_space<semaphore_mem>>) src(%dma_wait3A_723 : memref<2600000xf32, #tpu.memory_space<hbm>>) dst(%dma_wait3A_719 : memref<512xf32, #tpu.memory_space<vmem>>)
    %dma_wait3A_724 = arith.constant 4096 : i32
    %dma_wait3A_725 = tpu.memref_slice %arg8[%dma_wait3A_724] : memref<13312xf32, #tpu.memory_space<vmem>> -> memref<512xf32, #tpu.memory_space<vmem>>
    %dma_wait3A_726 = arith.constant 4096 : i32
    %dma_wait3A_727 = tpu.memref_slice %arg7[%dma_wait3A_726] : memref<13312xi32, #tpu.memory_space<vmem>> -> memref<512xi32, #tpu.memory_space<vmem>>
    %dma_wait3A_728 = arith.constant 0 : i32
    %dma_wait3A_729 = tpu.memref_slice %arg3[%dma_wait3A_728] : memref<2600000xf32, #tpu.memory_space<hbm>> -> memref<2600000xf32, #tpu.memory_space<hbm>>
    tpu.wait_indirect_dma semaphore(%arg12 : memref<!tpu.dma_semaphore, #tpu.memory_space<semaphore_mem>>) src(%dma_wait3A_729 : memref<2600000xf32, #tpu.memory_space<hbm>>) dst(%dma_wait3A_725 : memref<512xf32, #tpu.memory_space<vmem>>)
    %dma_wait3A_730 = arith.constant 4608 : i32
    %dma_wait3A_731 = tpu.memref_slice %arg8[%dma_wait3A_730] : memref<13312xf32, #tpu.memory_space<vmem>> -> memref<512xf32, #tpu.memory_space<vmem>>
    %dma_wait3A_732 = arith.constant 4608 : i32
    %dma_wait3A_733 = tpu.memref_slice %arg7[%dma_wait3A_732] : memref<13312xi32, #tpu.memory_space<vmem>> -> memref<512xi32, #tpu.memory_space<vmem>>
    %dma_wait3A_734 = arith.constant 0 : i32
    %dma_wait3A_735 = tpu.memref_slice %arg3[%dma_wait3A_734] : memref<2600000xf32, #tpu.memory_space<hbm>> -> memref<2600000xf32, #tpu.memory_space<hbm>>
    tpu.wait_indirect_dma semaphore(%arg12 : memref<!tpu.dma_semaphore, #tpu.memory_space<semaphore_mem>>) src(%dma_wait3A_735 : memref<2600000xf32, #tpu.memory_space<hbm>>) dst(%dma_wait3A_731 : memref<512xf32, #tpu.memory_space<vmem>>)
    %dma_wait3A_736 = arith.constant 5120 : i32
    %dma_wait3A_737 = tpu.memref_slice %arg8[%dma_wait3A_736] : memref<13312xf32, #tpu.memory_space<vmem>> -> memref<512xf32, #tpu.memory_space<vmem>>
    %dma_wait3A_738 = arith.constant 5120 : i32
    %dma_wait3A_739 = tpu.memref_slice %arg7[%dma_wait3A_738] : memref<13312xi32, #tpu.memory_space<vmem>> -> memref<512xi32, #tpu.memory_space<vmem>>
    %dma_wait3A_740 = arith.constant 0 : i32
    %dma_wait3A_741 = tpu.memref_slice %arg3[%dma_wait3A_740] : memref<2600000xf32, #tpu.memory_space<hbm>> -> memref<2600000xf32, #tpu.memory_space<hbm>>
    tpu.wait_indirect_dma semaphore(%arg12 : memref<!tpu.dma_semaphore, #tpu.memory_space<semaphore_mem>>) src(%dma_wait3A_741 : memref<2600000xf32, #tpu.memory_space<hbm>>) dst(%dma_wait3A_737 : memref<512xf32, #tpu.memory_space<vmem>>)
    %dma_wait3A_742 = arith.constant 5632 : i32
    %dma_wait3A_743 = tpu.memref_slice %arg8[%dma_wait3A_742] : memref<13312xf32, #tpu.memory_space<vmem>> -> memref<512xf32, #tpu.memory_space<vmem>>
    %dma_wait3A_744 = arith.constant 5632 : i32
    %dma_wait3A_745 = tpu.memref_slice %arg7[%dma_wait3A_744] : memref<13312xi32, #tpu.memory_space<vmem>> -> memref<512xi32, #tpu.memory_space<vmem>>
    %dma_wait3A_746 = arith.constant 0 : i32
    %dma_wait3A_747 = tpu.memref_slice %arg3[%dma_wait3A_746] : memref<2600000xf32, #tpu.memory_space<hbm>> -> memref<2600000xf32, #tpu.memory_space<hbm>>
    tpu.wait_indirect_dma semaphore(%arg12 : memref<!tpu.dma_semaphore, #tpu.memory_space<semaphore_mem>>) src(%dma_wait3A_747 : memref<2600000xf32, #tpu.memory_space<hbm>>) dst(%dma_wait3A_743 : memref<512xf32, #tpu.memory_space<vmem>>)
    %dma_wait3A_748 = arith.constant 6144 : i32
    %dma_wait3A_749 = tpu.memref_slice %arg8[%dma_wait3A_748] : memref<13312xf32, #tpu.memory_space<vmem>> -> memref<512xf32, #tpu.memory_space<vmem>>
    %dma_wait3A_750 = arith.constant 6144 : i32
    %dma_wait3A_751 = tpu.memref_slice %arg7[%dma_wait3A_750] : memref<13312xi32, #tpu.memory_space<vmem>> -> memref<512xi32, #tpu.memory_space<vmem>>
    %dma_wait3A_752 = arith.constant 0 : i32
    %dma_wait3A_753 = tpu.memref_slice %arg3[%dma_wait3A_752] : memref<2600000xf32, #tpu.memory_space<hbm>> -> memref<2600000xf32, #tpu.memory_space<hbm>>
    tpu.wait_indirect_dma semaphore(%arg12 : memref<!tpu.dma_semaphore, #tpu.memory_space<semaphore_mem>>) src(%dma_wait3A_753 : memref<2600000xf32, #tpu.memory_space<hbm>>) dst(%dma_wait3A_749 : memref<512xf32, #tpu.memory_space<vmem>>)
    %get3A = arith.constant 0 : index
    %get3A_754 = tpu.vector_load %arg10[%get3A] {strides = array<i32>} : memref<16xf32, #tpu.memory_space<vmem>>, vector<16xf32>,
    %get3A_755 = vector.shape_cast %get3A_754 : vector<16xf32> to vector<16xf32>
    %scan3A_756 = arith.constant 0 : i32
    %scan3A_757 = arith.constant 0 : i32
    %scan3A_758 = arith.constant 32 : i32
    %scan3A_759 = arith.addi %scan3A_757, %scan3A_758 : i32
    %scan3A_760 = arith.constant 1 : i32
    scf.for %scan3A_846 = %scan3A_757 to %scan3A_759 step %scan3A_760  : i32 {
      %mul3A_847 = arith.constant 16 : i32
      %mul3A_848 = arith.muli %scan3A_846, %mul3A_847 : i32
      %get3A_849 = arith.index_cast %mul3A_848 : i32 to index
      %get3A_850 = tpu.vector_load %arg8[%get3A_849] {strides = array<i32>} : memref<13312xf32, #tpu.memory_space<vmem>>, vector<16xf32>,
      %get3A_851 = vector.shape_cast %get3A_850 : vector<16xf32> to vector<16xf32>
      %add3A_852 = arith.addf %get3A_851, %get3A_755 : vector<16xf32>
      %add3A_853 = arith.constant 512 : i32
      %add3A_854 = arith.addi %add3A_853, %mul3A_848 : i32
      %get3A_855 = arith.index_cast %add3A_854 : i32 to index
      %get3A_856 = tpu.vector_load %arg8[%get3A_855] {strides = array<i32>} : memref<13312xf32, #tpu.memory_space<vmem>>, vector<16xf32>,
      %get3A_857 = vector.shape_cast %get3A_856 : vector<16xf32> to vector<16xf32>
      %add3A_858 = arith.addf %add3A_852, %get3A_857 : vector<16xf32>
      %add3A_859 = arith.constant 1024 : i32
      %add3A_860 = arith.addi %add3A_859, %mul3A_848 : i32
      %get3A_861 = arith.index_cast %add3A_860 : i32 to index
      %get3A_862 = tpu.vector_load %arg8[%get3A_861] {strides = array<i32>} : memref<13312xf32, #tpu.memory_space<vmem>>, vector<16xf32>,
      %get3A_863 = vector.shape_cast %get3A_862 : vector<16xf32> to vector<16xf32>
      %add3A_864 = arith.addf %add3A_858, %get3A_863 : vector<16xf32>
      %add3A_865 = arith.constant 1536 : i32
      %add3A_866 = arith.addi %add3A_865, %mul3A_848 : i32
      %get3A_867 = arith.index_cast %add3A_866 : i32 to index
      %get3A_868 = tpu.vector_load %arg8[%get3A_867] {strides = array<i32>} : memref<13312xf32, #tpu.memory_space<vmem>>, vector<16xf32>,
      %get3A_869 = vector.shape_cast %get3A_868 : vector<16xf32> to vector<16xf32>
      %add3A_870 = arith.addf %add3A_864, %get3A_869 : vector<16xf32>
      %add3A_871 = arith.constant 2048 : i32
      %add3A_872 = arith.addi %add3A_871, %mul3A_848 : i32
      %get3A_873 = arith.index_cast %add3A_872 : i32 to index
      %get3A_874 = tpu.vector_load %arg8[%get3A_873] {strides = array<i32>} : memref<13312xf32, #tpu.memory_space<vmem>>, vector<16xf32>,
      %get3A_875 = vector.shape_cast %get3A_874 : vector<16xf32> to vector<16xf32>
      %add3A_876 = arith.addf %add3A_870, %get3A_875 : vector<16xf32>
      %add3A_877 = arith.constant 2560 : i32
      %add3A_878 = arith.addi %add3A_877, %mul3A_848 : i32
      %get3A_879 = arith.index_cast %add3A_878 : i32 to index
      %get3A_880 = tpu.vector_load %arg8[%get3A_879] {strides = array<i32>} : memref<13312xf32, #tpu.memory_space<vmem>>, vector<16xf32>,
      %get3A_881 = vector.shape_cast %get3A_880 : vector<16xf32> to vector<16xf32>
      %add3A_882 = arith.addf %add3A_876, %get3A_881 : vector<16xf32>
      %add3A_883 = arith.constant 3072 : i32
      %add3A_884 = arith.addi %add3A_883, %mul3A_848 : i32
      %get3A_885 = arith.index_cast %add3A_884 : i32 to index
      %get3A_886 = tpu.vector_load %arg8[%get3A_885] {strides = array<i32>} : memref<13312xf32, #tpu.memory_space<vmem>>, vector<16xf32>,
      %get3A_887 = vector.shape_cast %get3A_886 : vector<16xf32> to vector<16xf32>
      %add3A_888 = arith.addf %add3A_882, %get3A_887 : vector<16xf32>
      %add3A_889 = arith.constant 3584 : i32
      %add3A_890 = arith.addi %add3A_889, %mul3A_848 : i32
      %get3A_891 = arith.index_cast %add3A_890 : i32 to index
      %get3A_892 = tpu.vector_load %arg8[%get3A_891] {strides = array<i32>} : memref<13312xf32, #tpu.memory_space<vmem>>, vector<16xf32>,
      %get3A_893 = vector.shape_cast %get3A_892 : vector<16xf32> to vector<16xf32>
      %add3A_894 = arith.addf %add3A_888, %get3A_893 : vector<16xf32>
      %add3A_895 = arith.constant 4096 : i32
      %add3A_896 = arith.addi %add3A_895, %mul3A_848 : i32
      %get3A_897 = arith.index_cast %add3A_896 : i32 to index
      %get3A_898 = tpu.vector_load %arg8[%get3A_897] {strides = array<i32>} : memref<13312xf32, #tpu.memory_space<vmem>>, vector<16xf32>,
      %get3A_899 = vector.shape_cast %get3A_898 : vector<16xf32> to vector<16xf32>
      %add3A_900 = arith.addf %add3A_894, %get3A_899 : vector<16xf32>
      %add3A_901 = arith.constant 4608 : i32
      %add3A_902 = arith.addi %add3A_901, %mul3A_848 : i32
      %get3A_903 = arith.index_cast %add3A_902 : i32 to index
      %get3A_904 = tpu.vector_load %arg8[%get3A_903] {strides = array<i32>} : memref<13312xf32, #tpu.memory_space<vmem>>, vector<16xf32>,
      %get3A_905 = vector.shape_cast %get3A_904 : vector<16xf32> to vector<16xf32>
      %add3A_906 = arith.addf %add3A_900, %get3A_905 : vector<16xf32>
      %add3A_907 = arith.constant 5120 : i32
      %add3A_908 = arith.addi %add3A_907, %mul3A_848 : i32
      %get3A_909 = arith.index_cast %add3A_908 : i32 to index
      %get3A_910 = tpu.vector_load %arg8[%get3A_909] {strides = array<i32>} : memref<13312xf32, #tpu.memory_space<vmem>>, vector<16xf32>,
      %get3A_911 = vector.shape_cast %get3A_910 : vector<16xf32> to vector<16xf32>
      %add3A_912 = arith.addf %add3A_906, %get3A_911 : vector<16xf32>
      %add3A_913 = arith.constant 5632 : i32
      %add3A_914 = arith.addi %add3A_913, %mul3A_848 : i32
      %get3A_915 = arith.index_cast %add3A_914 : i32 to index
      %get3A_916 = tpu.vector_load %arg8[%get3A_915] {strides = array<i32>} : memref<13312xf32, #tpu.memory_space<vmem>>, vector<16xf32>,
      %get3A_917 = vector.shape_cast %get3A_916 : vector<16xf32> to vector<16xf32>
      %add3A_918 = arith.addf %add3A_912, %get3A_917 : vector<16xf32>
      %add3A_919 = arith.constant 6144 : i32
      %add3A_920 = arith.addi %add3A_919, %mul3A_848 : i32
      %get3A_921 = arith.index_cast %add3A_920 : i32 to index
      %get3A_922 = tpu.vector_load %arg8[%get3A_921] {strides = array<i32>} : memref<13312xf32, #tpu.memory_space<vmem>>, vector<16xf32>,
      %get3A_923 = vector.shape_cast %get3A_922 : vector<16xf32> to vector<16xf32>
      %add3A_924 = arith.addf %add3A_918, %get3A_923 : vector<16xf32>
      %swap3A = arith.index_cast %mul3A_848 : i32 to index
      %swap3A_925 = tpu.vector_load %arg9[%swap3A] {strides = array<i32>} : memref<512xf32, #tpu.memory_space<vmem>>, vector<16xf32>,
      %swap3A_926 = vector.shape_cast %swap3A_925 : vector<16xf32> to vector<16xf32>
      %swap3A_927 = vector.shape_cast %add3A_924 : vector<16xf32> to vector<16xf32>
      tpu.vector_store %arg9[%swap3A], %swap3A_927 {strides = array<i32>} : memref<512xf32, #tpu.memory_space<vmem>>, vector<16xf32>,
    }
    %scan3A_761 = arith.constant 32 : i32
    %dma_wait3A_762 = arith.constant 6656 : i32
    %dma_wait3A_763 = tpu.memref_slice %arg8[%dma_wait3A_762] : memref<13312xf32, #tpu.memory_space<vmem>> -> memref<512xf32, #tpu.memory_space<vmem>>
    %dma_wait3A_764 = arith.constant 6656 : i32
    %dma_wait3A_765 = tpu.memref_slice %arg7[%dma_wait3A_764] : memref<13312xi32, #tpu.memory_space<vmem>> -> memref<512xi32, #tpu.memory_space<vmem>>
    %dma_wait3A_766 = arith.constant 0 : i32
    %dma_wait3A_767 = tpu.memref_slice %arg3[%dma_wait3A_766] : memref<2600000xf32, #tpu.memory_space<hbm>> -> memref<2600000xf32, #tpu.memory_space<hbm>>
    tpu.wait_indirect_dma semaphore(%arg12 : memref<!tpu.dma_semaphore, #tpu.memory_space<semaphore_mem>>) src(%dma_wait3A_767 : memref<2600000xf32, #tpu.memory_space<hbm>>) dst(%dma_wait3A_763 : memref<512xf32, #tpu.memory_space<vmem>>)
    %dma_wait3A_768 = arith.constant 7168 : i32
    %dma_wait3A_769 = tpu.memref_slice %arg8[%dma_wait3A_768] : memref<13312xf32, #tpu.memory_space<vmem>> -> memref<512xf32, #tpu.memory_space<vmem>>
    %dma_wait3A_770 = arith.constant 7168 : i32
    %dma_wait3A_771 = tpu.memref_slice %arg7[%dma_wait3A_770] : memref<13312xi32, #tpu.memory_space<vmem>> -> memref<512xi32, #tpu.memory_space<vmem>>
    %dma_wait3A_772 = arith.constant 0 : i32
    %dma_wait3A_773 = tpu.memref_slice %arg3[%dma_wait3A_772] : memref<2600000xf32, #tpu.memory_space<hbm>> -> memref<2600000xf32, #tpu.memory_space<hbm>>
    tpu.wait_indirect_dma semaphore(%arg12 : memref<!tpu.dma_semaphore, #tpu.memory_space<semaphore_mem>>) src(%dma_wait3A_773 : memref<2600000xf32, #tpu.memory_space<hbm>>) dst(%dma_wait3A_769 : memref<512xf32, #tpu.memory_space<vmem>>)
    %dma_wait3A_774 = arith.constant 7680 : i32
    %dma_wait3A_775 = tpu.memref_slice %arg8[%dma_wait3A_774] : memref<13312xf32, #tpu.memory_space<vmem>> -> memref<512xf32, #tpu.memory_space<vmem>>
    %dma_wait3A_776 = arith.constant 7680 : i32
    %dma_wait3A_777 = tpu.memref_slice %arg7[%dma_wait3A_776] : memref<13312xi32, #tpu.memory_space<vmem>> -> memref<512xi32, #tpu.memory_space<vmem>>
    %dma_wait3A_778 = arith.constant 0 : i32
    %dma_wait3A_779 = tpu.memref_slice %arg3[%dma_wait3A_778] : memref<2600000xf32, #tpu.memory_space<hbm>> -> memref<2600000xf32, #tpu.memory_space<hbm>>
    tpu.wait_indirect_dma semaphore(%arg12 : memref<!tpu.dma_semaphore, #tpu.memory_space<semaphore_mem>>) src(%dma_wait3A_779 : memref<2600000xf32, #tpu.memory_space<hbm>>) dst(%dma_wait3A_775 : memref<512xf32, #tpu.memory_space<vmem>>)
    %dma_wait3A_780 = arith.constant 8192 : i32
    %dma_wait3A_781 = tpu.memref_slice %arg8[%dma_wait3A_780] : memref<13312xf32, #tpu.memory_space<vmem>> -> memref<512xf32, #tpu.memory_space<vmem>>
    %dma_wait3A_782 = arith.constant 8192 : i32
    %dma_wait3A_783 = tpu.memref_slice %arg7[%dma_wait3A_782] : memref<13312xi32, #tpu.memory_space<vmem>> -> memref<512xi32, #tpu.memory_space<vmem>>
    %dma_wait3A_784 = arith.constant 0 : i32
    %dma_wait3A_785 = tpu.memref_slice %arg3[%dma_wait3A_784] : memref<2600000xf32, #tpu.memory_space<hbm>> -> memref<2600000xf32, #tpu.memory_space<hbm>>
    tpu.wait_indirect_dma semaphore(%arg12 : memref<!tpu.dma_semaphore, #tpu.memory_space<semaphore_mem>>) src(%dma_wait3A_785 : memref<2600000xf32, #tpu.memory_space<hbm>>) dst(%dma_wait3A_781 : memref<512xf32, #tpu.memory_space<vmem>>)
    %dma_wait3A_786 = arith.constant 8704 : i32
    %dma_wait3A_787 = tpu.memref_slice %arg8[%dma_wait3A_786] : memref<13312xf32, #tpu.memory_space<vmem>> -> memref<512xf32, #tpu.memory_space<vmem>>
    %dma_wait3A_788 = arith.constant 8704 : i32
    %dma_wait3A_789 = tpu.memref_slice %arg7[%dma_wait3A_788] : memref<13312xi32, #tpu.memory_space<vmem>> -> memref<512xi32, #tpu.memory_space<vmem>>
    %dma_wait3A_790 = arith.constant 0 : i32
    %dma_wait3A_791 = tpu.memref_slice %arg3[%dma_wait3A_790] : memref<2600000xf32, #tpu.memory_space<hbm>> -> memref<2600000xf32, #tpu.memory_space<hbm>>
    tpu.wait_indirect_dma semaphore(%arg12 : memref<!tpu.dma_semaphore, #tpu.memory_space<semaphore_mem>>) src(%dma_wait3A_791 : memref<2600000xf32, #tpu.memory_space<hbm>>) dst(%dma_wait3A_787 : memref<512xf32, #tpu.memory_space<vmem>>)
    %dma_wait3A_792 = arith.constant 9216 : i32
    %dma_wait3A_793 = tpu.memref_slice %arg8[%dma_wait3A_792] : memref<13312xf32, #tpu.memory_space<vmem>> -> memref<512xf32, #tpu.memory_space<vmem>>
    %dma_wait3A_794 = arith.constant 9216 : i32
    %dma_wait3A_795 = tpu.memref_slice %arg7[%dma_wait3A_794] : memref<13312xi32, #tpu.memory_space<vmem>> -> memref<512xi32, #tpu.memory_space<vmem>>
    %dma_wait3A_796 = arith.constant 0 : i32
    %dma_wait3A_797 = tpu.memref_slice %arg3[%dma_wait3A_796] : memref<2600000xf32, #tpu.memory_space<hbm>> -> memref<2600000xf32, #tpu.memory_space<hbm>>
    tpu.wait_indirect_dma semaphore(%arg12 : memref<!tpu.dma_semaphore, #tpu.memory_space<semaphore_mem>>) src(%dma_wait3A_797 : memref<2600000xf32, #tpu.memory_space<hbm>>) dst(%dma_wait3A_793 : memref<512xf32, #tpu.memory_space<vmem>>)
    %dma_wait3A_798 = arith.constant 9728 : i32
    %dma_wait3A_799 = tpu.memref_slice %arg8[%dma_wait3A_798] : memref<13312xf32, #tpu.memory_space<vmem>> -> memref<512xf32, #tpu.memory_space<vmem>>
    %dma_wait3A_800 = arith.constant 9728 : i32
    %dma_wait3A_801 = tpu.memref_slice %arg7[%dma_wait3A_800] : memref<13312xi32, #tpu.memory_space<vmem>> -> memref<512xi32, #tpu.memory_space<vmem>>
    %dma_wait3A_802 = arith.constant 0 : i32
    %dma_wait3A_803 = tpu.memref_slice %arg3[%dma_wait3A_802] : memref<2600000xf32, #tpu.memory_space<hbm>> -> memref<2600000xf32, #tpu.memory_space<hbm>>
    tpu.wait_indirect_dma semaphore(%arg12 : memref<!tpu.dma_semaphore, #tpu.memory_space<semaphore_mem>>) src(%dma_wait3A_803 : memref<2600000xf32, #tpu.memory_space<hbm>>) dst(%dma_wait3A_799 : memref<512xf32, #tpu.memory_space<vmem>>)
    %dma_wait3A_804 = arith.constant 10240 : i32
    %dma_wait3A_805 = tpu.memref_slice %arg8[%dma_wait3A_804] : memref<13312xf32, #tpu.memory_space<vmem>> -> memref<512xf32, #tpu.memory_space<vmem>>
    %dma_wait3A_806 = arith.constant 10240 : i32
    %dma_wait3A_807 = tpu.memref_slice %arg7[%dma_wait3A_806] : memref<13312xi32, #tpu.memory_space<vmem>> -> memref<512xi32, #tpu.memory_space<vmem>>
    %dma_wait3A_808 = arith.constant 0 : i32
    %dma_wait3A_809 = tpu.memref_slice %arg3[%dma_wait3A_808] : memref<2600000xf32, #tpu.memory_space<hbm>> -> memref<2600000xf32, #tpu.memory_space<hbm>>
    tpu.wait_indirect_dma semaphore(%arg12 : memref<!tpu.dma_semaphore, #tpu.memory_space<semaphore_mem>>) src(%dma_wait3A_809 : memref<2600000xf32, #tpu.memory_space<hbm>>) dst(%dma_wait3A_805 : memref<512xf32, #tpu.memory_space<vmem>>)
    %dma_wait3A_810 = arith.constant 10752 : i32
    %dma_wait3A_811 = tpu.memref_slice %arg8[%dma_wait3A_810] : memref<13312xf32, #tpu.memory_space<vmem>> -> memref<512xf32, #tpu.memory_space<vmem>>
    %dma_wait3A_812 = arith.constant 10752 : i32
    %dma_wait3A_813 = tpu.memref_slice %arg7[%dma_wait3A_812] : memref<13312xi32, #tpu.memory_space<vmem>> -> memref<512xi32, #tpu.memory_space<vmem>>
    %dma_wait3A_814 = arith.constant 0 : i32
    %dma_wait3A_815 = tpu.memref_slice %arg3[%dma_wait3A_814] : memref<2600000xf32, #tpu.memory_space<hbm>> -> memref<2600000xf32, #tpu.memory_space<hbm>>
    tpu.wait_indirect_dma semaphore(%arg12 : memref<!tpu.dma_semaphore, #tpu.memory_space<semaphore_mem>>) src(%dma_wait3A_815 : memref<2600000xf32, #tpu.memory_space<hbm>>) dst(%dma_wait3A_811 : memref<512xf32, #tpu.memory_space<vmem>>)
    %dma_wait3A_816 = arith.constant 11264 : i32
    %dma_wait3A_817 = tpu.memref_slice %arg8[%dma_wait3A_816] : memref<13312xf32, #tpu.memory_space<vmem>> -> memref<512xf32, #tpu.memory_space<vmem>>
    %dma_wait3A_818 = arith.constant 11264 : i32
    %dma_wait3A_819 = tpu.memref_slice %arg7[%dma_wait3A_818] : memref<13312xi32, #tpu.memory_space<vmem>> -> memref<512xi32, #tpu.memory_space<vmem>>
    %dma_wait3A_820 = arith.constant 0 : i32
    %dma_wait3A_821 = tpu.memref_slice %arg3[%dma_wait3A_820] : memref<2600000xf32, #tpu.memory_space<hbm>> -> memref<2600000xf32, #tpu.memory_space<hbm>>
    tpu.wait_indirect_dma semaphore(%arg12 : memref<!tpu.dma_semaphore, #tpu.memory_space<semaphore_mem>>) src(%dma_wait3A_821 : memref<2600000xf32, #tpu.memory_space<hbm>>) dst(%dma_wait3A_817 : memref<512xf32, #tpu.memory_space<vmem>>)
    %dma_wait3A_822 = arith.constant 11776 : i32
    %dma_wait3A_823 = tpu.memref_slice %arg8[%dma_wait3A_822] : memref<13312xf32, #tpu.memory_space<vmem>> -> memref<512xf32, #tpu.memory_space<vmem>>
    %dma_wait3A_824 = arith.constant 11776 : i32
    %dma_wait3A_825 = tpu.memref_slice %arg7[%dma_wait3A_824] : memref<13312xi32, #tpu.memory_space<vmem>> -> memref<512xi32, #tpu.memory_space<vmem>>
    %dma_wait3A_826 = arith.constant 0 : i32
    %dma_wait3A_827 = tpu.memref_slice %arg3[%dma_wait3A_826] : memref<2600000xf32, #tpu.memory_space<hbm>> -> memref<2600000xf32, #tpu.memory_space<hbm>>
    tpu.wait_indirect_dma semaphore(%arg12 : memref<!tpu.dma_semaphore, #tpu.memory_space<semaphore_mem>>) src(%dma_wait3A_827 : memref<2600000xf32, #tpu.memory_space<hbm>>) dst(%dma_wait3A_823 : memref<512xf32, #tpu.memory_space<vmem>>)
    %dma_wait3A_828 = arith.constant 12288 : i32
    %dma_wait3A_829 = tpu.memref_slice %arg8[%dma_wait3A_828] : memref<13312xf32, #tpu.memory_space<vmem>> -> memref<512xf32, #tpu.memory_space<vmem>>
    %dma_wait3A_830 = arith.constant 12288 : i32
    %dma_wait3A_831 = tpu.memref_slice %arg7[%dma_wait3A_830] : memref<13312xi32, #tpu.memory_space<vmem>> -> memref<512xi32, #tpu.memory_space<vmem>>
    %dma_wait3A_832 = arith.constant 0 : i32
    %dma_wait3A_833 = tpu.memref_slice %arg3[%dma_wait3A_832] : memref<2600000xf32, #tpu.memory_space<hbm>> -> memref<2600000xf32, #tpu.memory_space<hbm>>
    tpu.wait_indirect_dma semaphore(%arg12 : memref<!tpu.dma_semaphore, #tpu.memory_space<semaphore_mem>>) src(%dma_wait3A_833 : memref<2600000xf32, #tpu.memory_space<hbm>>) dst(%dma_wait3A_829 : memref<512xf32, #tpu.memory_space<vmem>>)
    %dma_wait3A_834 = arith.constant 12800 : i32
    %dma_wait3A_835 = tpu.memref_slice %arg8[%dma_wait3A_834] : memref<13312xf32, #tpu.memory_space<vmem>> -> memref<512xf32, #tpu.memory_space<vmem>>
    %dma_wait3A_836 = arith.constant 12800 : i32
    %dma_wait3A_837 = tpu.memref_slice %arg7[%dma_wait3A_836] : memref<13312xi32, #tpu.memory_space<vmem>> -> memref<512xi32, #tpu.memory_space<vmem>>
    %dma_wait3A_838 = arith.constant 0 : i32
    %dma_wait3A_839 = tpu.memref_slice %arg3[%dma_wait3A_838] : memref<2600000xf32, #tpu.memory_space<hbm>> -> memref<2600000xf32, #tpu.memory_space<hbm>>
    tpu.wait_indirect_dma semaphore(%arg12 : memref<!tpu.dma_semaphore, #tpu.memory_space<semaphore_mem>>) src(%dma_wait3A_839 : memref<2600000xf32, #tpu.memory_space<hbm>>) dst(%dma_wait3A_835 : memref<512xf32, #tpu.memory_space<vmem>>)
    %scan3A_840 = arith.constant 0 : i32
    %scan3A_841 = arith.constant 0 : i32
    %scan3A_842 = arith.constant 32 : i32
    %scan3A_843 = arith.addi %scan3A_841, %scan3A_842 : i32
    %scan3A_844 = arith.constant 1 : i32
    scf.for %scan3A_846 = %scan3A_841 to %scan3A_843 step %scan3A_844  : i32 {
      %mul3A_847 = arith.constant 16 : i32
      %mul3A_848 = arith.muli %scan3A_846, %mul3A_847 : i32
      %get3A_849 = arith.index_cast %mul3A_848 : i32 to index
      %get3A_850 = tpu.vector_load %arg9[%get3A_849] {strides = array<i32>} : memref<512xf32, #tpu.memory_space<vmem>>, vector<16xf32>,
      %get3A_851 = vector.shape_cast %get3A_850 : vector<16xf32> to vector<16xf32>
      %add3A_852 = arith.constant 6656 : i32
      %add3A_853 = arith.addi %add3A_852, %mul3A_848 : i32
      %get3A_854 = arith.index_cast %add3A_853 : i32 to index
      %get3A_855 = tpu.vector_load %arg8[%get3A_854] {strides = array<i32>} : memref<13312xf32, #tpu.memory_space<vmem>>, vector<16xf32>,
      %get3A_856 = vector.shape_cast %get3A_855 : vector<16xf32> to vector<16xf32>
      %add3A_857 = arith.addf %get3A_851, %get3A_856 : vector<16xf32>
      %add3A_858 = arith.constant 7168 : i32
      %add3A_859 = arith.addi %add3A_858, %mul3A_848 : i32
      %get3A_860 = arith.index_cast %add3A_859 : i32 to index
      %get3A_861 = tpu.vector_load %arg8[%get3A_860] {strides = array<i32>} : memref<13312xf32, #tpu.memory_space<vmem>>, vector<16xf32>,
      %get3A_862 = vector.shape_cast %get3A_861 : vector<16xf32> to vector<16xf32>
      %add3A_863 = arith.addf %add3A_857, %get3A_862 : vector<16xf32>
      %add3A_864 = arith.constant 7680 : i32
      %add3A_865 = arith.addi %add3A_864, %mul3A_848 : i32
      %get3A_866 = arith.index_cast %add3A_865 : i32 to index
      %get3A_867 = tpu.vector_load %arg8[%get3A_866] {strides = array<i32>} : memref<13312xf32, #tpu.memory_space<vmem>>, vector<16xf32>,
      %get3A_868 = vector.shape_cast %get3A_867 : vector<16xf32> to vector<16xf32>
      %add3A_869 = arith.addf %add3A_863, %get3A_868 : vector<16xf32>
      %add3A_870 = arith.constant 8192 : i32
      %add3A_871 = arith.addi %add3A_870, %mul3A_848 : i32
      %get3A_872 = arith.index_cast %add3A_871 : i32 to index
      %get3A_873 = tpu.vector_load %arg8[%get3A_872] {strides = array<i32>} : memref<13312xf32, #tpu.memory_space<vmem>>, vector<16xf32>,
      %get3A_874 = vector.shape_cast %get3A_873 : vector<16xf32> to vector<16xf32>
      %add3A_875 = arith.addf %add3A_869, %get3A_874 : vector<16xf32>
      %add3A_876 = arith.constant 8704 : i32
      %add3A_877 = arith.addi %add3A_876, %mul3A_848 : i32
      %get3A_878 = arith.index_cast %add3A_877 : i32 to index
      %get3A_879 = tpu.vector_load %arg8[%get3A_878] {strides = array<i32>} : memref<13312xf32, #tpu.memory_space<vmem>>, vector<16xf32>,
      %get3A_880 = vector.shape_cast %get3A_879 : vector<16xf32> to vector<16xf32>
      %add3A_881 = arith.addf %add3A_875, %get3A_880 : vector<16xf32>
      %add3A_882 = arith.constant 9216 : i32
      %add3A_883 = arith.addi %add3A_882, %mul3A_848 : i32
      %get3A_884 = arith.index_cast %add3A_883 : i32 to index
      %get3A_885 = tpu.vector_load %arg8[%get3A_884] {strides = array<i32>} : memref<13312xf32, #tpu.memory_space<vmem>>, vector<16xf32>,
      %get3A_886 = vector.shape_cast %get3A_885 : vector<16xf32> to vector<16xf32>
      %add3A_887 = arith.addf %add3A_881, %get3A_886 : vector<16xf32>
      %add3A_888 = arith.constant 9728 : i32
      %add3A_889 = arith.addi %add3A_888, %mul3A_848 : i32
      %get3A_890 = arith.index_cast %add3A_889 : i32 to index
      %get3A_891 = tpu.vector_load %arg8[%get3A_890] {strides = array<i32>} : memref<13312xf32, #tpu.memory_space<vmem>>, vector<16xf32>,
      %get3A_892 = vector.shape_cast %get3A_891 : vector<16xf32> to vector<16xf32>
      %add3A_893 = arith.addf %add3A_887, %get3A_892 : vector<16xf32>
      %add3A_894 = arith.constant 10240 : i32
      %add3A_895 = arith.addi %add3A_894, %mul3A_848 : i32
      %get3A_896 = arith.index_cast %add3A_895 : i32 to index
      %get3A_897 = tpu.vector_load %arg8[%get3A_896] {strides = array<i32>} : memref<13312xf32, #tpu.memory_space<vmem>>, vector<16xf32>,
      %get3A_898 = vector.shape_cast %get3A_897 : vector<16xf32> to vector<16xf32>
      %add3A_899 = arith.addf %add3A_893, %get3A_898 : vector<16xf32>
      %add3A_900 = arith.constant 10752 : i32
      %add3A_901 = arith.addi %add3A_900, %mul3A_848 : i32
      %get3A_902 = arith.index_cast %add3A_901 : i32 to index
      %get3A_903 = tpu.vector_load %arg8[%get3A_902] {strides = array<i32>} : memref<13312xf32, #tpu.memory_space<vmem>>, vector<16xf32>,
      %get3A_904 = vector.shape_cast %get3A_903 : vector<16xf32> to vector<16xf32>
      %add3A_905 = arith.addf %add3A_899, %get3A_904 : vector<16xf32>
      %add3A_906 = arith.constant 11264 : i32
      %add3A_907 = arith.addi %add3A_906, %mul3A_848 : i32
      %get3A_908 = arith.index_cast %add3A_907 : i32 to index
      %get3A_909 = tpu.vector_load %arg8[%get3A_908] {strides = array<i32>} : memref<13312xf32, #tpu.memory_space<vmem>>, vector<16xf32>,
      %get3A_910 = vector.shape_cast %get3A_909 : vector<16xf32> to vector<16xf32>
      %add3A_911 = arith.addf %add3A_905, %get3A_910 : vector<16xf32>
      %add3A_912 = arith.constant 11776 : i32
      %add3A_913 = arith.addi %add3A_912, %mul3A_848 : i32
      %get3A_914 = arith.index_cast %add3A_913 : i32 to index
      %get3A_915 = tpu.vector_load %arg8[%get3A_914] {strides = array<i32>} : memref<13312xf32, #tpu.memory_space<vmem>>, vector<16xf32>,
      %get3A_916 = vector.shape_cast %get3A_915 : vector<16xf32> to vector<16xf32>
      %add3A_917 = arith.addf %add3A_911, %get3A_916 : vector<16xf32>
      %add3A_918 = arith.constant 12288 : i32
      %add3A_919 = arith.addi %add3A_918, %mul3A_848 : i32
      %get3A_920 = arith.index_cast %add3A_919 : i32 to index
      %get3A_921 = tpu.vector_load %arg8[%get3A_920] {strides = array<i32>} : memref<13312xf32, #tpu.memory_space<vmem>>, vector<16xf32>,
      %get3A_922 = vector.shape_cast %get3A_921 : vector<16xf32> to vector<16xf32>
      %add3A_923 = arith.addf %add3A_917, %get3A_922 : vector<16xf32>
      %add3A_924 = arith.constant 12800 : i32
      %add3A_925 = arith.addi %add3A_924, %mul3A_848 : i32
      %get3A_926 = arith.index_cast %add3A_925 : i32 to index
      %get3A_927 = tpu.vector_load %arg8[%get3A_926] {strides = array<i32>} : memref<13312xf32, #tpu.memory_space<vmem>>, vector<16xf32>,
      %get3A_928 = vector.shape_cast %get3A_927 : vector<16xf32> to vector<16xf32>
      %add3A_929 = arith.addf %add3A_923, %get3A_928 : vector<16xf32>
      %swap3A = arith.index_cast %mul3A_848 : i32 to index
      %swap3A_930 = tpu.vector_load %arg9[%swap3A] {strides = array<i32>} : memref<512xf32, #tpu.memory_space<vmem>>, vector<16xf32>,
      %swap3A_931 = vector.shape_cast %swap3A_930 : vector<16xf32> to vector<16xf32>
      %swap3A_932 = vector.shape_cast %add3A_929 : vector<16xf32> to vector<16xf32>
      tpu.vector_store %arg9[%swap3A], %swap3A_932 {strides = array<i32>} : memref<512xf32, #tpu.memory_space<vmem>>, vector<16xf32>,
    }
    %scan3A_845 = arith.constant 32 : i32
    "tpu.region"() ({
      %run_scoped3A = tpu.sem_alloc : memref<!tpu.dma_semaphore, #tpu.memory_space<semaphore_mem>>
      %dma_start3A_846 = tpu.memref_slice %arg5[%mul3A_2] : memref<16384xf32, #tpu.memory_space<hbm>> -> memref<512xf32, #tpu.memory_space<hbm>>
      %dma_start3A_847 = tpu.memref_slice %arg5[%mul3A_2] : memref<16384xf32, #tpu.memory_space<hbm>> -> memref<512xf32, #tpu.memory_space<hbm>>
      tpu.enqueue_dma source(%arg9 : memref<512xf32, #tpu.memory_space<vmem>>) target(%dma_start3A_847 : memref<512xf32, #tpu.memory_space<hbm>>) target_semaphore(%run_scoped3A : memref<!tpu.dma_semaphore, #tpu.memory_space<semaphore_mem>>)
      %dma_wait3A_848 = tpu.memref_slice %arg5[%mul3A_2] : memref<16384xf32, #tpu.memory_space<hbm>> -> memref<512xf32, #tpu.memory_space<hbm>>
      %dma_wait3A_849 = tpu.memref_slice %arg5[%mul3A_2] : memref<16384xf32, #tpu.memory_space<hbm>> -> memref<512xf32, #tpu.memory_space<hbm>>
      tpu.wait_dma2 semaphore(%run_scoped3A : memref<!tpu.dma_semaphore, #tpu.memory_space<semaphore_mem>>) src(%arg9 : memref<512xf32, #tpu.memory_space<vmem>>) dst(%dma_wait3A_849 : memref<512xf32, #tpu.memory_space<hbm>>)
      tpu.yield
    }) : () -> ()
    return
  }
}

</mosaic_0001>

<sc_bundles>
// kernel: kernel.3.cloned.1.call-start
scs
__scs_entry_jumppad:
0x0: {  	(pc) =	sbr.rel $0x88, $3  }
0x1: {  	(tag) =	ssettag $0x0;
	lr =	simm.s32 $0x1  }
0x2: {  	[smem:$0x3F9E] =	sst lr;
	_ =	strace $0xD0000000  }
0x3: {  	_ = 	snop  }
0x4: {  	_ = 	snop  }
0x5: {  	_ = 	snop  }
0x6: {  	_ = 	snop  }
0x7: {  	_ = 	snop  }
__scs_overlays_trampoline_lowered:
0x8: {  	[smem:$0x3FAD] =	sst s0  }
0x9: {  	[smem:$0x3FAE] =	sst s1  }
0xa: {  	[smem:$0x3FAF] =	sst s2  }
0xb: {  	[smem:$0x3FB0] =	sst s3  }
0xc: {  	[smem:$0x3FB1] =	sst s4  }
0xd: {  	[smem:$0x3FB2] =	sst s5  }
0xe: {  	[smem:$0x3FB3] =	sst s6  }
0xf: {  	[smem:$0x3FB4] =	sst s7  }
0x10: {  	[smem:$0x3FB5] =	sst s8  }
0x11: {  	[smem:$0x3FB6] =	sst s9;
	s0 =	simm.s32 @!p0 $0x0  }
0x12: {  	s1 =	sld [smem:$0x3F9C];
	s0 =	simm.s32 @p0 $0x1  }
0x13: {  	[smem:$0x3FB7] =	sst s0;
	s0 =	simm.s32 @!p1 $0x0  }
0x14: {  	s2 =	sld [smem:$0x3F9B];
	s0 =	simm.s32 @p1 $0x1  }
0x15: {  	[smem:$0x3FB8] =	sst s0;
	s0 =	simm.s32 @!p2 $0x0  }
0x16: {  	s3 =	sld [smem:$0x3FDB];
	s0 =	simm.s32 @p2 $0x1  }
0x17: {  	s4 =	simm.s32 $0x1BF5;
	[smem:$0x3FBA] =	sst s0  }
0x18: {  	s0 =	sld [smem:$0x3F9D];
	_ =	swait.ge [sflag:s4], $0x0  }
0x19: {  	s7 =	sld [smem:$0x3F9E]  }
0x1a: {  	s8 =	sadd.s32 $0xFFFFE003, lr  }
0x1b: {  	s9 =	sadd.s32 $0xFFFFFEF7, lr;
	s5 =	simm.s32 $0xFFFFFFFF;
	p2 =	slt.u32 s8, $0xFFFFF086  }
0x1c: {  	p1 =	slt.u32 s9, $0xF7A;
	s5 =	simm.s32 @!p2 $0x0  }
0x1d: {  	s5 =	simm.s32 @p1 $0x1;
	p0 =	seq.s32 s7, s2  }
0x1e: {  	s7 =	smul.u32 @!p0 $0xF7A, s2;
	p2 =	seq.s32 @!p0 s5, $0x0  }
0x1f: {  	s9 =	smul.u32 $0xF7A, s1;
	s8 =	simm.s32 @!p0 $0x1BF5;
	p2 =	por !p2, p0  }
0x20: {  	[sflag:s8] =	ssyncset.s32 @!p0 $0xFFFFF086;
	s6 =	sadd.s32 @!p0 s3, s7;
	s7 =	simm.s32 @!p0 $0x108  }
0x21: {  	s3 =	sadd.s32 s3, s9;
	s6 =	sadd.s32 @!p0 $0x88, s6;
	s7 =	simm.s32 @p2 $0x1082  }
0x22: {  	[simem:s7], [sflag:s8] =	dma.local @!p0 [hbm:s6], $0xF7A  }
0x23: {  	s9 =	sor.u32 $0xD0000000, s2;
	s6 =	simm.s32 $0x108;
	_ =	swait.ge @!p0 [sflag:s8], $0x0  }
0x24: {  	s3 =	sadd.s32 $0x88, s3;
	s6 =	simm.s32 @!p1 $0x1082;
	[sflag:s4] =	ssyncset.s32 $0xFFFFF086  }
0x25: {  	[simem:s6], [sflag:s4] =	dma.local [hbm:s3], $0xF7A  }
0x26: {  	[smem:$0x3F9E] =	sst s1;
	(tag) =	ssettag s2;
	_ =	strace s9  }
0x27: {  	s1 =	sld [smem:$0x3FAE]  }
0x28: {  	s2 =	sld [smem:$0x3FAF]  }
0x29: {  	s4 =	sld [smem:$0x3FB1]  }
0x2a: {  	p0 =	seq.s32 s5, $0x0;
	s5 =	sld [smem:$0x3FB2]  }
0x2b: {  	s6 =	sld [smem:$0x3FB3]  }
0x2c: {  	s7 =	sld [smem:$0x3FB4]  }
0x2d: {  	s3 =	simm.s32 $0x108;
	s8 =	sld [smem:$0x3FB5]  }
0x2e: {  	s3 =	simm.s32 @!p0 $0x1082;
	s9 =	sld [smem:$0x3FB6]  }
0x2f: {  	lr =	sadd.s32 s0, s3;
	s0 =	sld [smem:$0x3FAD]  }
0x30: {  	s3 =	sld [smem:$0x3FB0]  }
0x31: {  	[smem:$0x3FB9] =	sst s10  }
0x32: {  	s10 =	sld [smem:$0x3FB7];
	_ =	sdelay $0x3  }
0x33: {  	p0 =	seq.s32 s10, $0x1;
	s10 =	sld [smem:$0x3FB9];
	_ =	sdelay $0x3  }
0x34: {  	[smem:$0x3FB9] =	sst s10  }
0x35: {  	s10 =	sld [smem:$0x3FB8];
	_ =	sdelay $0x3  }
0x36: {  	p1 =	seq.s32 s10, $0x1;
	s10 =	sld [smem:$0x3FB9];
	_ =	sdelay $0x3  }
0x37: {  	[smem:$0x3FB9] =	sst s10  }
0x38: {  	s10 =	sld [smem:$0x3FBA]  }
0x39: {  	_ = 	snop;
	(pc) =	sbr.ind lr, $3  }
0x3a: {  	_ = 	snop  }
0x3b: {  	_ = 	snop  }
0x3c: {  	p2 =	seq.s32 s10, $0x1;
	s10 =	sld [smem:$0x3FB9]  }
0x3d: {  	_ =	shalt  }
0x3e: {  	_ =	shalt  }
0x3f: {  	_ =	shalt  }
0x40: {  	_ =	shalt  }
0x41: {  	_ =	shalt  }
0x42: {  	_ =	shalt  }
0x43: {  	_ =	shalt  }
0x44: {  	_ =	shalt  }
0x45: {  	_ =	shalt  }
0x46: {  	_ =	shalt  }
0x47: {  	_ =	shalt  }
0x48: {  	_ =	shalt  }
0x49: {  	_ =	shalt  }
0x4a: {  	_ =	shalt  }
0x4b: {  	_ =	shalt  }
0x4c: {  	_ =	shalt  }
0x4d: {  	_ =	shalt  }
0x4e: {  	_ =	shalt  }
0x4f: {  	_ =	shalt  }
0x50: {  	_ =	shalt  }
0x51: {  	_ =	shalt  }
0x52: {  	_ =	shalt  }
0x53: {  	_ =	shalt  }
0x54: {  	_ =	shalt  }
0x55: {  	_ =	shalt  }
0x56: {  	_ =	shalt  }
0x57: {  	_ =	shalt  }
0x58: {  	_ =	shalt  }
0x59: {  	_ =	shalt  }
0x5a: {  	_ =	shalt  }
0x5b: {  	_ =	shalt  }
0x5c: {  	_ =	shalt  }
0x5d: {  	_ =	shalt  }
0x5e: {  	_ =	shalt  }
0x5f: {  	_ =	shalt  }
0x60: {  	_ =	shalt  }
0x61: {  	_ =	shalt  }
0x62: {  	_ =	shalt  }
0x63: {  	_ =	shalt  }
0x64: {  	_ =	shalt  }
0x65: {  	_ =	shalt  }
0x66: {  	_ =	shalt  }
0x67: {  	_ =	shalt  }
0x68: {  	_ =	shalt  }
0x69: {  	_ =	shalt  }
0x6a: {  	_ =	shalt  }
0x6b: {  	_ =	shalt  }
0x6c: {  	_ =	shalt  }
0x6d: {  	_ =	shalt  }
0x6e: {  	_ =	shalt  }
0x6f: {  	_ =	shalt  }
0x70: {  	_ =	shalt  }
0x71: {  	_ =	shalt  }
0x72: {  	_ =	shalt  }
0x73: {  	_ =	shalt  }
0x74: {  	_ =	shalt  }
0x75: {  	_ =	shalt  }
0x76: {  	_ =	shalt  }
0x77: {  	_ =	shalt  }
0x78: {  	_ =	shalt  }
0x79: {  	_ =	shalt  }
0x7a: {  	_ =	shalt  }
0x7b: {  	_ =	shalt  }
0x7c: {  	_ =	shalt  }
0x7d: {  	_ =	shalt  }
0x7e: {  	_ =	shalt  }
0x7f: {  	_ =	shalt  }
0x80: {  	_ =	shalt  }
0x81: {  	_ =	shalt  }
0x82: {  	_ =	shalt  }
0x83: {  	_ =	shalt  }
0x84: {  	_ =	shalt  }
0x85: {  	_ =	shalt  }
0x86: {  	_ =	shalt  }
0x87: {  	_ =	shalt  }
.Lfunc_end0:
.L_simem_size_0:
called_computation_lowered:
.L_overlay_start_0:
0x88: {  	s2 =	sld [smem:$0x3FD9]  }
0x89: {  	s3 =	sld [smem:$0x3FFE];
	_ =	sdelay $0x1  }
0x8a: {  	s1 =	srdreg.scid  }
0x8b: {  	s0 =	sand.u32 $0x1, s1  }
0x8c: {  	s17 =	sshll.u32 s0, $0xA;
	s2 =	sadd.s32 s3, s2  }
0x8d: {  	s2 =	sadd.s32 s2, s17  }
0x8e: {  	[smem:$0x3FC5] =	sst s2  }
0x8f: {  	_ = 	snop  }
0x90: {  	s2 =	sld [smem:$0x3FD0];
	(tm) =	ssettm $0x1  }
0x91: {  	s18 =	sld [smem:$0x3FFB];
	_ =	sdelay $0x3  }
0x92: {  	_ =	strace s18  }
0x93: {  	s3 =	sld [smem:$0x3FFC];
	_ =	sdelay $0x3  }
0x94: {  	_ =	strace s3  }
0x95: {  	s3 =	sld [smem:$0x3FFD];
	_ =	sdelay $0x3  }
0x96: {  	_ =	strace s3  }
0x97: {  	_ =	strace $0x8FFFFFFF  }
0x98: {  	s19 =	sld [smem:$0x3FDB];
	_ =	sdelay $0x1  }
0x99: {  	s4 =	simm.s32 $_scs_section_size  }
0x9a: {  	s5 =	simm.s32 $_size__tile_overlayer_lowered;
	s6 =	simm.s32 $_tile_overlayer_lowered  }
0x9b: {  	s22 =	simm.s32 $0x1BFF;
	s21 =	sshll.u32 s6, $0x1;
	s3 =	sadd.s32 s4, s19  }
0x9c: {  	s7 =	simm.s32 $0x0;
	s20 =	sshll.u32 s5, $0x1;
	s5 =	sadd.s32 s21, s3  }
0x9d: {  	[timem:s7], [sflag:s22] =	dma.local [hbm:s5], s20  }
0x9e: {  	_ =	swait.ge [sflag:s22], s20  }
0x9f: {  	s4 =	ssub.s32 $0x0, s20;
	[sflag:s22] =	ssyncset.done $0x0  }
0xa0: {  	[sflag:s22] =	ssyncadd.s32 s4;
	_ =	sdelay $0x1  }
0xa1: {  	s23 =	simm.s32 $0x1B8B  }
0xa2: {  	_ =	swait.ge [sflag:s23], $0x1  }
0xa3: {  	[sflag:s23] =	ssyncset.done $0x0  }
0xa4: {  	s25 =	simm.s32 $0x1B8E;
	s24 =	sld [smem:$0x3FFE];
	[sflag:s23] =	ssyncadd.s32 $0xFFFFFFFF  }
0xa5: {  	s26 =	simm.s32 $execute0_lowered;
	[smem:$0x3FD2] =	sst s25  }
0xa6: {  	s5 =	sshll.u32 s26, $0x1;
	_ =	strace $0x80000046;
	[dreg:$0x1] =	wrdreg $0xFFFFFFFF  }
0xa7: {  	s28 =	simm.s32 $_size_execute0_lowered;
	s3 =	sadd.s32 s3, s5;
	[dreg:$0x0] =	wrdreg $0x0  }
0xa8: {  	s5 =	sshll.u32 s28, $0x1;
	[dreg:$0x2] =	wrdreg s3  }
0xa9: {  	[dreg:$0x3] =	wrdreg s5  }
0xaa: {  	[dreg:$0x4] =	wrdreg $0xC0  }
0xab: {  	_ =	task [dreg:s7], $0x5FFFF  }
0xac: {  	[dreg:$0x1] =	wrdreg $0xFFFFFFFF  }
0xad: {  	[dreg:$0x0] =	wrdreg $0x60  }
0xae: {  	[dreg:$0x2] =	wrdreg s24  }
0xaf: {  	[dreg:$0x3] =	wrdreg s2  }
0xb0: {  	[dreg:$0x4] =	wrdreg $0x9  }
0xb1: {  	_ =	task.clear_ibuf [dreg:s7], $0x5FFFF;
	_ =	strace $0x90000046  }
0xb2: {  	s29 =	simm.s32 $0x9;
	_ =	strace $0x80000048  }
0xb3: {  	_ =	swait.ge [sflag:s29], $0x1  }
0xb4: {  	[sflag:s29] =	ssyncadd.s32 $0xFFFFFFFF  }
0xb5: {  	_ =	strace $0x90000048  }
0xb6: {  	_ =	sfence  }
0xb7: {  	s30 =	sld [smem:$0x0];
	_ =	sdelay $0x2  }
0xb8: {  	s31 =	sshll.u32 s1, $0xD;
	s1 =	sshrl.u32 s1, $0x2  }
0xb9: {  	s3 =	sand.u32 $0x4000, s31;
	s1 =	sadd.s32 s1, s30  }
0xba: {  	s0 =	sor.u32 s3, s0;
	s1 =	sshll.u32 s1, $0x11  }
0xbb: {  	s0 =	sor.u32 s1, s0  }
0xbc: {  	s0 =	sadd.s32 $0x8F2B, s0  }
0xbd: {  	[sflag:s0] =	ssyncadd.remote.s32 $0x1  }
0xbe: {  	_ =	sfence.sel $0xFFFF  }
0xbf: {  	[dreg:$0x0] =	wrdreg $0xFFFFFFFF;
	(pc) =	sbr.abs _section_cstart, $3  }
0xc0: {  	[dreg:$0x1] =	wrdreg $0xFFFFFFFF  }
0xc1: {  	_ =	task.clear_ibuf [dreg:s7], $0x2FFFF;
	_ =	strace $0x9FFFFFFF  }
0xc2: {  	(tm) =	ssettm $0x7FFFFFFF  }
0xc3: {  	_ =	shalt  }
tec
execute0_lowered:
.L_overlay_start_1:
0x0: {  	(tag) =	ssettag $0x1  }
0x1: {  	s0 =	rddreg [dreg:$0x0]  }
0x2: {  	s1 =	rddreg [dreg:$0x1]  }
0x3: {  	s2 =	simm.s32 $0x0;
	s3 =	srdreg.scid;
	s5 =	stileid.u32  }
0x4: {  	s8 =	simm.s32 $0x2;
	s9 =	simm.s32 $0x0;
	[smem:$0x7FF] =	sst s2  }
0x5: {  	s4 =	sand.u32 $0x1, s3;
	s5 =	sshll.u32 s5, $0x7;
	s3 =	sadd.s32 $0xD000, s0  }
0x6: {  	s13 =	sadd.s32 $0x5C600, s0;
	s6 =	sshll.u32 s4, $0x6;
	s4 =	ssub.s32 $0x2, s4  }
0x7: {  	_ =	strace $0x80000047;
	s6 =	sor.u32 s6, s5;
	s7 =	sshrl.u32 s4, $0x1  }
0x8: {  	[dreg:$0x3] =	wrdreg s13;
	s5 =	sadd.s32 s0, s6;
	s14 =	ssub.s32 s4, s7  }
0x9: {  	s4 =	simm.s32 $0x200;
	s7 =	simm.s32 $0x1;
	s18 =	sadd.s32 $0x800, s5  }
0xa: {  	s19 =	sadd.s32 $0x1000, s5;
	s20 =	sadd.s32 $0x1800, s5;
	[dreg:$0x4] =	wrdreg s18  }
0xb: {  	s21 =	sadd.s32 $0x2000, s5;
	s22 =	sadd.s32 $0x2800, s5;
	[dreg:$0x5] =	wrdreg s19  }
0xc: {  	s23 =	sadd.s32 $0x3000, s5;
	s24 =	sadd.s32 $0x3800, s5;
	[dreg:$0x6] =	wrdreg s20  }
0xd: {  	s25 =	sadd.s32 $0x4000, s5;
	s26 =	sadd.s32 $0x4800, s5;
	[dreg:$0x7] =	wrdreg s21  }
0xe: {  	s15 =	sadd.s32 $0x5000, s5;
	s16 =	sadd.s32 $0x5800, s5;
	[dreg:$0x8] =	wrdreg s22  }
0xf: {  	s17 =	sadd.s32 $0x6000, s5;
	s28 =	sadd.s32 $0xA000, s5;
	[dreg:$0x9] =	wrdreg s23  }
0x10: {  	s29 =	sadd.s32 $0xA800, s5;
	s30 =	sadd.s32 $0xB000, s5;
	[dreg:$0xa] =	wrdreg s24  }
0x11: {  	s31 =	sadd.s32 $0xB800, s5;
	s0 =	sadd.s32 $0xC000, s5;
	[dreg:$0xb] =	wrdreg s25  }
0x12: {  	[dreg:$0xc] =	wrdreg s26;
	s18 =	sadd.s32 $0x6800, s5;
	s19 =	sadd.s32 $0x7000, s5  }
0x13: {  	s20 =	sadd.s32 $0x7800, s5;
	s21 =	sadd.s32 $0x8000, s5;
	s22 =	sadd.s32 $0x8800, s5  }
0x14: {  	s23 =	sadd.s32 s1, s6;
	s24 =	sadd.s32 $0x9000, s5;
	s25 =	smax.u32 s14, $0x1  }
0x15: {  	s26 =	sadd.s32 $0x9800, s5;
	s1 =	sadd.s32 $0xC800, s5;
	s6 =	simm.s32 $0x3  }
.LBB2_1:
0x16: {  	[tilespmem:s2], [sflag:$0x1] =	stream.linear.gather [hbm4b:s5+s2], $0x200, $0x38;
	[tilespmem:$0x9E80] =	vst v63  }
0x17: {  	s10 =	rddreg [dreg:$0x4]  }
0x18: {  	[tilespmem:s4], [sflag:$0x1] =	stream.linear.gather [hbm4b:s10+s2], $0x200, $0x38;
	[tilespmem:$0x9E80] =	vst v63  }
0x19: {  	s14 =	rddreg [dreg:$0x5];
	s11 =	simm.s32 $0x400  }
0x1a: {  	[tilespmem:s11], [sflag:$0x1] =	stream.linear.gather [hbm4b:s14+s2], $0x200, $0x38;
	[tilespmem:$0x9E80] =	vst v63  }
0x1b: {  	s12 =	simm.s32 $0x600;
	s11 =	rddreg [dreg:$0x6]  }
0x1c: {  	[tilespmem:s12], [sflag:$0x1] =	stream.linear.gather [hbm4b:s11+s2], $0x200, $0x38;
	[tilespmem:$0x9E80] =	vst v63  }
0x1d: {  	s13 =	rddreg [dreg:$0x7];
	s14 =	simm.s32 $0x800  }
0x1e: {  	[tilespmem:s14], [sflag:$0x1] =	stream.linear.gather [hbm4b:s13+s2], $0x200, $0x38;
	[tilespmem:$0x9E80] =	vst v63  }
0x1f: {  	s11 =	rddreg [dreg:$0x8];
	s12 =	simm.s32 $0xA00  }
0x20: {  	[tilespmem:s12], [sflag:$0x1] =	stream.linear.gather [hbm4b:s11+s2], $0x200, $0x38;
	[tilespmem:$0x9E80] =	vst v63  }
0x21: {  	s13 =	rddreg [dreg:$0x9];
	s14 =	simm.s32 $0xC00  }
0x22: {  	[tilespmem:s14], [sflag:$0x1] =	stream.linear.gather [hbm4b:s13+s2], $0x200, $0x38;
	[tilespmem:$0x9E80] =	vst v63  }
0x23: {  	s11 =	rddreg [dreg:$0xa];
	s12 =	simm.s32 $0xE00  }
0x24: {  	[tilespmem:s12], [sflag:$0x1] =	stream.linear.gather [hbm4b:s11+s2], $0x200, $0x38;
	[tilespmem:$0x9E80] =	vst v63  }
0x25: {  	s13 =	rddreg [dreg:$0xb];
	s14 =	simm.s32 $0x1000  }
0x26: {  	[tilespmem:s14], [sflag:$0x1] =	stream.linear.gather [hbm4b:s13+s2], $0x200, $0x38;
	[tilespmem:$0x9E80] =	vst v63  }
0x27: {  	s11 =	rddreg [dreg:$0xc];
	s12 =	simm.s32 $0x1200  }
0x28: {  	[tilespmem:s12], [sflag:$0x1] =	stream.linear.gather [hbm4b:s11+s2], $0x200, $0x38;
	[tilespmem:$0x9E80] =	vst v63  }
0x29: {  	s13 =	simm.s32 $0x1400  }
0x2a: {  	[tilespmem:s13], [sflag:$0x1] =	stream.linear.gather [hbm4b:s15+s2], $0x200, $0x38;
	[tilespmem:$0x9E80] =	vst v63  }
0x2b: {  	s14 =	simm.s32 $0x1600  }
0x2c: {  	[tilespmem:s14], [sflag:$0x1] =	stream.linear.gather [hbm4b:s16+s2], $0x200, $0x38;
	[tilespmem:$0x9E80] =	vst v63  }
0x2d: {  	s11 =	simm.s32 $0x1800  }
0x2e: {  	[tilespmem:s11], [sflag:$0x1] =	stream.linear.gather [hbm4b:s17+s2], $0x200, $0x38;
	[tilespmem:$0x9E80] =	vst v63  }
0x2f: {  	s12 =	simm.s32 $0x1A00  }
0x30: {  	[tilespmem:s12], [sflag:$0x1] =	stream.linear.gather [hbm4b:s18+s2], $0x200, $0x38;
	[tilespmem:$0x9E80] =	vst v63  }
0x31: {  	s13 =	simm.s32 $0x1C00  }
0x32: {  	[tilespmem:s13], [sflag:$0x1] =	stream.linear.gather [hbm4b:s19+s2], $0x200, $0x38;
	[tilespmem:$0x9E80] =	vst v63  }
0x33: {  	s14 =	simm.s32 $0x1E00  }
0x34: {  	[tilespmem:s14], [sflag:$0x1] =	stream.linear.gather [hbm4b:s20+s2], $0x200, $0x38;
	[tilespmem:$0x9E80] =	vst v63  }
0x35: {  	s11 =	simm.s32 $0x2000  }
0x36: {  	[tilespmem:s11], [sflag:$0x1] =	stream.linear.gather [hbm4b:s21+s2], $0x200, $0x38;
	[tilespmem:$0x9E80] =	vst v63  }
0x37: {  	s12 =	simm.s32 $0x2200  }
0x38: {  	[tilespmem:s12], [sflag:$0x1] =	stream.linear.gather [hbm4b:s22+s2], $0x200, $0x38;
	[tilespmem:$0x9E80] =	vst v63  }
0x39: {  	s13 =	simm.s32 $0x2400  }
0x3a: {  	[tilespmem:s13], [sflag:$0x1] =	stream.linear.gather [hbm4b:s24+s2], $0x200, $0x38;
	[tilespmem:$0x9E80] =	vst v63  }
0x3b: {  	s14 =	simm.s32 $0x2600  }
0x3c: {  	[tilespmem:s14], [sflag:$0x1] =	stream.linear.gather [hbm4b:s26+s2], $0x200, $0x38;
	[tilespmem:$0x9E80] =	vst v63  }
0x3d: {  	s11 =	simm.s32 $0x2800  }
0x3e: {  	[tilespmem:s11], [sflag:$0x1] =	stream.linear.gather [hbm4b:s28+s2], $0x200, $0x38;
	[tilespmem:$0x9E80] =	vst v63  }
0x3f: {  	s12 =	simm.s32 $0x2A00  }
0x40: {  	[tilespmem:s12], [sflag:$0x1] =	stream.linear.gather [hbm4b:s29+s2], $0x200, $0x38;
	[tilespmem:$0x9E80] =	vst v63  }
0x41: {  	s13 =	simm.s32 $0x2C00  }
0x42: {  	[tilespmem:s13], [sflag:$0x1] =	stream.linear.gather [hbm4b:s30+s2], $0x200, $0x38;
	[tilespmem:$0x9E80] =	vst v63  }
0x43: {  	s14 =	simm.s32 $0x2E00  }
0x44: {  	[tilespmem:s14], [sflag:$0x1] =	stream.linear.gather [hbm4b:s31+s2], $0x200, $0x38;
	[tilespmem:$0x9E80] =	vst v63  }
0x45: {  	s11 =	simm.s32 $0x3000  }
0x46: {  	[tilespmem:s11], [sflag:$0x1] =	stream.linear.gather [hbm4b:s0+s2], $0x200, $0x38;
	[tilespmem:$0x9E80] =	vst v63  }
0x47: {  	s12 =	simm.s32 $0x3200  }
0x48: {  	[tilespmem:s12], [sflag:$0x1] =	stream.linear.gather [hbm4b:s1+s2], $0x200, $0x38;
	[tilespmem:$0x9E80] =	vst v63  }
0x49: {  	s13 =	rddreg [dreg:$0x3];
	s14 =	simm.s32 $0x9E00  }
0x4a: {  	[tilespmem:s14], [sflag:$0x3] =	stream.linear.gather [hbm4b:s13+s2], $0x80, $0x38;
	[tilespmem:$0x9E80] =	vst v63  }
0x4b: {  	_ =	swait.ge [sflag:s6], $0x80  }
0x4c: {  	[sflag:s6] =	ssyncset.done $0x0  }
0x4d: {  	[sflag:s6] =	ssyncadd.s32 $0xFFFFFF80  }
0x4e: {  	_ =	swait.ge [sflag:s7], $0x200  }
0x4f: {  	[sflag:s7] =	ssyncset.done $0x0  }
0x50: {  	s10 =	simm.s32 $0x0;
	[sflag:s7] =	ssyncadd.s32 $0xFFFFFE00  }
0x51: {  	s11 =	simm.s32 $0x40;
	v0 =	vld [tilespmem:s10+$0x0]  }
.LBB2_2:
0x52: {  	p0 =	sne.s32 s11, $0x7C0  }
.Ltmp0:
0x53: {  	_ = 	snop;
	(pc) =	sbr.rel @p0 .LBB2_2-.Ltmp0, $3  }
0x54: {  	_ =	sdelay $0x1  }
0x55: {  	[tilespmem:s10+$0x3400] =	vst v0;
	s10 =	sshra.s32 s11, $0x2;
	s11 =	sadd.s32 $0x40, s11  }
0x56: {  	v0 =	vld [tilespmem:s10+$0x0]  }
0x57: {  	_ =	sdelay $0x3  }
0x58: {  	s14 =	simm.s32 $0x3400;
	s11 =	simm.s32 $0x6800;
	[tilespmem:s10+$0x3400] =	vst v0  }
0x59: {  	[tilespmem:s11], [sflag:$0x2] =	stream.indirect.gather [hbm4b:s3+s4], $0x1, s14, s4, $0xb8;
	[tilespmem:$0x9E80] =	vst v63  }
0x5a: {  	_ =	swait.ge [sflag:s7], $0x200  }
0x5b: {  	[sflag:s7] =	ssyncset.done $0x0  }
0x5c: {  	s10 =	simm.s32 $0x0;
	[sflag:s7] =	ssyncadd.s32 $0xFFFFFE00  }
0x5d: {  	s11 =	simm.s32 $0x40;
	v0 =	vld [tilespmem:s10+$0x200]  }
.LBB2_4:
0x5e: {  	p0 =	sne.s32 s11, $0x7C0  }
.Ltmp1:
0x5f: {  	_ = 	snop;
	(pc) =	sbr.rel @p0 .LBB2_4-.Ltmp1, $3  }
0x60: {  	_ =	sdelay $0x1  }
0x61: {  	s12 =	sshra.s32 s11, $0x2;
	s11 =	sadd.s32 $0x40, s11;
	v1 =	vadd.s32 $0x186A0, v0  }
0x62: {  	v0 =	vld [tilespmem:s12+$0x200];
	[tilespmem:s10+$0x3600] =	vst v1;
	s10 =	smov.u32 s12  }
0x63: {  	_ =	sdelay $0x3  }
0x64: {  	v0 =	vadd.s32 $0x186A0, v0  }
0x65: {  	s14 =	simm.s32 $0x3600;
	s11 =	simm.s32 $0x6A00;
	[tilespmem:s10+$0x3600] =	vst v0  }
0x66: {  	[tilespmem:s11], [sflag:$0x2] =	stream.indirect.gather [hbm4b:s3+s4], $0x1, s14, s4, $0xb8;
	[tilespmem:$0x9E80] =	vst v63  }
0x67: {  	_ =	swait.ge [sflag:s7], $0x200  }
0x68: {  	[sflag:s7] =	ssyncset.done $0x0  }
0x69: {  	s10 =	simm.s32 $0x0;
	[sflag:s7] =	ssyncadd.s32 $0xFFFFFE00  }
0x6a: {  	s11 =	simm.s32 $0x40;
	v0 =	vld [tilespmem:s10+$0x400]  }
.LBB2_6:
0x6b: {  	p0 =	sne.s32 s11, $0x7C0  }
.Ltmp2:
0x6c: {  	_ = 	snop;
	(pc) =	sbr.rel @p0 .LBB2_6-.Ltmp2, $3  }
0x6d: {  	_ =	sdelay $0x1  }
0x6e: {  	s12 =	sshra.s32 s11, $0x2;
	s11 =	sadd.s32 $0x40, s11;
	v1 =	vadd.s32 $0x30D40, v0  }
0x6f: {  	v0 =	vld [tilespmem:s12+$0x400];
	[tilespmem:s10+$0x3800] =	vst v1;
	s10 =	smov.u32 s12  }
0x70: {  	_ =	sdelay $0x3  }
0x71: {  	v0 =	vadd.s32 $0x30D40, v0  }
0x72: {  	s14 =	simm.s32 $0x3800;
	s11 =	simm.s32 $0x6C00;
	[tilespmem:s10+$0x3800] =	vst v0  }
0x73: {  	[tilespmem:s11], [sflag:$0x2] =	stream.indirect.gather [hbm4b:s3+s4], $0x1, s14, s4, $0xb8;
	[tilespmem:$0x9E80] =	vst v63  }
0x74: {  	_ =	swait.ge [sflag:s7], $0x200  }
0x75: {  	[sflag:s7] =	ssyncset.done $0x0  }
0x76: {  	s10 =	simm.s32 $0x0;
	[sflag:s7] =	ssyncadd.s32 $0xFFFFFE00  }
0x77: {  	s11 =	simm.s32 $0x40;
	v0 =	vld [tilespmem:s10+$0x600]  }
.LBB2_8:
0x78: {  	p0 =	sne.s32 s11, $0x7C0  }
.Ltmp3:
0x79: {  	_ = 	snop;
	(pc) =	sbr.rel @p0 .LBB2_8-.Ltmp3, $3  }
0x7a: {  	_ =	sdelay $0x1  }
0x7b: {  	s12 =	sshra.s32 s11, $0x2;
	s11 =	sadd.s32 $0x40, s11;
	v1 =	vadd.s32 $0x493E0, v0  }
0x7c: {  	v0 =	vld [tilespmem:s12+$0x600];
	[tilespmem:s10+$0x3A00] =	vst v1;
	s10 =	smov.u32 s12  }
0x7d: {  	_ =	sdelay $0x3  }
0x7e: {  	v0 =	vadd.s32 $0x493E0, v0  }
0x7f: {  	s14 =	simm.s32 $0x3A00;
	s11 =	simm.s32 $0x6E00;
	[tilespmem:s10+$0x3A00] =	vst v0  }
0x80: {  	[tilespmem:s11], [sflag:$0x2] =	stream.indirect.gather [hbm4b:s3+s4], $0x1, s14, s4, $0xb8;
	[tilespmem:$0x9E80] =	vst v63  }
0x81: {  	_ =	swait.ge [sflag:s7], $0x200  }
0x82: {  	[sflag:s7] =	ssyncset.done $0x0  }
0x83: {  	s10 =	simm.s32 $0x0;
	[sflag:s7] =	ssyncadd.s32 $0xFFFFFE00  }
0x84: {  	s11 =	simm.s32 $0x40;
	v0 =	vld [tilespmem:s10+$0x800]  }
.LBB2_10:
0x85: {  	p0 =	sne.s32 s11, $0x7C0  }
.Ltmp4:
0x86: {  	_ = 	snop;
	(pc) =	sbr.rel @p0 .LBB2_10-.Ltmp4, $3  }
0x87: {  	_ =	sdelay $0x1  }
0x88: {  	s12 =	sshra.s32 s11, $0x2;
	s11 =	sadd.s32 $0x40, s11;
	v1 =	vadd.s32 $0x61A80, v0  }
0x89: {  	v0 =	vld [tilespmem:s12+$0x800];
	[tilespmem:s10+$0x3C00] =	vst v1;
	s10 =	smov.u32 s12  }
0x8a: {  	_ =	sdelay $0x3  }
0x8b: {  	v0 =	vadd.s32 $0x61A80, v0  }
0x8c: {  	s14 =	simm.s32 $0x3C00;
	s11 =	simm.s32 $0x7000;
	[tilespmem:s10+$0x3C00] =	vst v0  }
0x8d: {  	[tilespmem:s11], [sflag:$0x2] =	stream.indirect.gather [hbm4b:s3+s4], $0x1, s14, s4, $0xb8;
	[tilespmem:$0x9E80] =	vst v63  }
0x8e: {  	_ =	swait.ge [sflag:s7], $0x200  }
0x8f: {  	[sflag:s7] =	ssyncset.done $0x0  }
0x90: {  	s10 =	simm.s32 $0x0;
	[sflag:s7] =	ssyncadd.s32 $0xFFFFFE00  }
0x91: {  	s11 =	simm.s32 $0x40;
	v0 =	vld [tilespmem:s10+$0xA00]  }
.LBB2_12:
0x92: {  	p0 =	sne.s32 s11, $0x7C0  }
.Ltmp5:
0x93: {  	_ = 	snop;
	(pc) =	sbr.rel @p0 .LBB2_12-.Ltmp5, $3  }
0x94: {  	_ =	sdelay $0x1  }
0x95: {  	s12 =	sshra.s32 s11, $0x2;
	s11 =	sadd.s32 $0x40, s11;
	v1 =	vadd.s32 $0x7A120, v0  }
0x96: {  	v0 =	vld [tilespmem:s12+$0xA00];
	[tilespmem:s10+$0x3E00] =	vst v1;
	s10 =	smov.u32 s12  }
0x97: {  	_ =	sdelay $0x3  }
0x98: {  	v0 =	vadd.s32 $0x7A120, v0  }
0x99: {  	s14 =	simm.s32 $0x3E00;
	s11 =	simm.s32 $0x7200;
	[tilespmem:s10+$0x3E00] =	vst v0  }
0x9a: {  	[tilespmem:s11], [sflag:$0x2] =	stream.indirect.gather [hbm4b:s3+s4], $0x1, s14, s4, $0xb8;
	[tilespmem:$0x9E80] =	vst v63  }
0x9b: {  	_ =	swait.ge [sflag:s7], $0x200  }
0x9c: {  	[sflag:s7] =	ssyncset.done $0x0  }
0x9d: {  	s10 =	simm.s32 $0x0;
	[sflag:s7] =	ssyncadd.s32 $0xFFFFFE00  }
0x9e: {  	s11 =	simm.s32 $0x40;
	v0 =	vld [tilespmem:s10+$0xC00]  }
.LBB2_14:
0x9f: {  	p0 =	sne.s32 s11, $0x7C0  }
.Ltmp6:
0xa0: {  	_ = 	snop;
	(pc) =	sbr.rel @p0 .LBB2_14-.Ltmp6, $3  }
0xa1: {  	_ =	sdelay $0x1  }
0xa2: {  	s12 =	sshra.s32 s11, $0x2;
	s11 =	sadd.s32 $0x40, s11;
	v1 =	vadd.s32 $0x927C0, v0  }
0xa3: {  	v0 =	vld [tilespmem:s12+$0xC00];
	[tilespmem:s10+$0x4000] =	vst v1;
	s10 =	smov.u32 s12  }
0xa4: {  	_ =	sdelay $0x3  }
0xa5: {  	v0 =	vadd.s32 $0x927C0, v0  }
0xa6: {  	s14 =	simm.s32 $0x4000;
	s11 =	simm.s32 $0x7400;
	[tilespmem:s10+$0x4000] =	vst v0  }
0xa7: {  	[tilespmem:s11], [sflag:$0x2] =	stream.indirect.gather [hbm4b:s3+s4], $0x1, s14, s4, $0xb8;
	[tilespmem:$0x9E80] =	vst v63  }
0xa8: {  	_ =	swait.ge [sflag:s7], $0x200  }
0xa9: {  	[sflag:s7] =	ssyncset.done $0x0  }
0xaa: {  	s10 =	simm.s32 $0x0;
	[sflag:s7] =	ssyncadd.s32 $0xFFFFFE00  }
0xab: {  	s11 =	simm.s32 $0x40;
	v0 =	vld [tilespmem:s10+$0xE00]  }
.LBB2_16:
0xac: {  	p0 =	sne.s32 s11, $0x7C0  }
.Ltmp7:
0xad: {  	_ = 	snop;
	(pc) =	sbr.rel @p0 .LBB2_16-.Ltmp7, $3  }
0xae: {  	_ =	sdelay $0x1  }
0xaf: {  	s12 =	sshra.s32 s11, $0x2;
	s11 =	sadd.s32 $0x40, s11;
	v1 =	vadd.s32 $0xAAE60, v0  }
0xb0: {  	v0 =	vld [tilespmem:s12+$0xE00];
	[tilespmem:s10+$0x4200] =	vst v1;
	s10 =	smov.u32 s12  }
0xb1: {  	_ =	sdelay $0x3  }
0xb2: {  	v0 =	vadd.s32 $0xAAE60, v0  }
0xb3: {  	s14 =	simm.s32 $0x4200;
	s11 =	simm.s32 $0x7600;
	[tilespmem:s10+$0x4200] =	vst v0  }
0xb4: {  	[tilespmem:s11], [sflag:$0x2] =	stream.indirect.gather [hbm4b:s3+s4], $0x1, s14, s4, $0xb8;
	[tilespmem:$0x9E80] =	vst v63  }
0xb5: {  	_ =	swait.ge [sflag:s7], $0x200  }
0xb6: {  	[sflag:s7] =	ssyncset.done $0x0  }
0xb7: {  	s10 =	simm.s32 $0x0;
	[sflag:s7] =	ssyncadd.s32 $0xFFFFFE00  }
0xb8: {  	s11 =	simm.s32 $0x40;
	v0 =	vld [tilespmem:s10+$0x1000]  }
.LBB2_18:
0xb9: {  	p0 =	sne.s32 s11, $0x7C0  }
.Ltmp8:
0xba: {  	_ = 	snop;
	(pc) =	sbr.rel @p0 .LBB2_18-.Ltmp8, $3  }
0xbb: {  	_ =	sdelay $0x1  }
0xbc: {  	s12 =	sshra.s32 s11, $0x2;
	s11 =	sadd.s32 $0x40, s11;
	v1 =	vadd.s32 $0xC3500, v0  }
0xbd: {  	v0 =	vld [tilespmem:s12+$0x1000];
	[tilespmem:s10+$0x4400] =	vst v1;
	s10 =	smov.u32 s12  }
0xbe: {  	_ =	sdelay $0x3  }
0xbf: {  	v0 =	vadd.s32 $0xC3500, v0  }
0xc0: {  	s14 =	simm.s32 $0x4400;
	s11 =	simm.s32 $0x7800;
	[tilespmem:s10+$0x4400] =	vst v0  }
0xc1: {  	[tilespmem:s11], [sflag:$0x2] =	stream.indirect.gather [hbm4b:s3+s4], $0x1, s14, s4, $0xb8;
	[tilespmem:$0x9E80] =	vst v63  }
0xc2: {  	_ =	swait.ge [sflag:s7], $0x200  }
0xc3: {  	[sflag:s7] =	ssyncset.done $0x0  }
0xc4: {  	s10 =	simm.s32 $0x0;
	[sflag:s7] =	ssyncadd.s32 $0xFFFFFE00  }
0xc5: {  	s11 =	simm.s32 $0x40;
	v0 =	vld [tilespmem:s10+$0x1200]  }
.LBB2_20:
0xc6: {  	p0 =	sne.s32 s11, $0x7C0  }
.Ltmp9:
0xc7: {  	_ = 	snop;
	(pc) =	sbr.rel @p0 .LBB2_20-.Ltmp9, $3  }
0xc8: {  	_ =	sdelay $0x1  }
0xc9: {  	s12 =	sshra.s32 s11, $0x2;
	s11 =	sadd.s32 $0x40, s11;
	v1 =	vadd.s32 $0xDBBA0, v0  }
0xca: {  	v0 =	vld [tilespmem:s12+$0x1200];
	[tilespmem:s10+$0x4600] =	vst v1;
	s10 =	smov.u32 s12  }
0xcb: {  	_ =	sdelay $0x3  }
0xcc: {  	v0 =	vadd.s32 $0xDBBA0, v0  }
0xcd: {  	s14 =	simm.s32 $0x4600;
	s11 =	simm.s32 $0x7A00;
	[tilespmem:s10+$0x4600] =	vst v0  }
0xce: {  	[tilespmem:s11], [sflag:$0x2] =	stream.indirect.gather [hbm4b:s3+s4], $0x1, s14, s4, $0xb8;
	[tilespmem:$0x9E80] =	vst v63  }
0xcf: {  	_ =	swait.ge [sflag:s7], $0x200  }
0xd0: {  	[sflag:s7] =	ssyncset.done $0x0  }
0xd1: {  	s10 =	simm.s32 $0x0;
	[sflag:s7] =	ssyncadd.s32 $0xFFFFFE00  }
0xd2: {  	s11 =	simm.s32 $0x40;
	v0 =	vld [tilespmem:s10+$0x1400]  }
.LBB2_22:
0xd3: {  	p0 =	sne.s32 s11, $0x7C0  }
.Ltmp10:
0xd4: {  	_ = 	snop;
	(pc) =	sbr.rel @p0 .LBB2_22-.Ltmp10, $3  }
0xd5: {  	_ =	sdelay $0x1  }
0xd6: {  	s12 =	sshra.s32 s11, $0x2;
	s11 =	sadd.s32 $0x40, s11;
	v1 =	vadd.s32 $0xF4240, v0  }
0xd7: {  	v0 =	vld [tilespmem:s12+$0x1400];
	[tilespmem:s10+$0x4800] =	vst v1;
	s10 =	smov.u32 s12  }
0xd8: {  	_ =	sdelay $0x3  }
0xd9: {  	v0 =	vadd.s32 $0xF4240, v0  }
0xda: {  	s14 =	simm.s32 $0x4800;
	s11 =	simm.s32 $0x7C00;
	[tilespmem:s10+$0x4800] =	vst v0  }
0xdb: {  	[tilespmem:s11], [sflag:$0x2] =	stream.indirect.gather [hbm4b:s3+s4], $0x1, s14, s4, $0xb8;
	[tilespmem:$0x9E80] =	vst v63  }
0xdc: {  	_ =	swait.ge [sflag:s7], $0x200  }
0xdd: {  	[sflag:s7] =	ssyncset.done $0x0  }
0xde: {  	s10 =	simm.s32 $0x0;
	[sflag:s7] =	ssyncadd.s32 $0xFFFFFE00  }
0xdf: {  	s11 =	simm.s32 $0x40;
	v0 =	vld [tilespmem:s10+$0x1600]  }
.LBB2_24:
0xe0: {  	p0 =	sne.s32 s11, $0x7C0  }
.Ltmp11:
0xe1: {  	_ = 	snop;
	(pc) =	sbr.rel @p0 .LBB2_24-.Ltmp11, $3  }
0xe2: {  	_ =	sdelay $0x1  }
0xe3: {  	s12 =	sshra.s32 s11, $0x2;
	s11 =	sadd.s32 $0x40, s11;
	v1 =	vadd.s32 $0x10C8E0, v0  }
0xe4: {  	v0 =	vld [tilespmem:s12+$0x1600];
	[tilespmem:s10+$0x4A00] =	vst v1;
	s10 =	smov.u32 s12  }
0xe5: {  	_ =	sdelay $0x3  }
0xe6: {  	v0 =	vadd.s32 $0x10C8E0, v0  }
0xe7: {  	s14 =	simm.s32 $0x4A00;
	s11 =	simm.s32 $0x7E00;
	[tilespmem:s10+$0x4A00] =	vst v0  }
0xe8: {  	[tilespmem:s11], [sflag:$0x2] =	stream.indirect.gather [hbm4b:s3+s4], $0x1, s14, s4, $0xb8;
	[tilespmem:$0x9E80] =	vst v63  }
0xe9: {  	_ =	swait.ge [sflag:s7], $0x200  }
0xea: {  	[sflag:s7] =	ssyncset.done $0x0  }
0xeb: {  	s10 =	simm.s32 $0x0;
	[sflag:s7] =	ssyncadd.s32 $0xFFFFFE00  }
0xec: {  	s11 =	simm.s32 $0x40;
	v0 =	vld [tilespmem:s10+$0x1800]  }
.LBB2_26:
0xed: {  	p0 =	sne.s32 s11, $0x7C0  }
.Ltmp12:
0xee: {  	_ = 	snop;
	(pc) =	sbr.rel @p0 .LBB2_26-.Ltmp12, $3  }
0xef: {  	_ =	sdelay $0x1  }
0xf0: {  	s12 =	sshra.s32 s11, $0x2;
	s11 =	sadd.s32 $0x40, s11;
	v1 =	vadd.s32 $0x124F80, v0  }
0xf1: {  	v0 =	vld [tilespmem:s12+$0x1800];
	[tilespmem:s10+$0x4C00] =	vst v1;
	s10 =	smov.u32 s12  }
0xf2: {  	_ =	sdelay $0x3  }
0xf3: {  	v0 =	vadd.s32 $0x124F80, v0  }
0xf4: {  	s14 =	simm.s32 $0x4C00;
	s11 =	simm.s32 $0x8000;
	[tilespmem:s10+$0x4C00] =	vst v0  }
0xf5: {  	[tilespmem:s11], [sflag:$0x2] =	stream.indirect.gather [hbm4b:s3+s4], $0x1, s14, s4, $0xb8;
	[tilespmem:$0x9E80] =	vst v63  }
0xf6: {  	_ =	swait.ge [sflag:s7], $0x200  }
0xf7: {  	[sflag:s7] =	ssyncset.done $0x0  }
0xf8: {  	s10 =	simm.s32 $0x0;
	[sflag:s7] =	ssyncadd.s32 $0xFFFFFE00  }
0xf9: {  	s11 =	simm.s32 $0x40;
	v0 =	vld [tilespmem:s10+$0x1A00]  }
.LBB2_28:
0xfa: {  	p0 =	sne.s32 s11, $0x7C0  }
.Ltmp13:
0xfb: {  	_ = 	snop;
	(pc) =	sbr.rel @p0 .LBB2_28-.Ltmp13, $3  }
0xfc: {  	_ =	sdelay $0x1  }
0xfd: {  	s12 =	sshra.s32 s11, $0x2;
	s11 =	sadd.s32 $0x40, s11;
	v1 =	vadd.s32 $0x13D620, v0  }
0xfe: {  	v0 =	vld [tilespmem:s12+$0x1A00];
	[tilespmem:s10+$0x4E00] =	vst v1;
	s10 =	smov.u32 s12  }
0xff: {  	_ =	sdelay $0x3  }
0x100: {  	v0 =	vadd.s32 $0x13D620, v0  }
0x101: {  	s14 =	simm.s32 $0x4E00;
	s11 =	simm.s32 $0x8200;
	[tilespmem:s10+$0x4E00] =	vst v0  }
0x102: {  	[tilespmem:s11], [sflag:$0x2] =	stream.indirect.gather [hbm4b:s3+s4], $0x1, s14, s4, $0xb8;
	[tilespmem:$0x9E80] =	vst v63  }
0x103: {  	_ =	swait.ge [sflag:s7], $0x200  }
0x104: {  	[sflag:s7] =	ssyncset.done $0x0  }
0x105: {  	s10 =	simm.s32 $0x0;
	[sflag:s7] =	ssyncadd.s32 $0xFFFFFE00  }
0x106: {  	s11 =	simm.s32 $0x40;
	v0 =	vld [tilespmem:s10+$0x1C00]  }
.LBB2_30:
0x107: {  	p0 =	sne.s32 s11, $0x7C0  }
.Ltmp14:
0x108: {  	_ = 	snop;
	(pc) =	sbr.rel @p0 .LBB2_30-.Ltmp14, $3  }
0x109: {  	_ =	sdelay $0x1  }
0x10a: {  	s12 =	sshra.s32 s11, $0x2;
	s11 =	sadd.s32 $0x40, s11;
	v1 =	vadd.s32 $0x155CC0, v0  }
0x10b: {  	v0 =	vld [tilespmem:s12+$0x1C00];
	[tilespmem:s10+$0x5000] =	vst v1;
	s10 =	smov.u32 s12  }
0x10c: {  	_ =	sdelay $0x3  }
0x10d: {  	v0 =	vadd.s32 $0x155CC0, v0  }
0x10e: {  	s14 =	simm.s32 $0x5000;
	s11 =	simm.s32 $0x8400;
	[tilespmem:s10+$0x5000] =	vst v0  }
0x10f: {  	[tilespmem:s11], [sflag:$0x2] =	stream.indirect.gather [hbm4b:s3+s4], $0x1, s14, s4, $0xb8;
	[tilespmem:$0x9E80] =	vst v63  }
0x110: {  	_ =	swait.ge [sflag:s7], $0x200  }
0x111: {  	[sflag:s7] =	ssyncset.done $0x0  }
0x112: {  	s10 =	simm.s32 $0x0;
	[sflag:s7] =	ssyncadd.s32 $0xFFFFFE00  }
0x113: {  	s11 =	simm.s32 $0x40;
	v0 =	vld [tilespmem:s10+$0x1E00]  }
.LBB2_32:
0x114: {  	p0 =	sne.s32 s11, $0x7C0  }
.Ltmp15:
0x115: {  	_ = 	snop;
	(pc) =	sbr.rel @p0 .LBB2_32-.Ltmp15, $3  }
0x116: {  	_ =	sdelay $0x1  }
0x117: {  	s12 =	sshra.s32 s11, $0x2;
	s11 =	sadd.s32 $0x40, s11;
	v1 =	vadd.s32 $0x16E360, v0  }
0x118: {  	v0 =	vld [tilespmem:s12+$0x1E00];
	[tilespmem:s10+$0x5200] =	vst v1;
	s10 =	smov.u32 s12  }
0x119: {  	_ =	sdelay $0x3  }
0x11a: {  	v0 =	vadd.s32 $0x16E360, v0  }
0x11b: {  	s14 =	simm.s32 $0x5200;
	s11 =	simm.s32 $0x8600;
	[tilespmem:s10+$0x5200] =	vst v0  }
0x11c: {  	[tilespmem:s11], [sflag:$0x2] =	stream.indirect.gather [hbm4b:s3+s4], $0x1, s14, s4, $0xb8;
	[tilespmem:$0x9E80] =	vst v63  }
0x11d: {  	_ =	swait.ge [sflag:s7], $0x200  }
0x11e: {  	[sflag:s7] =	ssyncset.done $0x0  }
0x11f: {  	s10 =	simm.s32 $0x0;
	[sflag:s7] =	ssyncadd.s32 $0xFFFFFE00  }
0x120: {  	s11 =	simm.s32 $0x40;
	v0 =	vld [tilespmem:s10+$0x2000]  }
.LBB2_34:
0x121: {  	p0 =	sne.s32 s11, $0x7C0  }
.Ltmp16:
0x122: {  	_ = 	snop;
	(pc) =	sbr.rel @p0 .LBB2_34-.Ltmp16, $3  }
0x123: {  	_ =	sdelay $0x1  }
0x124: {  	s12 =	sshra.s32 s11, $0x2;
	s11 =	sadd.s32 $0x40, s11;
	v1 =	vadd.s32 $0x186A00, v0  }
0x125: {  	v0 =	vld [tilespmem:s12+$0x2000];
	[tilespmem:s10+$0x5400] =	vst v1;
	s10 =	smov.u32 s12  }
0x126: {  	_ =	sdelay $0x3  }
0x127: {  	v0 =	vadd.s32 $0x186A00, v0  }
0x128: {  	s14 =	simm.s32 $0x5400;
	s11 =	simm.s32 $0x8800;
	[tilespmem:s10+$0x5400] =	vst v0  }
0x129: {  	[tilespmem:s11], [sflag:$0x2] =	stream.indirect.gather [hbm4b:s3+s4], $0x1, s14, s4, $0xb8;
	[tilespmem:$0x9E80] =	vst v63  }
0x12a: {  	_ =	swait.ge [sflag:s7], $0x200  }
0x12b: {  	[sflag:s7] =	ssyncset.done $0x0  }
0x12c: {  	s10 =	simm.s32 $0x0;
	[sflag:s7] =	ssyncadd.s32 $0xFFFFFE00  }
0x12d: {  	s11 =	simm.s32 $0x40;
	v0 =	vld [tilespmem:s10+$0x2200]  }
.LBB2_36:
0x12e: {  	p0 =	sne.s32 s11, $0x7C0  }
.Ltmp17:
0x12f: {  	_ = 	snop;
	(pc) =	sbr.rel @p0 .LBB2_36-.Ltmp17, $3  }
0x130: {  	_ =	sdelay $0x1  }
0x131: {  	s12 =	sshra.s32 s11, $0x2;
	s11 =	sadd.s32 $0x40, s11;
	v1 =	vadd.s32 $0x19F0A0, v0  }
0x132: {  	v0 =	vld [tilespmem:s12+$0x2200];
	[tilespmem:s10+$0x5600] =	vst v1;
	s10 =	smov.u32 s12  }
0x133: {  	_ =	sdelay $0x3  }
0x134: {  	v0 =	vadd.s32 $0x19F0A0, v0  }
0x135: {  	s14 =	simm.s32 $0x5600;
	s11 =	simm.s32 $0x8A00;
	[tilespmem:s10+$0x5600] =	vst v0  }
0x136: {  	[tilespmem:s11], [sflag:$0x2] =	stream.indirect.gather [hbm4b:s3+s4], $0x1, s14, s4, $0xb8;
	[tilespmem:$0x9E80] =	vst v63  }
0x137: {  	_ =	swait.ge [sflag:s7], $0x200  }
0x138: {  	[sflag:s7] =	ssyncset.done $0x0  }
0x139: {  	s10 =	simm.s32 $0x0;
	[sflag:s7] =	ssyncadd.s32 $0xFFFFFE00  }
0x13a: {  	s11 =	simm.s32 $0x40;
	v0 =	vld [tilespmem:s10+$0x2400]  }
.LBB2_38:
0x13b: {  	p0 =	sne.s32 s11, $0x7C0  }
.Ltmp18:
0x13c: {  	_ = 	snop;
	(pc) =	sbr.rel @p0 .LBB2_38-.Ltmp18, $3  }
0x13d: {  	_ =	sdelay $0x1  }
0x13e: {  	s12 =	sshra.s32 s11, $0x2;
	s11 =	sadd.s32 $0x40, s11;
	v1 =	vadd.s32 $0x1B7740, v0  }
0x13f: {  	v0 =	vld [tilespmem:s12+$0x2400];
	[tilespmem:s10+$0x5800] =	vst v1;
	s10 =	smov.u32 s12  }
0x140: {  	_ =	sdelay $0x3  }
0x141: {  	v0 =	vadd.s32 $0x1B7740, v0  }
0x142: {  	s14 =	simm.s32 $0x5800;
	s11 =	simm.s32 $0x8C00;
	[tilespmem:s10+$0x5800] =	vst v0  }
0x143: {  	[tilespmem:s11], [sflag:$0x2] =	stream.indirect.gather [hbm4b:s3+s4], $0x1, s14, s4, $0xb8;
	[tilespmem:$0x9E80] =	vst v63  }
0x144: {  	_ =	swait.ge [sflag:s7], $0x200  }
0x145: {  	[sflag:s7] =	ssyncset.done $0x0  }
0x146: {  	s10 =	simm.s32 $0x0;
	[sflag:s7] =	ssyncadd.s32 $0xFFFFFE00  }
0x147: {  	s11 =	simm.s32 $0x40;
	v0 =	vld [tilespmem:s10+$0x2600]  }
.LBB2_40:
0x148: {  	p0 =	sne.s32 s11, $0x7C0  }
.Ltmp19:
0x149: {  	_ = 	snop;
	(pc) =	sbr.rel @p0 .LBB2_40-.Ltmp19, $3  }
0x14a: {  	_ =	sdelay $0x1  }
0x14b: {  	s12 =	sshra.s32 s11, $0x2;
	s11 =	sadd.s32 $0x40, s11;
	v1 =	vadd.s32 $0x1CFDE0, v0  }
0x14c: {  	v0 =	vld [tilespmem:s12+$0x2600];
	[tilespmem:s10+$0x5A00] =	vst v1;
	s10 =	smov.u32 s12  }
0x14d: {  	_ =	sdelay $0x3  }
0x14e: {  	v0 =	vadd.s32 $0x1CFDE0, v0  }
0x14f: {  	s14 =	simm.s32 $0x5A00;
	s11 =	simm.s32 $0x8E00;
	[tilespmem:s10+$0x5A00] =	vst v0  }
0x150: {  	[tilespmem:s11], [sflag:$0x2] =	stream.indirect.gather [hbm4b:s3+s4], $0x1, s14, s4, $0xb8;
	[tilespmem:$0x9E80] =	vst v63  }
0x151: {  	_ =	swait.ge [sflag:s7], $0x200  }
0x152: {  	[sflag:s7] =	ssyncset.done $0x0  }
0x153: {  	s10 =	simm.s32 $0x0;
	[sflag:s7] =	ssyncadd.s32 $0xFFFFFE00  }
0x154: {  	s11 =	simm.s32 $0x40;
	v0 =	vld [tilespmem:s10+$0x2800]  }
.LBB2_42:
0x155: {  	p0 =	sne.s32 s11, $0x7C0  }
.Ltmp20:
0x156: {  	_ = 	snop;
	(pc) =	sbr.rel @p0 .LBB2_42-.Ltmp20, $3  }
0x157: {  	_ =	sdelay $0x1  }
0x158: {  	s12 =	sshra.s32 s11, $0x2;
	s11 =	sadd.s32 $0x40, s11;
	v1 =	vadd.s32 $0x1E8480, v0  }
0x159: {  	v0 =	vld [tilespmem:s12+$0x2800];
	[tilespmem:s10+$0x5C00] =	vst v1;
	s10 =	smov.u32 s12  }
0x15a: {  	_ =	sdelay $0x3  }
0x15b: {  	v0 =	vadd.s32 $0x1E8480, v0  }
0x15c: {  	s14 =	simm.s32 $0x5C00;
	s11 =	simm.s32 $0x9000;
	[tilespmem:s10+$0x5C00] =	vst v0  }
0x15d: {  	[tilespmem:s11], [sflag:$0x2] =	stream.indirect.gather [hbm4b:s3+s4], $0x1, s14, s4, $0xb8;
	[tilespmem:$0x9E80] =	vst v63  }
0x15e: {  	_ =	swait.ge [sflag:s7], $0x200  }
0x15f: {  	[sflag:s7] =	ssyncset.done $0x0  }
0x160: {  	s10 =	simm.s32 $0x0;
	[sflag:s7] =	ssyncadd.s32 $0xFFFFFE00  }
0x161: {  	s11 =	simm.s32 $0x40;
	v0 =	vld [tilespmem:s10+$0x2A00]  }
.LBB2_44:
0x162: {  	p0 =	sne.s32 s11, $0x7C0  }
.Ltmp21:
0x163: {  	_ = 	snop;
	(pc) =	sbr.rel @p0 .LBB2_44-.Ltmp21, $3  }
0x164: {  	_ =	sdelay $0x1  }
0x165: {  	s12 =	sshra.s32 s11, $0x2;
	s11 =	sadd.s32 $0x40, s11;
	v1 =	vadd.s32 $0x200B20, v0  }
0x166: {  	v0 =	vld [tilespmem:s12+$0x2A00];
	[tilespmem:s10+$0x5E00] =	vst v1;
	s10 =	smov.u32 s12  }
0x167: {  	_ =	sdelay $0x3  }
0x168: {  	v0 =	vadd.s32 $0x200B20, v0  }
0x169: {  	s14 =	simm.s32 $0x5E00;
	s11 =	simm.s32 $0x9200;
	[tilespmem:s10+$0x5E00] =	vst v0  }
0x16a: {  	[tilespmem:s11], [sflag:$0x2] =	stream.indirect.gather [hbm4b:s3+s4], $0x1, s14, s4, $0xb8;
	[tilespmem:$0x9E80] =	vst v63  }
0x16b: {  	_ =	swait.ge [sflag:s7], $0x200  }
0x16c: {  	[sflag:s7] =	ssyncset.done $0x0  }
0x16d: {  	s10 =	simm.s32 $0x0;
	[sflag:s7] =	ssyncadd.s32 $0xFFFFFE00  }
0x16e: {  	s11 =	simm.s32 $0x40;
	v0 =	vld [tilespmem:s10+$0x2C00]  }
.LBB2_46:
0x16f: {  	p0 =	sne.s32 s11, $0x7C0  }
.Ltmp22:
0x170: {  	_ = 	snop;
	(pc) =	sbr.rel @p0 .LBB2_46-.Ltmp22, $3  }
0x171: {  	_ =	sdelay $0x1  }
0x172: {  	s12 =	sshra.s32 s11, $0x2;
	s11 =	sadd.s32 $0x40, s11;
	v1 =	vadd.s32 $0x2191C0, v0  }
0x173: {  	v0 =	vld [tilespmem:s12+$0x2C00];
	[tilespmem:s10+$0x6000] =	vst v1;
	s10 =	smov.u32 s12  }
0x174: {  	_ =	sdelay $0x3  }
0x175: {  	v0 =	vadd.s32 $0x2191C0, v0  }
0x176: {  	s14 =	simm.s32 $0x6000;
	s11 =	simm.s32 $0x9400;
	[tilespmem:s10+$0x6000] =	vst v0  }
0x177: {  	[tilespmem:s11], [sflag:$0x2] =	stream.indirect.gather [hbm4b:s3+s4], $0x1, s14, s4, $0xb8;
	[tilespmem:$0x9E80] =	vst v63  }
0x178: {  	_ =	swait.ge [sflag:s7], $0x200  }
0x179: {  	[sflag:s7] =	ssyncset.done $0x0  }
0x17a: {  	s10 =	simm.s32 $0x0;
	[sflag:s7] =	ssyncadd.s32 $0xFFFFFE00  }
0x17b: {  	s11 =	simm.s32 $0x40;
	v0 =	vld [tilespmem:s10+$0x2E00]  }
.LBB2_48:
0x17c: {  	p0 =	sne.s32 s11, $0x7C0  }
.Ltmp23:
0x17d: {  	_ = 	snop;
	(pc) =	sbr.rel @p0 .LBB2_48-.Ltmp23, $3  }
0x17e: {  	_ =	sdelay $0x1  }
0x17f: {  	s12 =	sshra.s32 s11, $0x2;
	s11 =	sadd.s32 $0x40, s11;
	v1 =	vadd.s32 $0x231860, v0  }
0x180: {  	v0 =	vld [tilespmem:s12+$0x2E00];
	[tilespmem:s10+$0x6200] =	vst v1;
	s10 =	smov.u32 s12  }
0x181: {  	_ =	sdelay $0x3  }
0x182: {  	v0 =	vadd.s32 $0x231860, v0  }
0x183: {  	s14 =	simm.s32 $0x6200;
	s11 =	simm.s32 $0x9600;
	[tilespmem:s10+$0x6200] =	vst v0  }
0x184: {  	[tilespmem:s11], [sflag:$0x2] =	stream.indirect.gather [hbm4b:s3+s4], $0x1, s14, s4, $0xb8;
	[tilespmem:$0x9E80] =	vst v63  }
0x185: {  	_ =	swait.ge [sflag:s7], $0x200  }
0x186: {  	[sflag:s7] =	ssyncset.done $0x0  }
0x187: {  	s10 =	simm.s32 $0x0;
	[sflag:s7] =	ssyncadd.s32 $0xFFFFFE00  }
0x188: {  	s11 =	simm.s32 $0x40;
	v0 =	vld [tilespmem:s10+$0x3000]  }
.LBB2_50:
0x189: {  	p0 =	sne.s32 s11, $0x7C0  }
.Ltmp24:
0x18a: {  	_ = 	snop;
	(pc) =	sbr.rel @p0 .LBB2_50-.Ltmp24, $3  }
0x18b: {  	_ =	sdelay $0x1  }
0x18c: {  	s12 =	sshra.s32 s11, $0x2;
	s11 =	sadd.s32 $0x40, s11;
	v1 =	vadd.s32 $0x249F00, v0  }
0x18d: {  	v0 =	vld [tilespmem:s12+$0x3000];
	[tilespmem:s10+$0x6400] =	vst v1;
	s10 =	smov.u32 s12  }
0x18e: {  	_ =	sdelay $0x3  }
0x18f: {  	v0 =	vadd.s32 $0x249F00, v0  }
0x190: {  	s14 =	simm.s32 $0x6400;
	s11 =	simm.s32 $0x9800;
	[tilespmem:s10+$0x6400] =	vst v0  }
0x191: {  	[tilespmem:s11], [sflag:$0x2] =	stream.indirect.gather [hbm4b:s3+s4], $0x1, s14, s4, $0xb8;
	[tilespmem:$0x9E80] =	vst v63  }
0x192: {  	_ =	swait.ge [sflag:s7], $0x200  }
0x193: {  	[sflag:s7] =	ssyncset.done $0x0  }
0x194: {  	s10 =	simm.s32 $0x0;
	[sflag:s7] =	ssyncadd.s32 $0xFFFFFE00  }
0x195: {  	s11 =	simm.s32 $0x40;
	v0 =	vld [tilespmem:s10+$0x3200]  }
.LBB2_52:
0x196: {  	p0 =	sne.s32 s11, $0x7C0  }
.Ltmp25:
0x197: {  	_ = 	snop;
	(pc) =	sbr.rel @p0 .LBB2_52-.Ltmp25, $3  }
0x198: {  	_ =	sdelay $0x1  }
0x199: {  	s12 =	sshra.s32 s11, $0x2;
	s11 =	sadd.s32 $0x40, s11;
	v1 =	vadd.s32 $0x2625A0, v0  }
0x19a: {  	v0 =	vld [tilespmem:s12+$0x3200];
	[tilespmem:s10+$0x6600] =	vst v1;
	s10 =	smov.u32 s12  }
0x19b: {  	_ =	sdelay $0x3  }
0x19c: {  	v0 =	vadd.s32 $0x2625A0, v0  }
0x19d: {  	s14 =	simm.s32 $0x6600;
	s11 =	simm.s32 $0x9A00;
	[tilespmem:s10+$0x6600] =	vst v0  }
0x19e: {  	[tilespmem:s11], [sflag:$0x2] =	stream.indirect.gather [hbm4b:s3+s4], $0x1, s14, s4, $0xb8;
	[tilespmem:$0x9E80] =	vst v63  }
0x19f: {  	_ =	swait.ge [sflag:s8], $0x200  }
0x1a0: {  	[sflag:s8] =	ssyncset.done $0x0  }
0x1a1: {  	[sflag:s8] =	ssyncadd.s32 $0xFFFFFE00  }
0x1a2: {  	_ =	swait.ge [sflag:s8], $0x200  }
0x1a3: {  	[sflag:s8] =	ssyncset.done $0x0  }
0x1a4: {  	[sflag:s8] =	ssyncadd.s32 $0xFFFFFE00  }
0x1a5: {  	_ =	swait.ge [sflag:s8], $0x200  }
0x1a6: {  	[sflag:s8] =	ssyncset.done $0x0  }
0x1a7: {  	[sflag:s8] =	ssyncadd.s32 $0xFFFFFE00  }
0x1a8: {  	_ =	swait.ge [sflag:s8], $0x200  }
0x1a9: {  	[sflag:s8] =	ssyncset.done $0x0  }
0x1aa: {  	[sflag:s8] =	ssyncadd.s32 $0xFFFFFE00  }
0x1ab: {  	_ =	swait.ge [sflag:s8], $0x200  }
0x1ac: {  	[sflag:s8] =	ssyncset.done $0x0  }
0x1ad: {  	[sflag:s8] =	ssyncadd.s32 $0xFFFFFE00  }
0x1ae: {  	_ =	swait.ge [sflag:s8], $0x200  }
0x1af: {  	[sflag:s8] =	ssyncset.done $0x0  }
0x1b0: {  	[sflag:s8] =	ssyncadd.s32 $0xFFFFFE00  }
0x1b1: {  	_ =	swait.ge [sflag:s8], $0x200  }
0x1b2: {  	[sflag:s8] =	ssyncset.done $0x0  }
0x1b3: {  	[sflag:s8] =	ssyncadd.s32 $0xFFFFFE00  }
0x1b4: {  	_ =	swait.ge [sflag:s8], $0x200  }
0x1b5: {  	[sflag:s8] =	ssyncset.done $0x0  }
0x1b6: {  	[sflag:s8] =	ssyncadd.s32 $0xFFFFFE00  }
0x1b7: {  	_ =	swait.ge [sflag:s8], $0x200  }
0x1b8: {  	[sflag:s8] =	ssyncset.done $0x0  }
0x1b9: {  	[sflag:s8] =	ssyncadd.s32 $0xFFFFFE00  }
0x1ba: {  	_ =	swait.ge [sflag:s8], $0x200  }
0x1bb: {  	[sflag:s8] =	ssyncset.done $0x0  }
0x1bc: {  	[sflag:s8] =	ssyncadd.s32 $0xFFFFFE00  }
0x1bd: {  	_ =	swait.ge [sflag:s8], $0x200  }
0x1be: {  	[sflag:s8] =	ssyncset.done $0x0  }
0x1bf: {  	[sflag:s8] =	ssyncadd.s32 $0xFFFFFE00  }
0x1c0: {  	_ =	swait.ge [sflag:s8], $0x200  }
0x1c1: {  	[sflag:s8] =	ssyncset.done $0x0  }
0x1c2: {  	[sflag:s8] =	ssyncadd.s32 $0xFFFFFE00  }
0x1c3: {  	_ =	swait.ge [sflag:s8], $0x200  }
0x1c4: {  	[sflag:s8] =	ssyncset.done $0x0  }
0x1c5: {  	[sflag:s8] =	ssyncadd.s32 $0xFFFFFE00  }
0x1c6: {  	s12 =	simm.s32 $0x6800;
	v0 =	vld [tilespmem:$0x9E00]  }
0x1c7: {  	s13 =	simm.s32 $0x0;
	v1 =	vld [tilespmem:s12+$0x0]  }
0x1c8: {  	s14 =	sand.u32 $0x1F0, s13  }
0x1c9: {  	v2 =	vld [tilespmem:s14+$0x6A00];
	_ =	sdelay $0x1  }
0x1ca: {  	v3 =	vld [tilespmem:s14+$0x6C00]  }
0x1cb: {  	v1 =	vadd.f32 v1, v0  }
0x1cc: {  	v4 =	vld [tilespmem:s14+$0x6E00]  }
0x1cd: {  	v1 =	vadd.f32 v2, v1  }
0x1ce: {  	v2 =	vld [tilespmem:s14+$0x7000]  }
0x1cf: {  	v1 =	vadd.f32 v3, v1  }
0x1d0: {  	v3 =	vld [tilespmem:s14+$0x7200]  }
0x1d1: {  	v1 =	vadd.f32 v4, v1  }
0x1d2: {  	v61 =	vld [tilespmem:s14+$0x7400]  }
0x1d3: {  	v1 =	vadd.f32 v2, v1  }
0x1d4: {  	v2 =	vld [tilespmem:s14+$0x7600]  }
0x1d5: {  	v1 =	vadd.f32 v3, v1  }
0x1d6: {  	v3 =	vld [tilespmem:s14+$0x7800]  }
0x1d7: {  	v1 =	vadd.f32 v61, v1  }
0x1d8: {  	v62 =	vld [tilespmem:s14+$0x7A00]  }
0x1d9: {  	v1 =	vadd.f32 v2, v1  }
0x1da: {  	v2 =	vld [tilespmem:s14+$0x7C00]  }
0x1db: {  	v1 =	vadd.f32 v3, v1  }
0x1dc: {  	v3 =	vld [tilespmem:s14+$0x7E00]  }
0x1dd: {  	v1 =	vadd.f32 v62, v1  }
0x1de: {  	v63 =	vld [tilespmem:s14+$0x8000]  }
0x1df: {  	v1 =	vadd.f32 v2, v1;
	_ =	sdelay $0x1  }
0x1e0: {  	v1 =	vadd.f32 v3, v1;
	_ =	sdelay $0x1  }
0x1e1: {  	v1 =	vadd.f32 v63, v1  }
0x1e2: {  	s10 =	simm.s32 $0x9C00  }
0x1e3: {  	s11 =	simm.s32 $0x6810;
	[tilespmem:s10+$0x0] =	vst v1  }
0x1e4: {  	s13 =	simm.s32 $0x20;
	s12 =	simm.s32 $0x10;
	v1 =	vld [tilespmem:s11+$0x0]  }
.LBB2_54:
0x1e5: {  	p0 =	sne.s32 s13, $0x1F0;
	s14 =	sand.u32 $0x1F0, s12;
	s12 =	smov.u32 s13  }
0x1e6: {  	v2 =	vld [tilespmem:s14+$0x6A00];
	_ =	sdelay $0x1  }
0x1e7: {  	v3 =	vld [tilespmem:s14+$0x6C00]  }
0x1e8: {  	v1 =	vadd.f32 v1, v0  }
0x1e9: {  	v4 =	vld [tilespmem:s14+$0x6E00]  }
0x1ea: {  	v1 =	vadd.f32 v2, v1  }
0x1eb: {  	v2 =	vld [tilespmem:s14+$0x7000]  }
0x1ec: {  	v1 =	vadd.f32 v3, v1  }
0x1ed: {  	v3 =	vld [tilespmem:s14+$0x7200]  }
0x1ee: {  	v1 =	vadd.f32 v4, v1  }
0x1ef: {  	v4 =	vld [tilespmem:s14+$0x7400]  }
0x1f0: {  	v1 =	vadd.f32 v2, v1  }
0x1f1: {  	v2 =	vld [tilespmem:s14+$0x7600]  }
0x1f2: {  	v1 =	vadd.f32 v3, v1  }
0x1f3: {  	v3 =	vld [tilespmem:s14+$0x7800]  }
0x1f4: {  	v1 =	vadd.f32 v4, v1  }
0x1f5: {  	v4 =	vld [tilespmem:s14+$0x7A00]  }
0x1f6: {  	v1 =	vadd.f32 v2, v1  }
0x1f7: {  	v2 =	vld [tilespmem:s14+$0x7C00]  }
0x1f8: {  	v1 =	vadd.f32 v3, v1  }
0x1f9: {  	v3 =	vld [tilespmem:s14+$0x7E00]  }
0x1fa: {  	v1 =	vadd.f32 v4, v1  }
0x1fb: {  	v4 =	vld [tilespmem:s14+$0x8000]  }
0x1fc: {  	v1 =	vadd.f32 v2, v1;
	_ =	sdelay $0x1  }
0x1fd: {  	v1 =	vadd.f32 v3, v1  }
.Ltmp26:
0x1fe: {  	(pc) =	sbr.rel @p0 .LBB2_54-.Ltmp26, $4  }
0x1ff: {  	v1 =	vadd.f32 v4, v1  }
0x200: {  	s10 =	sadd.s32 $0x10, s10  }
0x201: {  	s11 =	sadd.s32 $0x10, s11;
	[tilespmem:s10+$0x0] =	vst v1  }
0x202: {  	s13 =	sadd.s32 $0x10, s13;
	v1 =	vld [tilespmem:s11+$0x0]  }
0x203: {  	s11 =	sand.u32 $0x1F0, s12  }
0x204: {  	v2 =	vld [tilespmem:s11+$0x6A00];
	_ =	sdelay $0x1  }
0x205: {  	v3 =	vld [tilespmem:s11+$0x6C00]  }
0x206: {  	v0 =	vadd.f32 v1, v0  }
0x207: {  	v1 =	vld [tilespmem:s11+$0x6E00]  }
0x208: {  	v0 =	vadd.f32 v2, v0  }
0x209: {  	v2 =	vld [tilespmem:s11+$0x7000]  }
0x20a: {  	v0 =	vadd.f32 v3, v0  }
0x20b: {  	v3 =	vld [tilespmem:s11+$0x7200]  }
0x20c: {  	v0 =	vadd.f32 v1, v0  }
0x20d: {  	v1 =	vld [tilespmem:s11+$0x7400]  }
0x20e: {  	v0 =	vadd.f32 v2, v0  }
0x20f: {  	v2 =	vld [tilespmem:s11+$0x7600]  }
0x210: {  	v0 =	vadd.f32 v3, v0  }
0x211: {  	v3 =	vld [tilespmem:s11+$0x7800]  }
0x212: {  	v0 =	vadd.f32 v1, v0  }
0x213: {  	v1 =	vld [tilespmem:s11+$0x7A00]  }
0x214: {  	v0 =	vadd.f32 v2, v0  }
0x215: {  	v2 =	vld [tilespmem:s11+$0x7C00]  }
0x216: {  	v0 =	vadd.f32 v3, v0  }
0x217: {  	v3 =	vld [tilespmem:s11+$0x7E00]  }
0x218: {  	v0 =	vadd.f32 v1, v0  }
0x219: {  	v1 =	vld [tilespmem:s11+$0x8000]  }
0x21a: {  	v0 =	vadd.f32 v2, v0;
	_ =	sdelay $0x1  }
0x21b: {  	v0 =	vadd.f32 v3, v0;
	_ =	sdelay $0x1  }
0x21c: {  	v0 =	vadd.f32 v1, v0  }
0x21d: {  	s10 =	sadd.s32 $0x10, s10  }
0x21e: {  	[tilespmem:s10+$0x0] =	vst v0  }
0x21f: {  	_ =	swait.ge [sflag:s8], $0x200  }
0x220: {  	[sflag:s8] =	ssyncset.done $0x0  }
0x221: {  	[sflag:s8] =	ssyncadd.s32 $0xFFFFFE00  }
0x222: {  	_ =	swait.ge [sflag:s8], $0x200  }
0x223: {  	[sflag:s8] =	ssyncset.done $0x0  }
0x224: {  	[sflag:s8] =	ssyncadd.s32 $0xFFFFFE00  }
0x225: {  	_ =	swait.ge [sflag:s8], $0x200  }
0x226: {  	[sflag:s8] =	ssyncset.done $0x0  }
0x227: {  	[sflag:s8] =	ssyncadd.s32 $0xFFFFFE00  }
0x228: {  	_ =	swait.ge [sflag:s8], $0x200  }
0x229: {  	[sflag:s8] =	ssyncset.done $0x0  }
0x22a: {  	[sflag:s8] =	ssyncadd.s32 $0xFFFFFE00  }
0x22b: {  	_ =	swait.ge [sflag:s8], $0x200  }
0x22c: {  	[sflag:s8] =	ssyncset.done $0x0  }
0x22d: {  	[sflag:s8] =	ssyncadd.s32 $0xFFFFFE00  }
0x22e: {  	_ =	swait.ge [sflag:s8], $0x200  }
0x22f: {  	[sflag:s8] =	ssyncset.done $0x0  }
0x230: {  	[sflag:s8] =	ssyncadd.s32 $0xFFFFFE00  }
0x231: {  	_ =	swait.ge [sflag:s8], $0x200  }
0x232: {  	[sflag:s8] =	ssyncset.done $0x0  }
0x233: {  	[sflag:s8] =	ssyncadd.s32 $0xFFFFFE00  }
0x234: {  	_ =	swait.ge [sflag:s8], $0x200  }
0x235: {  	[sflag:s8] =	ssyncset.done $0x0  }
0x236: {  	[sflag:s8] =	ssyncadd.s32 $0xFFFFFE00  }
0x237: {  	_ =	swait.ge [sflag:s8], $0x200  }
0x238: {  	[sflag:s8] =	ssyncset.done $0x0  }
0x239: {  	[sflag:s8] =	ssyncadd.s32 $0xFFFFFE00  }
0x23a: {  	_ =	swait.ge [sflag:s8], $0x200  }
0x23b: {  	[sflag:s8] =	ssyncset.done $0x0  }
0x23c: {  	[sflag:s8] =	ssyncadd.s32 $0xFFFFFE00  }
0x23d: {  	_ =	swait.ge [sflag:s8], $0x200  }
0x23e: {  	[sflag:s8] =	ssyncset.done $0x0  }
0x23f: {  	[sflag:s8] =	ssyncadd.s32 $0xFFFFFE00  }
0x240: {  	_ =	swait.ge [sflag:s8], $0x200  }
0x241: {  	[sflag:s8] =	ssyncset.done $0x0  }
0x242: {  	[sflag:s8] =	ssyncadd.s32 $0xFFFFFE00  }
0x243: {  	_ =	swait.ge [sflag:s8], $0x200  }
0x244: {  	s14 =	simm.s32 $0x0;
	[sflag:s8] =	ssyncset.done $0x0  }
0x245: {  	s11 =	sand.u32 $0x1F0, s14;
	[sflag:s8] =	ssyncadd.s32 $0xFFFFFE00  }
0x246: {  	s12 =	simm.s32 $0x10;
	s10 =	simm.s32 $0x9C00;
	v0 =	vld [tilespmem:s11+$0x8200]  }
.LBB2_56:
0x247: {  	p0 =	sne.s32 s12, $0x1F0;
	v1 =	vld [tilespmem:s10+$0x0];
	_ =	sdelay $0x1  }
0x248: {  	v2 =	vld [tilespmem:s11+$0x8400];
	_ =	sdelay $0x1  }
0x249: {  	v3 =	vld [tilespmem:s11+$0x8600]  }
0x24a: {  	v0 =	vadd.f32 v0, v1  }
0x24b: {  	v1 =	vld [tilespmem:s11+$0x8800]  }
0x24c: {  	v0 =	vadd.f32 v2, v0  }
0x24d: {  	v2 =	vld [tilespmem:s11+$0x8A00]  }
0x24e: {  	v0 =	vadd.f32 v3, v0  }
0x24f: {  	v3 =	vld [tilespmem:s11+$0x8C00]  }
0x250: {  	v0 =	vadd.f32 v1, v0  }
0x251: {  	v1 =	vld [tilespmem:s11+$0x8E00]  }
0x252: {  	v0 =	vadd.f32 v2, v0  }
0x253: {  	v2 =	vld [tilespmem:s11+$0x9000]  }
0x254: {  	v0 =	vadd.f32 v3, v0  }
0x255: {  	v3 =	vld [tilespmem:s11+$0x9200]  }
0x256: {  	v0 =	vadd.f32 v1, v0  }
0x257: {  	v1 =	vld [tilespmem:s11+$0x9400]  }
0x258: {  	v0 =	vadd.f32 v2, v0  }
0x259: {  	v2 =	vld [tilespmem:s11+$0x9600]  }
0x25a: {  	v0 =	vadd.f32 v3, v0  }
0x25b: {  	v3 =	vld [tilespmem:s11+$0x9800]  }
0x25c: {  	v0 =	vadd.f32 v1, v0  }
0x25d: {  	v1 =	vld [tilespmem:s11+$0x9A00]  }
0x25e: {  	v0 =	vadd.f32 v2, v0;
	_ =	sdelay $0x1  }
0x25f: {  	v0 =	vadd.f32 v3, v0  }
.Ltmp27:
0x260: {  	(pc) =	sbr.rel @p0 .LBB2_56-.Ltmp27, $3  }
0x261: {  	v0 =	vadd.f32 v1, v0;
	_ =	sdelay $0x1  }
0x262: {  	s11 =	sand.u32 $0x1F0, s12;
	[tilespmem:s10+$0x0] =	vst v0  }
0x263: {  	s12 =	sadd.s32 $0x10, s12;
	s10 =	sadd.s32 $0x10, s10;
	v0 =	vld [tilespmem:s11+$0x8200]  }
0x264: {  	v1 =	vld [tilespmem:s10+$0x0];
	_ =	sdelay $0x1  }
0x265: {  	v2 =	vld [tilespmem:s11+$0x8400];
	_ =	sdelay $0x1  }
0x266: {  	v3 =	vld [tilespmem:s11+$0x8600]  }
0x267: {  	v0 =	vadd.f32 v0, v1  }
0x268: {  	v54 =	vld [tilespmem:s11+$0x8800]  }
0x269: {  	v0 =	vadd.f32 v2, v0  }
0x26a: {  	v55 =	vld [tilespmem:s11+$0x8A00]  }
0x26b: {  	v0 =	vadd.f32 v3, v0  }
0x26c: {  	v56 =	vld [tilespmem:s11+$0x8C00]  }
0x26d: {  	v0 =	vadd.f32 v54, v0  }
0x26e: {  	v57 =	vld [tilespmem:s11+$0x8E00]  }
0x26f: {  	v0 =	vadd.f32 v55, v0  }
0x270: {  	v58 =	vld [tilespmem:s11+$0x9000]  }
0x271: {  	v0 =	vadd.f32 v56, v0  }
0x272: {  	v59 =	vld [tilespmem:s11+$0x9200]  }
0x273: {  	v0 =	vadd.f32 v57, v0  }
0x274: {  	v60 =	vld [tilespmem:s11+$0x9400]  }
0x275: {  	v0 =	vadd.f32 v58, v0  }
0x276: {  	v61 =	vld [tilespmem:s11+$0x9600]  }
0x277: {  	v0 =	vadd.f32 v59, v0  }
0x278: {  	v62 =	vld [tilespmem:s11+$0x9800]  }
0x279: {  	v0 =	vadd.f32 v60, v0  }
0x27a: {  	v63 =	vld [tilespmem:s11+$0x9A00]  }
0x27b: {  	v0 =	vadd.f32 v61, v0;
	_ =	sdelay $0x1  }
0x27c: {  	v0 =	vadd.f32 v62, v0;
	_ =	sdelay $0x1  }
0x27d: {  	s9 =	sadd.s32 $0x1, s9;
	v0 =	vadd.f32 v63, v0  }
0x27e: {  	p0 =	sne.s32 s9, s25  }
.Ltmp28:
0x27f: {  	s14 =	simm.s32 $0x9C00;
	[tilespmem:s10+$0x0] =	vst v0;
	(pc) =	sbr.rel @p0 .LBB2_1-.Ltmp28, $4  }
0x280: {  	[hbm4b:s23+s2] =	stream.linear.scatter [tilespmem:s14], [sflag:$0x3], $0x200, $0x38;
	[tilespmem:$0x9E80] =	vst v63  }
0x281: {  	_ =	swait.ge [sflag:s6], $0x200  }
0x282: {  	[sflag:s6] =	ssyncset.done $0x0  }
0x283: {  	[sflag:s6] =	ssyncadd.s32 $0xFFFFFE00  }
0x284: {  	_ =	sfence.sel $0x180000  }
0x285: {  	[bflag:$0x0] =	sbarrier.arrive $0xFFFF  }
0x286: {  	_ =	strace $0x90000047  }
0x287: {  	s0 =	stileid.u32;
	[bflag:$0x2] =	sbarrier.arrive $0xFFFF  }
0x288: {  	p0 =	sne.s32 s0, $0x0;
	s0 =	rddreg [dreg:$0x2]  }
0x289: {  	s0 =	sadd.s32 @!p0 $0x100000, s0  }
0x28a: {  	[sflag:s0] =	ssyncadd.tile.s32 @!p0 $0x1;
	_ =	shalt  }
.Lfunc_end2:
_tile_overlayer_lowered:
.L_overlay_start_2:
0x28b: {  	(tag) =	ssettag $0x2  }
0x28c: {  	s0 =	rddreg [dreg:$0x0];
	s2 =	stileid.u32  }
0x28d: {  	s1 =	rddreg [dreg:$0x1];
	p0 =	sne.s32 s2, $0x0  }
0x28e: {  	s3 =	rddreg [dreg:$0x2];
	[bflag:$0x3] =	sbarrier.arrive $0xFFFF;
	s2 =	simm.s32 @!p0 $0x1C03  }
0x28f: {  	[timem:s3], [sflag:s2] =	dma.local @!p0 [hbm:s0], s1  }
0x290: {  	s0 =	simm.s32 @!p0 $0x3  }
0x291: {  	_ =	swait.ge @!p0 [sflag:s0], s1  }
0x292: {  	s1 =	ssub.s32 @!p0 $0x0, s1;
	[sflag:s0] =	ssyncset.done @!p0 $0x0  }
0x293: {  	[sflag:s0] =	ssyncadd.s32 @!p0 s1  }
0x294: {  	[bflag:$0x3] =	sbarrier.arrive $0xFFFF  }
0x295: {  	_ =	shalt  }

</sc_bundles>
